<compile_context>
chip_gen: v7x
topology: tpu7x:2x2x1
jax: 0.10.2.dev20260603
libtpu: 0.0.44.dev20260713+nightly
codegen_flags: <defaults>
</compile_context>

<pallas_src>
import functools
import math

import jax
import jax.numpy as jnp
import numpy as np
from jax import lax
from jax.experimental import pallas as pl
from jax.experimental.pallas import tpu as pltpu
from jax.experimental.pallas import tpu_sc as plsc

NLEV = 16
TABLE_SIZE = 262144
TMASK = TABLE_SIZE - 1
NPTS = 262144
NOUT = 2 * NLEV

P1 = np.uint32(2654435761).view(np.int32).item()
P2 = np.uint32(805459861).view(np.int32).item()


def _level_res():
    minres = np.array([16.0, 16.0, 16.0], dtype=np.float64)
    maxres = np.array([512.0, 512.0, 512.0], dtype=np.float64)
    b = np.exp((np.log(maxres) - np.log(minres)) / (NLEV - 1))
    return [int(np.floor(minres * b**l).astype(np.int64)[0]) for l in range(NLEV)]


RES = _level_res()

NW = 32
PPW = NPTS // NW
C = 256
NCHUNK = PPW // C
NG = C // 16
NGW = PPW // 16
TSLICE = TABLE_SIZE // 16

_i32 = jnp.int32
_f32 = jnp.float32


def _iota16():
    return lax.iota(_i32, 16)


def _round_half_even(u):
    t = u + 0.5
    r = t.astype(_i32)
    tie = (r.astype(_f32) == t) & ((r & 1) == 1)
    return jnp.where(tie, r - 1, r)


def _body(coords_hbm, grid_hbm, tables_hbm, res_hbm, out_hbm,
          cv, idx_a, idx_b, w_a, w_b, r0_a, r0_b, r1_a, r1_b,
          o0_a, o0_b, o1_a, o1_b, shared, res_v,
          sg0a, sg1a, sg0b, sg1b, sst0, sst1, sout):
    wid = lax.axis_index("s") * 2 + lax.axis_index("c")
    sid = lax.axis_index("s")
    pbase = wid * PPW

    pltpu.sync_copy(res_hbm, res_v)

    for d in range(3):
        pltpu.sync_copy(coords_hbm.at[pl.ds(d * NPTS + pbase, PPW)],
                        cv.at[pl.ds(d * PPW, PPW)])

    def norm(g, _):
        p = g * 16
        for d in range(3):
            q = d * PPW + p
            cv[pl.ds(q, 16)] = (cv[pl.ds(q, 16)] + 1.0) * 0.5
        return 0

    lax.fori_loop(0, NGW, norm, 0)

    def lvl0_chunk(ch, _):
        cb = ch * C
        r1f = float(RES[0] - 1)

        def g0(g, _):
            p = g * 16
            x = cv[pl.ds(0 * PPW + cb + p, 16)]
            y = cv[pl.ds(1 * PPW + cb + p, 16)]
            z = cv[pl.ds(2 * PPW + cb + p, 16)]
            ix = _round_half_even(x * r1f)
            iy = _round_half_even(y * r1f)
            iz = _round_half_even(z * r1f)
            gi = (ix * (RES[0] * RES[0]) + iy * RES[0] + iz) * 2
            idx_a[pl.ds(p, 16)] = gi
            idx_b[pl.ds(p, 16)] = gi + 1
            return 0

        lax.fori_loop(0, NG, g0, 0)
        d0 = pltpu.async_copy(grid_hbm.at[idx_a.at[pl.ds(0, C)]], o0_a, sg0a)
        d1 = pltpu.async_copy(grid_hbm.at[idx_b.at[pl.ds(0, C)]], o1_a, sg1a)
        d0.wait()
        d1.wait()
        pltpu.sync_copy(o0_a, out_hbm.at[pl.ds(0 * NPTS + pbase + cb, C)])
        pltpu.sync_copy(o1_a, out_hbm.at[pl.ds(1 * NPTS + pbase + cb, C)])
        return 0

    lax.fori_loop(0, NCHUNK, lvl0_chunk, 0)

    def index_gen(l, ch, idx_v, w_v):
        rm1 = res_v[pl.ds(l * 16, 16)] - 1
        rm1f = rm1.astype(_f32)
        cb = ch * C

        def ga(g, _):
            p = g * 16
            x = cv[pl.ds(0 * PPW + cb + p, 16)]
            y = cv[pl.ds(1 * PPW + cb + p, 16)]
            z = cv[pl.ds(2 * PPW + cb + p, 16)]
            ux = x * rm1f
            uy = y * rm1f
            uz = z * rm1f
            fx = ux.astype(_i32)
            fy = uy.astype(_i32)
            fz = uz.astype(_i32)
            wx = ux - fx.astype(_f32)
            wy = uy - fy.astype(_f32)
            wz = uz - fz.astype(_f32)
            x1 = jnp.minimum(fx + 1, rm1)
            y1 = jnp.minimum(fy + 1, rm1)
            z1 = jnp.minimum(fz + 1, rm1)
            hx = (fx, x1)
            hy = (fy * P1, y1 * P1)
            hz = (fz * P2, z1 * P2)
            ox = (1.0 - wx, wx)
            oy = (1.0 - wy, wy)
            oz = (1.0 - wz, wz)
            for ci, (dx, dy, dz) in enumerate(
                    [(a, b, c) for a in (0, 1) for b in (0, 1) for c in (0, 1)]):
                h = (hx[dx] ^ hy[dy] ^ hz[dz]) & TMASK
                wc = (ox[dx] * oy[dy]) * oz[dz]
                idx_v[pl.ds(ci * C + p, 16)] = h
                w_v[pl.ds(ci * C + p, 16)] = wc
            return 0

        lax.fori_loop(0, NG, ga, 0)

    def fire(idx_v, r0_v, r1_v, s0, s1):
        pltpu.async_copy(shared.at[pl.ds(0, TABLE_SIZE)].at[idx_v], r0_v, s0)
        pltpu.async_copy(
            shared.at[pl.ds(TABLE_SIZE, TABLE_SIZE)].at[idx_v], r1_v, s1)

    def drain(idx_v, r0_v, r1_v, s0, s1):
        pltpu.make_async_copy(
            shared.at[pl.ds(0, TABLE_SIZE)].at[idx_v], r0_v, s0).wait()
        pltpu.make_async_copy(
            shared.at[pl.ds(TABLE_SIZE, TABLE_SIZE)].at[idx_v], r1_v, s1).wait()

    def accumulate(l, ch, w_v, r0_v, r1_v, o0_v, o1_v):
        def gc(g, _):
            p = g * 16
            acc0 = jnp.zeros((16,), _f32)
            acc1 = jnp.zeros((16,), _f32)
            for ci in range(8):
                w = w_v[pl.ds(ci * C + p, 16)]
                acc0 = acc0 + w * r0_v[pl.ds(ci * C + p, 16)]
                acc1 = acc1 + w * r1_v[pl.ds(ci * C + p, 16)]
            o0_v[pl.ds(p, 16)] = acc0
            o1_v[pl.ds(p, 16)] = acc1
            return 0

        lax.fori_loop(0, NG, gc, 0)
        cb = ch * C
        do0 = pltpu.async_copy(
            o0_v, out_hbm.at[pl.ds((2 * l) * NPTS + pbase + cb, C)], sout)
        do1 = pltpu.async_copy(
            o1_v, out_hbm.at[pl.ds((2 * l + 1) * NPTS + pbase + cb, C)], sout)
        return do0, do1

    def level_body(l, _):
        plsc.subcore_barrier()
        toff = 2 * (l - 1) * TABLE_SIZE
        st0 = pltpu.async_copy(
            tables_hbm.at[pl.ds(toff + sid * TSLICE, TSLICE)],
            shared.at[pl.ds(sid * TSLICE, TSLICE)], sst0)
        st1 = pltpu.async_copy(
            tables_hbm.at[pl.ds(toff + TABLE_SIZE + sid * TSLICE, TSLICE)],
            shared.at[pl.ds(TABLE_SIZE + sid * TSLICE, TSLICE)], sst1)
        st0.wait()
        st1.wait()
        plsc.subcore_barrier()

        index_gen(l, 0, idx_a, w_a)
        fire(idx_a, r0_a, r1_a, sg0a, sg1a)

        def pair(i, _):
            chA = 2 * i
            index_gen(l, chA + 1, idx_b, w_b)
            drain(idx_a, r0_a, r1_a, sg0a, sg1a)
            fire(idx_b, r0_b, r1_b, sg0b, sg1b)
            oa = accumulate(l, chA, w_a, r0_a, r1_a, o0_a, o1_a)
            index_gen(l, chA + 2, idx_a, w_a)
            drain(idx_b, r0_b, r1_b, sg0b, sg1b)
            fire(idx_a, r0_a, r1_a, sg0a, sg1a)
            ob = accumulate(l, chA + 1, w_b, r0_b, r1_b, o0_b, o1_b)
            oa[0].wait()
            oa[1].wait()
            ob[0].wait()
            ob[1].wait()
            return 0

        lax.fori_loop(0, NCHUNK // 2 - 1, pair, 0)

        index_gen(l, NCHUNK - 1, idx_b, w_b)
        drain(idx_a, r0_a, r1_a, sg0a, sg1a)
        fire(idx_b, r0_b, r1_b, sg0b, sg1b)
        oa = accumulate(l, NCHUNK - 2, w_a, r0_a, r1_a, o0_a, o1_a)
        drain(idx_b, r0_b, r1_b, sg0b, sg1b)
        ob = accumulate(l, NCHUNK - 1, w_b, r0_b, r1_b, o0_b, o1_b)
        oa[0].wait()
        oa[1].wait()
        ob[0].wait()
        ob[1].wait()
        return 0

    lax.fori_loop(1, NLEV, level_body, 0)


@functools.partial(
    pl.kernel,
    out_type=jax.ShapeDtypeStruct((NOUT * NPTS,), _f32),
    mesh=plsc.VectorSubcoreMesh(core_axis_name="c", subcore_axis_name="s"),
    compiler_params=pltpu.CompilerParams(needs_layout_passes=False),
    scratch_types=[
        pltpu.VMEM((3 * PPW,), _f32),
        pltpu.VMEM((8 * C,), _i32),
        pltpu.VMEM((8 * C,), _i32),
        pltpu.VMEM((8 * C,), _f32),
        pltpu.VMEM((8 * C,), _f32),
        pltpu.VMEM((8 * C,), _f32),
        pltpu.VMEM((8 * C,), _f32),
        pltpu.VMEM((8 * C,), _f32),
        pltpu.VMEM((8 * C,), _f32),
        pltpu.VMEM((C,), _f32),
        pltpu.VMEM((C,), _f32),
        pltpu.VMEM((C,), _f32),
        pltpu.VMEM((C,), _f32),
        pltpu.VMEM_SHARED((2 * TABLE_SIZE,), _f32),
        pltpu.VMEM((NLEV * 16,), _i32),
        pltpu.SemaphoreType.DMA,
        pltpu.SemaphoreType.DMA,
        pltpu.SemaphoreType.DMA,
        pltpu.SemaphoreType.DMA,
        pltpu.SemaphoreType.DMA,
        pltpu.SemaphoreType.DMA,
        pltpu.SemaphoreType.DMA,
    ],
)
def _sc_encode(coords_hbm, grid_hbm, tables_hbm, res_hbm, out_hbm, *scratch):
    _body(coords_hbm, grid_hbm, tables_hbm, res_hbm, out_hbm, *scratch)


_RES_ARR = np.repeat(np.asarray(RES, dtype=np.int32), 16)


def kernel(coords, grid0, tables):
    coords_t = coords.T.reshape(-1)
    grid_r = grid0.transpose(1, 2, 3, 0).reshape(-1)
    tables_f = tables.reshape(-1)
    out = _sc_encode(coords_t, grid_r, tables_f, jnp.asarray(_RES_ARR))
    return out.reshape(NOUT, NPTS).T

# --- scband reference (transcript-rebuilt; emitter-appended) ---
"""Pipeline reference for scband-multires-encoding-47785806135527 (READ-ONLY COPY).

The authoritative reference and input builder live on the scoring server;
editing this copy changes nothing except your own understanding.
"""

import jax, jax.numpy as jnp
import numpy as np

NLEVELS = 16
FEATURES = 2
TABLE_SIZE = 262144
MINRES = np.array([16.0, 16.0, 16.0], dtype=np.float64)
MAXRES = np.array([512.0, 512.0, 512.0], dtype=np.float64)
N_PTS = 262144
PRIMES = np.array([1, 2654435761, 805459861], dtype=np.uint32)


def _level_res():
    b = np.exp((np.log(MAXRES) - np.log(MINRES)) / (NLEVELS - 1))
    return [np.floor(MINRES * b ** l).astype(np.int64) for l in range(NLEVELS)]

RES_LEVELS = _level_res()


def setup_inputs(seed: int = 0):
    key = jax.random.key(seed)
    k1, k2, k3 = jax.random.split(key, 3)
    coords = jax.random.uniform(k1, (N_PTS, 3), dtype=jnp.float32, minval=-1.0, maxval=1.0)
    r0 = RES_LEVELS[0]
    grid0 = jax.random.uniform(k2, (FEATURES, int(r0[0]), int(r0[1]), int(r0[2])), dtype=jnp.float32, minval=-1e-4, maxval=1e-4)
    tables = jax.random.uniform(k3, (NLEVELS - 1, FEATURES, TABLE_SIZE), dtype=jnp.float32, minval=-1e-4, maxval=1e-4)
    return {"coords": coords, "grid0": grid0, "tables": tables}


def _dense_level_nearest(grid, coords, res):
    res_i = jnp.asarray(np.asarray(res), dtype=jnp.int32)
    res_f = res_i.astype(coords.dtype)
    u = (coords + 1.0) * 0.5 * (res_f - 1.0)
    idx = jnp.clip(jnp.round(u).astype(jnp.int32), 0, res_i - 1)
    feats = grid[:, idx[:, 0], idx[:, 1], idx[:, 2]]
    return feats.transpose(1, 0)


def _hash_corner(ix, iy, iz):
    h = (ix.astype(jnp.uint32) * PRIMES[0]) ^ (iy.astype(jnp.uint32) * PRIMES[1]) ^ (iz.astype(jnp.uint32) * PRIMES[2])
    return (h % np.uint32(TABLE_SIZE)).astype(jnp.int32)


def _hash_level_linear(table, coords, res):
    res_i = jnp.asarray(np.asarray(res), dtype=jnp.int32)
    res_f = res_i.astype(coords.dtype)
    u = (coords + 1.0) * 0.5 * (res_f - 1.0)
    f = jnp.floor(u)
    w = u - f
    fi = f.astype(jnp.int32)
    out = jnp.zeros((FEATURES, coords.shape[0]), dtype=coords.dtype)
    for dx in (0, 1):
        for dy in (0, 1):
            for dz in (0, 1):
                cx = jnp.clip(fi[:, 0] + dx, 0, res_i[0] - 1)
                cy = jnp.clip(fi[:, 1] + dy, 0, res_i[1] - 1)
                cz = jnp.clip(fi[:, 2] + dz, 0, res_i[2] - 1)
                h = _hash_corner(cx, cy, cz)
                feats = table[:, h]
                wx = w[:, 0] if dx else (1.0 - w[:, 0])
                wy = w[:, 1] if dy else (1.0 - w[:, 1])
                wz = w[:, 2] if dz else (1.0 - w[:, 2])
                out = out + feats * (wx * wy * wz)[None, :]
    return out.transpose(1, 0)


def reference(coords, grid0, tables):
    feats = [_dense_level_nearest(grid0, coords, RES_LEVELS[0])]
    for l in range(1, NLEVELS):
        feats.append(_hash_level_linear(tables[l - 1], coords, RES_LEVELS[l]))
    return jnp.concatenate(feats, axis=-1)

if __name__ == "__main__":
    import jax
    _d = setup_inputs()
    print(jax.jit(kernel)(*tuple(_d.values())))

</pallas_src>

<mosaic_0001>
#map = affine_map<(d0, d1) -> (0)>
module attributes {stable_mosaic.version = 14 : i64} {
  func.func @_sc_encode(%arg0: i32, %arg1: i32, %arg2: memref<786432xf32, #tpu.memory_space<hbm>>, %arg3: memref<8192xf32, #tpu.memory_space<hbm>>, %arg4: memref<7864320xf32, #tpu.memory_space<hbm>>, %arg5: memref<256xi32, #tpu.memory_space<hbm>>, %arg6: memref<8388608xf32, #tpu.memory_space<hbm>>, %arg7: memref<24576xf32, #tpu.memory_space<vmem>>, %arg8: memref<2048xi32, #tpu.memory_space<vmem>>, %arg9: memref<2048xi32, #tpu.memory_space<vmem>>, %arg10: memref<2048xf32, #tpu.memory_space<vmem>>, %arg11: memref<2048xf32, #tpu.memory_space<vmem>>, %arg12: memref<2048xf32, #tpu.memory_space<vmem>>, %arg13: memref<2048xf32, #tpu.memory_space<vmem>>, %arg14: memref<2048xf32, #tpu.memory_space<vmem>>, %arg15: memref<2048xf32, #tpu.memory_space<vmem>>, %arg16: memref<256xf32, #tpu.memory_space<vmem>>, %arg17: memref<256xf32, #tpu.memory_space<vmem>>, %arg18: memref<256xf32, #tpu.memory_space<vmem>>, %arg19: memref<256xf32, #tpu.memory_space<vmem>>, %arg20: memref<524288xf32, #tpu.memory_space<vmem_shared>>, %arg21: memref<256xi32, #tpu.memory_space<vmem>>, %arg22: memref<!tpu.dma_semaphore, #tpu.memory_space<semaphore_mem>>, %arg23: memref<!tpu.dma_semaphore, #tpu.memory_space<semaphore_mem>>, %arg24: memref<!tpu.dma_semaphore, #tpu.memory_space<semaphore_mem>>, %arg25: memref<!tpu.dma_semaphore, #tpu.memory_space<semaphore_mem>>, %arg26: memref<!tpu.dma_semaphore, #tpu.memory_space<semaphore_mem>>, %arg27: memref<!tpu.dma_semaphore, #tpu.memory_space<semaphore_mem>>, %arg28: memref<!tpu.dma_semaphore, #tpu.memory_space<semaphore_mem>>) attributes {dimension_semantics = [#tpu.dimension_semantics<core_parallel>, #tpu.dimension_semantics<subcore_parallel>], iteration_bounds = array<i64: 2, 16>, scalar_prefetch = 0 : i64, scratch_operands = 22 : i64, tpu.core_type = #tpu.core_type<sc_vector_subcore>, window_params = [{transform_indices = #map}, {transform_indices = #map}, {transform_indices = #map}, {transform_indices = #map}, {transform_indices = #map}]} {
    %mul3A = arith.constant 2 : i32
    %mul3A_0 = arith.muli %arg1, %mul3A : i32
    %add3A = arith.addi %mul3A_0, %arg0 : i32
    %mul3A_1 = arith.constant 8192 : i32
    %mul3A_2 = arith.muli %add3A, %mul3A_1 : i32
    "tpu.region"() ({
      %run_scoped3A = tpu.sem_alloc : memref<!tpu.dma_semaphore, #tpu.memory_space<semaphore_mem>>
      tpu.enqueue_dma source(%arg5 : memref<256xi32, #tpu.memory_space<hbm>>) target(%arg21 : memref<256xi32, #tpu.memory_space<vmem>>) target_semaphore(%run_scoped3A : memref<!tpu.dma_semaphore, #tpu.memory_space<semaphore_mem>>)
      tpu.wait_dma2 semaphore(%run_scoped3A : memref<!tpu.dma_semaphore, #tpu.memory_space<semaphore_mem>>) src(%arg5 : memref<256xi32, #tpu.memory_space<hbm>>) dst(%arg21 : memref<256xi32, #tpu.memory_space<vmem>>)
      tpu.yield
    }) : () -> ()
    %add3A_3 = arith.constant 0 : i32
    %add3A_4 = arith.addi %add3A_3, %mul3A_2 : i32
    "tpu.region"() ({
      %run_scoped3A = tpu.sem_alloc : memref<!tpu.dma_semaphore, #tpu.memory_space<semaphore_mem>>
      %dma_start3A = arith.constant 0 : i32
      %dma_start3A_29 = tpu.memref_slice %arg7[%dma_start3A] : memref<24576xf32, #tpu.memory_space<vmem>> -> memref<8192xf32, #tpu.memory_space<vmem>>
      %dma_start3A_30 = tpu.memref_slice %arg2[%add3A_4] : memref<786432xf32, #tpu.memory_space<hbm>> -> memref<8192xf32, #tpu.memory_space<hbm>>
      %dma_start3A_31 = arith.constant 0 : i32
      %dma_start3A_32 = tpu.memref_slice %arg7[%dma_start3A_31] : memref<24576xf32, #tpu.memory_space<vmem>> -> memref<8192xf32, #tpu.memory_space<vmem>>
      %dma_start3A_33 = tpu.memref_slice %arg2[%add3A_4] : memref<786432xf32, #tpu.memory_space<hbm>> -> memref<8192xf32, #tpu.memory_space<hbm>>
      tpu.enqueue_dma source(%dma_start3A_33 : memref<8192xf32, #tpu.memory_space<hbm>>) target(%dma_start3A_32 : memref<8192xf32, #tpu.memory_space<vmem>>) target_semaphore(%run_scoped3A : memref<!tpu.dma_semaphore, #tpu.memory_space<semaphore_mem>>)
      %dma_wait3A = arith.constant 0 : i32
      %dma_wait3A_34 = tpu.memref_slice %arg7[%dma_wait3A] : memref<24576xf32, #tpu.memory_space<vmem>> -> memref<8192xf32, #tpu.memory_space<vmem>>
      %dma_wait3A_35 = tpu.memref_slice %arg2[%add3A_4] : memref<786432xf32, #tpu.memory_space<hbm>> -> memref<8192xf32, #tpu.memory_space<hbm>>
      %dma_wait3A_36 = arith.constant 0 : i32
      %dma_wait3A_37 = tpu.memref_slice %arg7[%dma_wait3A_36] : memref<24576xf32, #tpu.memory_space<vmem>> -> memref<8192xf32, #tpu.memory_space<vmem>>
      %dma_wait3A_38 = tpu.memref_slice %arg2[%add3A_4] : memref<786432xf32, #tpu.memory_space<hbm>> -> memref<8192xf32, #tpu.memory_space<hbm>>
      tpu.wait_dma2 semaphore(%run_scoped3A : memref<!tpu.dma_semaphore, #tpu.memory_space<semaphore_mem>>) src(%dma_wait3A_38 : memref<8192xf32, #tpu.memory_space<hbm>>) dst(%dma_wait3A_37 : memref<8192xf32, #tpu.memory_space<vmem>>)
      tpu.yield
    }) : () -> ()
    %add3A_5 = arith.constant 262144 : i32
    %add3A_6 = arith.addi %add3A_5, %mul3A_2 : i32
    "tpu.region"() ({
      %run_scoped3A = tpu.sem_alloc : memref<!tpu.dma_semaphore, #tpu.memory_space<semaphore_mem>>
      %dma_start3A = arith.constant 8192 : i32
      %dma_start3A_29 = tpu.memref_slice %arg7[%dma_start3A] : memref<24576xf32, #tpu.memory_space<vmem>> -> memref<8192xf32, #tpu.memory_space<vmem>>
      %dma_start3A_30 = tpu.memref_slice %arg2[%add3A_6] : memref<786432xf32, #tpu.memory_space<hbm>> -> memref<8192xf32, #tpu.memory_space<hbm>>
      %dma_start3A_31 = arith.constant 8192 : i32
      %dma_start3A_32 = tpu.memref_slice %arg7[%dma_start3A_31] : memref<24576xf32, #tpu.memory_space<vmem>> -> memref<8192xf32, #tpu.memory_space<vmem>>
      %dma_start3A_33 = tpu.memref_slice %arg2[%add3A_6] : memref<786432xf32, #tpu.memory_space<hbm>> -> memref<8192xf32, #tpu.memory_space<hbm>>
      tpu.enqueue_dma source(%dma_start3A_33 : memref<8192xf32, #tpu.memory_space<hbm>>) target(%dma_start3A_32 : memref<8192xf32, #tpu.memory_space<vmem>>) target_semaphore(%run_scoped3A : memref<!tpu.dma_semaphore, #tpu.memory_space<semaphore_mem>>)
      %dma_wait3A = arith.constant 8192 : i32
      %dma_wait3A_34 = tpu.memref_slice %arg7[%dma_wait3A] : memref<24576xf32, #tpu.memory_space<vmem>> -> memref<8192xf32, #tpu.memory_space<vmem>>
      %dma_wait3A_35 = tpu.memref_slice %arg2[%add3A_6] : memref<786432xf32, #tpu.memory_space<hbm>> -> memref<8192xf32, #tpu.memory_space<hbm>>
      %dma_wait3A_36 = arith.constant 8192 : i32
      %dma_wait3A_37 = tpu.memref_slice %arg7[%dma_wait3A_36] : memref<24576xf32, #tpu.memory_space<vmem>> -> memref<8192xf32, #tpu.memory_space<vmem>>
      %dma_wait3A_38 = tpu.memref_slice %arg2[%add3A_6] : memref<786432xf32, #tpu.memory_space<hbm>> -> memref<8192xf32, #tpu.memory_space<hbm>>
      tpu.wait_dma2 semaphore(%run_scoped3A : memref<!tpu.dma_semaphore, #tpu.memory_space<semaphore_mem>>) src(%dma_wait3A_38 : memref<8192xf32, #tpu.memory_space<hbm>>) dst(%dma_wait3A_37 : memref<8192xf32, #tpu.memory_space<vmem>>)
      tpu.yield
    }) : () -> ()
    %add3A_7 = arith.constant 524288 : i32
    %add3A_8 = arith.addi %add3A_7, %mul3A_2 : i32
    "tpu.region"() ({
      %run_scoped3A = tpu.sem_alloc : memref<!tpu.dma_semaphore, #tpu.memory_space<semaphore_mem>>
      %dma_start3A = arith.constant 16384 : i32
      %dma_start3A_29 = tpu.memref_slice %arg7[%dma_start3A] : memref<24576xf32, #tpu.memory_space<vmem>> -> memref<8192xf32, #tpu.memory_space<vmem>>
      %dma_start3A_30 = tpu.memref_slice %arg2[%add3A_8] : memref<786432xf32, #tpu.memory_space<hbm>> -> memref<8192xf32, #tpu.memory_space<hbm>>
      %dma_start3A_31 = arith.constant 16384 : i32
      %dma_start3A_32 = tpu.memref_slice %arg7[%dma_start3A_31] : memref<24576xf32, #tpu.memory_space<vmem>> -> memref<8192xf32, #tpu.memory_space<vmem>>
      %dma_start3A_33 = tpu.memref_slice %arg2[%add3A_8] : memref<786432xf32, #tpu.memory_space<hbm>> -> memref<8192xf32, #tpu.memory_space<hbm>>
      tpu.enqueue_dma source(%dma_start3A_33 : memref<8192xf32, #tpu.memory_space<hbm>>) target(%dma_start3A_32 : memref<8192xf32, #tpu.memory_space<vmem>>) target_semaphore(%run_scoped3A : memref<!tpu.dma_semaphore, #tpu.memory_space<semaphore_mem>>)
      %dma_wait3A = arith.constant 16384 : i32
      %dma_wait3A_34 = tpu.memref_slice %arg7[%dma_wait3A] : memref<24576xf32, #tpu.memory_space<vmem>> -> memref<8192xf32, #tpu.memory_space<vmem>>
      %dma_wait3A_35 = tpu.memref_slice %arg2[%add3A_8] : memref<786432xf32, #tpu.memory_space<hbm>> -> memref<8192xf32, #tpu.memory_space<hbm>>
      %dma_wait3A_36 = arith.constant 16384 : i32
      %dma_wait3A_37 = tpu.memref_slice %arg7[%dma_wait3A_36] : memref<24576xf32, #tpu.memory_space<vmem>> -> memref<8192xf32, #tpu.memory_space<vmem>>
      %dma_wait3A_38 = tpu.memref_slice %arg2[%add3A_8] : memref<786432xf32, #tpu.memory_space<hbm>> -> memref<8192xf32, #tpu.memory_space<hbm>>
      tpu.wait_dma2 semaphore(%run_scoped3A : memref<!tpu.dma_semaphore, #tpu.memory_space<semaphore_mem>>) src(%dma_wait3A_38 : memref<8192xf32, #tpu.memory_space<hbm>>) dst(%dma_wait3A_37 : memref<8192xf32, #tpu.memory_space<vmem>>)
      tpu.yield
    }) : () -> ()
    %scan3A = arith.constant 0 : i32
    %scan3A_9 = arith.constant 0 : i32
    %scan3A_10 = arith.constant 512 : i32
    %scan3A_11 = arith.addi %scan3A_9, %scan3A_10 : i32
    %scan3A_12 = arith.constant 1 : i32
    %scan3A_13 = scf.for %scan3A_29 = %scan3A_9 to %scan3A_11 step %scan3A_12 iter_args(%scan3A_30 = %scan3A) -> (i32)  : i32 {
      %mul3A_31 = arith.constant 16 : i32
      %mul3A_32 = arith.muli %scan3A_29, %mul3A_31 : i32
      %add3A_33 = arith.constant 0 : i32
      %add3A_34 = arith.addi %add3A_33, %mul3A_32 : i32
      %get3A = arith.index_cast %add3A_34 : i32 to index
      %get3A_35 = tpu.vector_load %arg7[%get3A] {strides = array<i32>} : memref<24576xf32, #tpu.memory_space<vmem>>, vector<16xf32>,
      %add3A_36 = arith.constant 1.000000e+00 : f32
      %add3A_37 = vector.broadcast %add3A_36 : f32 to vector<16xf32>
      %add3A_38 = arith.addf %get3A_35, %add3A_37 : vector<16xf32>
      %mul3A_39 = arith.constant 5.000000e-01 : f32
      %mul3A_40 = vector.broadcast %mul3A_39 : f32 to vector<16xf32>
      %mul3A_41 = arith.mulf %add3A_38, %mul3A_40 : vector<16xf32>
      %swap3A = arith.index_cast %add3A_34 : i32 to index
      %swap3A_42 = tpu.vector_load %arg7[%swap3A] {strides = array<i32>} : memref<24576xf32, #tpu.memory_space<vmem>>, vector<16xf32>,
      tpu.vector_store %arg7[%swap3A], %mul3A_41 {strides = array<i32>} : memref<24576xf32, #tpu.memory_space<vmem>>, vector<16xf32>,
      %add3A_43 = arith.constant 8192 : i32
      %add3A_44 = arith.addi %add3A_43, %mul3A_32 : i32
      %get3A_45 = arith.index_cast %add3A_44 : i32 to index
      %get3A_46 = tpu.vector_load %arg7[%get3A_45] {strides = array<i32>} : memref<24576xf32, #tpu.memory_space<vmem>>, vector<16xf32>,
      %add3A_47 = arith.constant 1.000000e+00 : f32
      %add3A_48 = vector.broadcast %add3A_47 : f32 to vector<16xf32>
      %add3A_49 = arith.addf %get3A_46, %add3A_48 : vector<16xf32>
      %mul3A_50 = arith.constant 5.000000e-01 : f32
      %mul3A_51 = vector.broadcast %mul3A_50 : f32 to vector<16xf32>
      %mul3A_52 = arith.mulf %add3A_49, %mul3A_51 : vector<16xf32>
      %swap3A_53 = arith.index_cast %add3A_44 : i32 to index
      %swap3A_54 = tpu.vector_load %arg7[%swap3A_53] {strides = array<i32>} : memref<24576xf32, #tpu.memory_space<vmem>>, vector<16xf32>,
      tpu.vector_store %arg7[%swap3A_53], %mul3A_52 {strides = array<i32>} : memref<24576xf32, #tpu.memory_space<vmem>>, vector<16xf32>,
      %add3A_55 = arith.constant 16384 : i32
      %add3A_56 = arith.addi %add3A_55, %mul3A_32 : i32
      %get3A_57 = arith.index_cast %add3A_56 : i32 to index
      %get3A_58 = tpu.vector_load %arg7[%get3A_57] {strides = array<i32>} : memref<24576xf32, #tpu.memory_space<vmem>>, vector<16xf32>,
      %add3A_59 = arith.constant 1.000000e+00 : f32
      %add3A_60 = vector.broadcast %add3A_59 : f32 to vector<16xf32>
      %add3A_61 = arith.addf %get3A_58, %add3A_60 : vector<16xf32>
      %mul3A_62 = arith.constant 5.000000e-01 : f32
      %mul3A_63 = vector.broadcast %mul3A_62 : f32 to vector<16xf32>
      %mul3A_64 = arith.mulf %add3A_61, %mul3A_63 : vector<16xf32>
      %swap3A_65 = arith.index_cast %add3A_56 : i32 to index
      %swap3A_66 = tpu.vector_load %arg7[%swap3A_65] {strides = array<i32>} : memref<24576xf32, #tpu.memory_space<vmem>>, vector<16xf32>,
      tpu.vector_store %arg7[%swap3A_65], %mul3A_64 {strides = array<i32>} : memref<24576xf32, #tpu.memory_space<vmem>>, vector<16xf32>,
      %scan3A_67 = arith.constant 0 : i32
      scf.yield %scan3A_67 : i32
    }
    %scan3A_14 = arith.constant 512 : i32
    %scan3A_15 = arith.constant 0 : i32
    %scan3A_16 = arith.constant 0 : i32
    %scan3A_17 = arith.constant 32 : i32
    %scan3A_18 = arith.addi %scan3A_16, %scan3A_17 : i32
    %scan3A_19 = arith.constant 1 : i32
    %scan3A_20 = scf.for %scan3A_29 = %scan3A_16 to %scan3A_18 step %scan3A_19 iter_args(%scan3A_30 = %scan3A_15) -> (i32)  : i32 {
      %mul3A_31 = arith.constant 256 : i32
      %mul3A_32 = arith.muli %scan3A_29, %mul3A_31 : i32
      %scan3A_33 = arith.constant 0 : i32
      %scan3A_34 = arith.constant 0 : i32
      %scan3A_35 = arith.constant 16 : i32
      %scan3A_36 = arith.addi %scan3A_34, %scan3A_35 : i32
      %scan3A_37 = arith.constant 1 : i32
      %scan3A_38 = scf.for %scan3A_61 = %scan3A_34 to %scan3A_36 step %scan3A_37 iter_args(%scan3A_62 = %scan3A_33) -> (i32)  : i32 {
        %mul3A_63 = arith.constant 16 : i32
        %mul3A_64 = arith.muli %scan3A_61, %mul3A_63 : i32
        %add3A_65 = arith.constant 0 : i32
        %add3A_66 = arith.addi %add3A_65, %mul3A_32 : i32
        %add3A_67 = arith.addi %add3A_66, %mul3A_64 : i32
        %get3A = arith.index_cast %add3A_67 : i32 to index
        %get3A_68 = tpu.vector_load %arg7[%get3A] {strides = array<i32>} : memref<24576xf32, #tpu.memory_space<vmem>>, vector<16xf32>,
        %add3A_69 = arith.constant 8192 : i32
        %add3A_70 = arith.addi %add3A_69, %mul3A_32 : i32
        %add3A_71 = arith.addi %add3A_70, %mul3A_64 : i32
        %get3A_72 = arith.index_cast %add3A_71 : i32 to index
        %get3A_73 = tpu.vector_load %arg7[%get3A_72] {strides = array<i32>} : memref<24576xf32, #tpu.memory_space<vmem>>, vector<16xf32>,
        %add3A_74 = arith.constant 16384 : i32
        %add3A_75 = arith.addi %add3A_74, %mul3A_32 : i32
        %add3A_76 = arith.addi %add3A_75, %mul3A_64 : i32
        %get3A_77 = arith.index_cast %add3A_76 : i32 to index
        %get3A_78 = tpu.vector_load %arg7[%get3A_77] {strides = array<i32>} : memref<24576xf32, #tpu.memory_space<vmem>>, vector<16xf32>,
        %mul3A_79 = arith.constant 1.500000e+01 : f32
        %mul3A_80 = vector.broadcast %mul3A_79 : f32 to vector<16xf32>
        %mul3A_81 = arith.mulf %get3A_68, %mul3A_80 : vector<16xf32>
        %add3A_82 = arith.constant 5.000000e-01 : f32
        %add3A_83 = vector.broadcast %add3A_82 : f32 to vector<16xf32>
        %add3A_84 = arith.addf %mul3A_81, %add3A_83 : vector<16xf32>
        %convert_element_type3A = arith.fptosi %add3A_84 : vector<16xf32> to vector<16xi32>
        %convert_element_type3A_85 = arith.sitofp %convert_element_type3A : vector<16xi32> to vector<16xf32>
        %eq3A = arith.cmpf oeq, %convert_element_type3A_85, %add3A_84 : vector<16xf32>
        %and3A = arith.constant 1 : i32
        %and3A_86 = vector.broadcast %and3A : i32 to vector<16xi32>
        %and3A_87 = arith.andi %convert_element_type3A, %and3A_86 : vector<16xi32>
        %eq3A_88 = arith.constant 1 : i32
        %eq3A_89 = vector.broadcast %eq3A_88 : i32 to vector<16xi32>
        %eq3A_90 = arith.cmpi eq, %and3A_87, %eq3A_89 : vector<16xi32>
        %and3A_91 = arith.andi %eq3A, %eq3A_90 : vector<16xi1>
        %sub3A = arith.constant 1 : i32
        %sub3A_92 = vector.broadcast %sub3A : i32 to vector<16xi32>
        %sub3A_93 = arith.subi %convert_element_type3A, %sub3A_92 : vector<16xi32>
        %select_n3A = arith.select %and3A_91, %sub3A_93, %convert_element_type3A : vector<16xi1>, vector<16xi32>
        %mul3A_94 = arith.constant 1.500000e+01 : f32
        %mul3A_95 = vector.broadcast %mul3A_94 : f32 to vector<16xf32>
        %mul3A_96 = arith.mulf %get3A_73, %mul3A_95 : vector<16xf32>
        %add3A_97 = arith.constant 5.000000e-01 : f32
        %add3A_98 = vector.broadcast %add3A_97 : f32 to vector<16xf32>
        %add3A_99 = arith.addf %mul3A_96, %add3A_98 : vector<16xf32>
        %convert_element_type3A_100 = arith.fptosi %add3A_99 : vector<16xf32> to vector<16xi32>
        %convert_element_type3A_101 = arith.sitofp %convert_element_type3A_100 : vector<16xi32> to vector<16xf32>
        %eq3A_102 = arith.cmpf oeq, %convert_element_type3A_101, %add3A_99 : vector<16xf32>
        %and3A_103 = arith.constant 1 : i32
        %and3A_104 = vector.broadcast %and3A_103 : i32 to vector<16xi32>
        %and3A_105 = arith.andi %convert_element_type3A_100, %and3A_104 : vector<16xi32>
        %eq3A_106 = arith.constant 1 : i32
        %eq3A_107 = vector.broadcast %eq3A_106 : i32 to vector<16xi32>
        %eq3A_108 = arith.cmpi eq, %and3A_105, %eq3A_107 : vector<16xi32>
        %and3A_109 = arith.andi %eq3A_102, %eq3A_108 : vector<16xi1>
        %sub3A_110 = arith.constant 1 : i32
        %sub3A_111 = vector.broadcast %sub3A_110 : i32 to vector<16xi32>
        %sub3A_112 = arith.subi %convert_element_type3A_100, %sub3A_111 : vector<16xi32>
        %select_n3A_113 = arith.select %and3A_109, %sub3A_112, %convert_element_type3A_100 : vector<16xi1>, vector<16xi32>
        %mul3A_114 = arith.constant 1.500000e+01 : f32
        %mul3A_115 = vector.broadcast %mul3A_114 : f32 to vector<16xf32>
        %mul3A_116 = arith.mulf %get3A_78, %mul3A_115 : vector<16xf32>
        %add3A_117 = arith.constant 5.000000e-01 : f32
        %add3A_118 = vector.broadcast %add3A_117 : f32 to vector<16xf32>
        %add3A_119 = arith.addf %mul3A_116, %add3A_118 : vector<16xf32>
        %convert_element_type3A_120 = arith.fptosi %add3A_119 : vector<16xf32> to vector<16xi32>
        %convert_element_type3A_121 = arith.sitofp %convert_element_type3A_120 : vector<16xi32> to vector<16xf32>
        %eq3A_122 = arith.cmpf oeq, %convert_element_type3A_121, %add3A_119 : vector<16xf32>
        %and3A_123 = arith.constant 1 : i32
        %and3A_124 = vector.broadcast %and3A_123 : i32 to vector<16xi32>
        %and3A_125 = arith.andi %convert_element_type3A_120, %and3A_124 : vector<16xi32>
        %eq3A_126 = arith.constant 1 : i32
        %eq3A_127 = vector.broadcast %eq3A_126 : i32 to vector<16xi32>
        %eq3A_128 = arith.cmpi eq, %and3A_125, %eq3A_127 : vector<16xi32>
        %and3A_129 = arith.andi %eq3A_122, %eq3A_128 : vector<16xi1>
        %sub3A_130 = arith.constant 1 : i32
        %sub3A_131 = vector.broadcast %sub3A_130 : i32 to vector<16xi32>
        %sub3A_132 = arith.subi %convert_element_type3A_120, %sub3A_131 : vector<16xi32>
        %select_n3A_133 = arith.select %and3A_129, %sub3A_132, %convert_element_type3A_120 : vector<16xi1>, vector<16xi32>
        %mul3A_134 = arith.constant 256 : i32
        %mul3A_135 = vector.broadcast %mul3A_134 : i32 to vector<16xi32>
        %mul3A_136 = arith.muli %select_n3A, %mul3A_135 : vector<16xi32>
        %mul3A_137 = arith.constant 16 : i32
        %mul3A_138 = vector.broadcast %mul3A_137 : i32 to vector<16xi32>
        %mul3A_139 = arith.muli %select_n3A_113, %mul3A_138 : vector<16xi32>
        %add3A_140 = arith.addi %mul3A_136, %mul3A_139 : vector<16xi32>
        %add3A_141 = arith.addi %add3A_140, %select_n3A_133 : vector<16xi32>
        %mul3A_142 = arith.constant 2 : i32
        %mul3A_143 = vector.broadcast %mul3A_142 : i32 to vector<16xi32>
        %mul3A_144 = arith.muli %add3A_141, %mul3A_143 : vector<16xi32>
        %swap3A = arith.index_cast %mul3A_64 : i32 to index
        %swap3A_145 = tpu.vector_load %arg8[%swap3A] {strides = array<i32>} : memref<2048xi32, #tpu.memory_space<vmem>>, vector<16xi32>,
        tpu.vector_store %arg8[%swap3A], %mul3A_144 {strides = array<i32>} : memref<2048xi32, #tpu.memory_space<vmem>>, vector<16xi32>,
        %add3A_146 = arith.constant 1 : i32
        %add3A_147 = vector.broadcast %add3A_146 : i32 to vector<16xi32>
        %add3A_148 = arith.addi %mul3A_144, %add3A_147 : vector<16xi32>
        %swap3A_149 = arith.index_cast %mul3A_64 : i32 to index
        %swap3A_150 = tpu.vector_load %arg9[%swap3A_149] {strides = array<i32>} : memref<2048xi32, #tpu.memory_space<vmem>>, vector<16xi32>,
        tpu.vector_store %arg9[%swap3A_149], %add3A_148 {strides = array<i32>} : memref<2048xi32, #tpu.memory_space<vmem>>, vector<16xi32>,
        %scan3A_151 = arith.constant 0 : i32
        scf.yield %scan3A_151 : i32
      }
      %scan3A_39 = arith.constant 16 : i32
      %dma_start3A = arith.constant 0 : i32
      %dma_start3A_40 = tpu.memref_slice %arg8[%dma_start3A] : memref<2048xi32, #tpu.memory_space<vmem>> -> memref<256xi32, #tpu.memory_space<vmem>>
      %dma_start3A_41 = arith.constant 0 : i32
      %dma_start3A_42 = tpu.memref_slice %arg3[%dma_start3A_41] : memref<8192xf32, #tpu.memory_space<hbm>> -> memref<8192xf32, #tpu.memory_space<hbm>>
      tpu.enqueue_indirect_dma source(%dma_start3A_42 : memref<8192xf32, #tpu.memory_space<hbm>>) target(%arg16 : memref<256xf32, #tpu.memory_space<vmem>>) offsets(%dma_start3A_40 : memref<256xi32, #tpu.memory_space<vmem>>) semaphore(%arg22 : memref<!tpu.dma_semaphore, #tpu.memory_space<semaphore_mem>>)
      %dma_start3A_43 = arith.constant 0 : i32
      %dma_start3A_44 = tpu.memref_slice %arg9[%dma_start3A_43] : memref<2048xi32, #tpu.memory_space<vmem>> -> memref<256xi32, #tpu.memory_space<vmem>>
      %dma_start3A_45 = arith.constant 0 : i32
      %dma_start3A_46 = tpu.memref_slice %arg3[%dma_start3A_45] : memref<8192xf32, #tpu.memory_space<hbm>> -> memref<8192xf32, #tpu.memory_space<hbm>>
      tpu.enqueue_indirect_dma source(%dma_start3A_46 : memref<8192xf32, #tpu.memory_space<hbm>>) target(%arg18 : memref<256xf32, #tpu.memory_space<vmem>>) offsets(%dma_start3A_44 : memref<256xi32, #tpu.memory_space<vmem>>) semaphore(%arg23 : memref<!tpu.dma_semaphore, #tpu.memory_space<semaphore_mem>>)
      %dma_wait3A = arith.constant 0 : i32
      %dma_wait3A_47 = tpu.memref_slice %arg8[%dma_wait3A] : memref<2048xi32, #tpu.memory_space<vmem>> -> memref<256xi32, #tpu.memory_space<vmem>>
      %dma_wait3A_48 = arith.constant 0 : i32
      %dma_wait3A_49 = tpu.memref_slice %arg3[%dma_wait3A_48] : memref<8192xf32, #tpu.memory_space<hbm>> -> memref<8192xf32, #tpu.memory_space<hbm>>
      tpu.wait_indirect_dma semaphore(%arg22 : memref<!tpu.dma_semaphore, #tpu.memory_space<semaphore_mem>>) src(%dma_wait3A_49 : memref<8192xf32, #tpu.memory_space<hbm>>) dst(%arg16 : memref<256xf32, #tpu.memory_space<vmem>>)
      %dma_wait3A_50 = arith.constant 0 : i32
      %dma_wait3A_51 = tpu.memref_slice %arg9[%dma_wait3A_50] : memref<2048xi32, #tpu.memory_space<vmem>> -> memref<256xi32, #tpu.memory_space<vmem>>
      %dma_wait3A_52 = arith.constant 0 : i32
      %dma_wait3A_53 = tpu.memref_slice %arg3[%dma_wait3A_52] : memref<8192xf32, #tpu.memory_space<hbm>> -> memref<8192xf32, #tpu.memory_space<hbm>>
      tpu.wait_indirect_dma semaphore(%arg23 : memref<!tpu.dma_semaphore, #tpu.memory_space<semaphore_mem>>) src(%dma_wait3A_53 : memref<8192xf32, #tpu.memory_space<hbm>>) dst(%arg18 : memref<256xf32, #tpu.memory_space<vmem>>)
      %add3A_54 = arith.constant 0 : i32
      %add3A_55 = arith.addi %add3A_54, %mul3A_2 : i32
      %add3A_56 = arith.addi %add3A_55, %mul3A_32 : i32
      "tpu.region"() ({
        %run_scoped3A = tpu.sem_alloc : memref<!tpu.dma_semaphore, #tpu.memory_space<semaphore_mem>>
        %dma_start3A_61 = tpu.memref_slice %arg6[%add3A_56] : memref<8388608xf32, #tpu.memory_space<hbm>> -> memref<256xf32, #tpu.memory_space<hbm>>
        %dma_start3A_62 = tpu.memref_slice %arg6[%add3A_56] : memref<8388608xf32, #tpu.memory_space<hbm>> -> memref<256xf32, #tpu.memory_space<hbm>>
        tpu.enqueue_dma source(%arg16 : memref<256xf32, #tpu.memory_space<vmem>>) target(%dma_start3A_62 : memref<256xf32, #tpu.memory_space<hbm>>) target_semaphore(%run_scoped3A : memref<!tpu.dma_semaphore, #tpu.memory_space<semaphore_mem>>)
        %dma_wait3A_63 = tpu.memref_slice %arg6[%add3A_56] : memref<8388608xf32, #tpu.memory_space<hbm>> -> memref<256xf32, #tpu.memory_space<hbm>>
        %dma_wait3A_64 = tpu.memref_slice %arg6[%add3A_56] : memref<8388608xf32, #tpu.memory_space<hbm>> -> memref<256xf32, #tpu.memory_space<hbm>>
        tpu.wait_dma2 semaphore(%run_scoped3A : memref<!tpu.dma_semaphore, #tpu.memory_space<semaphore_mem>>) src(%arg16 : memref<256xf32, #tpu.memory_space<vmem>>) dst(%dma_wait3A_64 : memref<256xf32, #tpu.memory_space<hbm>>)
        tpu.yield
      }) : () -> ()
      %add3A_57 = arith.constant 262144 : i32
      %add3A_58 = arith.addi %add3A_57, %mul3A_2 : i32
      %add3A_59 = arith.addi %add3A_58, %mul3A_32 : i32
      "tpu.region"() ({
        %run_scoped3A = tpu.sem_alloc : memref<!tpu.dma_semaphore, #tpu.memory_space<semaphore_mem>>
        %dma_start3A_61 = tpu.memref_slice %arg6[%add3A_59] : memref<8388608xf32, #tpu.memory_space<hbm>> -> memref<256xf32, #tpu.memory_space<hbm>>
        %dma_start3A_62 = tpu.memref_slice %arg6[%add3A_59] : memref<8388608xf32, #tpu.memory_space<hbm>> -> memref<256xf32, #tpu.memory_space<hbm>>
        tpu.enqueue_dma source(%arg18 : memref<256xf32, #tpu.memory_space<vmem>>) target(%dma_start3A_62 : memref<256xf32, #tpu.memory_space<hbm>>) target_semaphore(%run_scoped3A : memref<!tpu.dma_semaphore, #tpu.memory_space<semaphore_mem>>)
        %dma_wait3A_63 = tpu.memref_slice %arg6[%add3A_59] : memref<8388608xf32, #tpu.memory_space<hbm>> -> memref<256xf32, #tpu.memory_space<hbm>>
        %dma_wait3A_64 = tpu.memref_slice %arg6[%add3A_59] : memref<8388608xf32, #tpu.memory_space<hbm>> -> memref<256xf32, #tpu.memory_space<hbm>>
        tpu.wait_dma2 semaphore(%run_scoped3A : memref<!tpu.dma_semaphore, #tpu.memory_space<semaphore_mem>>) src(%arg18 : memref<256xf32, #tpu.memory_space<vmem>>) dst(%dma_wait3A_64 : memref<256xf32, #tpu.memory_space<hbm>>)
        tpu.yield
      }) : () -> ()
      %scan3A_60 = arith.constant 0 : i32
      scf.yield %scan3A_60 : i32
    }
    %scan3A_21 = arith.constant 32 : i32
    %scan3A_22 = arith.constant 0 : i32
    %scan3A_23 = arith.constant 1 : i32
    %scan3A_24 = arith.constant 15 : i32
    %scan3A_25 = arith.addi %scan3A_23, %scan3A_24 : i32
    %scan3A_26 = arith.constant 1 : i32
    %scan3A_27 = scf.for %scan3A_29 = %scan3A_23 to %scan3A_25 step %scan3A_26 iter_args(%scan3A_30 = %scan3A_22) -> (i32)  : i32 {
      %barrier3A = arith.constant 0 : index
      tpu.barrier barrier_id(%barrier3A)
      %sub3A = arith.constant 1 : i32
      %sub3A_31 = arith.subi %scan3A_29, %sub3A : i32
      %mul3A_32 = arith.constant 2 : i32
      %mul3A_33 = arith.muli %mul3A_32, %sub3A_31 : i32
      %mul3A_34 = arith.constant 262144 : i32
      %mul3A_35 = arith.muli %mul3A_33, %mul3A_34 : i32
      %mul3A_36 = arith.constant 16384 : i32
      %mul3A_37 = arith.muli %arg1, %mul3A_36 : i32
      %add3A_38 = arith.addi %mul3A_35, %mul3A_37 : i32
      %mul3A_39 = arith.constant 16384 : i32
      %mul3A_40 = arith.muli %arg1, %mul3A_39 : i32
      %dma_start3A = tpu.memref_slice %arg20[%mul3A_40] : memref<524288xf32, #tpu.memory_space<vmem_shared>> -> memref<16384xf32, #tpu.memory_space<vmem_shared>>
      %dma_start3A_41 = tpu.memref_slice %arg4[%add3A_38] : memref<7864320xf32, #tpu.memory_space<hbm>> -> memref<16384xf32, #tpu.memory_space<hbm>>
      tpu.enqueue_dma source(%dma_start3A_41 : memref<16384xf32, #tpu.memory_space<hbm>>) target(%dma_start3A : memref<16384xf32, #tpu.memory_space<vmem_shared>>) target_semaphore(%arg26 : memref<!tpu.dma_semaphore, #tpu.memory_space<semaphore_mem>>)
      %add3A_42 = arith.constant 262144 : i32
      %add3A_43 = arith.addi %mul3A_35, %add3A_42 : i32
      %mul3A_44 = arith.constant 16384 : i32
      %mul3A_45 = arith.muli %arg1, %mul3A_44 : i32
      %add3A_46 = arith.addi %add3A_43, %mul3A_45 : i32
      %mul3A_47 = arith.constant 16384 : i32
      %mul3A_48 = arith.muli %arg1, %mul3A_47 : i32
      %add3A_49 = arith.constant 262144 : i32
      %add3A_50 = arith.addi %add3A_49, %mul3A_48 : i32
      %dma_start3A_51 = tpu.memref_slice %arg20[%add3A_50] : memref<524288xf32, #tpu.memory_space<vmem_shared>> -> memref<16384xf32, #tpu.memory_space<vmem_shared>>
      %dma_start3A_52 = tpu.memref_slice %arg4[%add3A_46] : memref<7864320xf32, #tpu.memory_space<hbm>> -> memref<16384xf32, #tpu.memory_space<hbm>>
      tpu.enqueue_dma source(%dma_start3A_52 : memref<16384xf32, #tpu.memory_space<hbm>>) target(%dma_start3A_51 : memref<16384xf32, #tpu.memory_space<vmem_shared>>) target_semaphore(%arg27 : memref<!tpu.dma_semaphore, #tpu.memory_space<semaphore_mem>>)
      %dma_wait3A = tpu.memref_slice %arg20[%mul3A_40] : memref<524288xf32, #tpu.memory_space<vmem_shared>> -> memref<16384xf32, #tpu.memory_space<vmem_shared>>
      %dma_wait3A_53 = tpu.memref_slice %arg4[%add3A_38] : memref<7864320xf32, #tpu.memory_space<hbm>> -> memref<16384xf32, #tpu.memory_space<hbm>>
      tpu.wait_dma2 semaphore(%arg26 : memref<!tpu.dma_semaphore, #tpu.memory_space<semaphore_mem>>) src(%dma_wait3A_53 : memref<16384xf32, #tpu.memory_space<hbm>>) dst(%dma_wait3A : memref<16384xf32, #tpu.memory_space<vmem_shared>>)
      %dma_wait3A_54 = tpu.memref_slice %arg20[%add3A_50] : memref<524288xf32, #tpu.memory_space<vmem_shared>> -> memref<16384xf32, #tpu.memory_space<vmem_shared>>
      %dma_wait3A_55 = tpu.memref_slice %arg4[%add3A_46] : memref<7864320xf32, #tpu.memory_space<hbm>> -> memref<16384xf32, #tpu.memory_space<hbm>>
      tpu.wait_dma2 semaphore(%arg27 : memref<!tpu.dma_semaphore, #tpu.memory_space<semaphore_mem>>) src(%dma_wait3A_55 : memref<16384xf32, #tpu.memory_space<hbm>>) dst(%dma_wait3A_54 : memref<16384xf32, #tpu.memory_space<vmem_shared>>)
      %barrier3A_56 = arith.constant 0 : index
      tpu.barrier barrier_id(%barrier3A_56)
      %mul3A_57 = arith.constant 16 : i32
      %mul3A_58 = arith.muli %scan3A_29, %mul3A_57 : i32
      %get3A = arith.index_cast %mul3A_58 : i32 to index
      %get3A_59 = tpu.vector_load %arg21[%get3A] {strides = array<i32>} : memref<256xi32, #tpu.memory_space<vmem>>, vector<16xi32>,
      %sub3A_60 = arith.constant 1 : i32
      %sub3A_61 = vector.broadcast %sub3A_60 : i32 to vector<16xi32>
      %sub3A_62 = arith.subi %get3A_59, %sub3A_61 : vector<16xi32>
      %convert_element_type3A = arith.sitofp %sub3A_62 : vector<16xi32> to vector<16xf32>
      %scan3A_63 = arith.constant 0 : i32
      %scan3A_64 = arith.constant 0 : i32
      %scan3A_65 = arith.constant 16 : i32
      %scan3A_66 = arith.addi %scan3A_64, %scan3A_65 : i32
      %scan3A_67 = arith.constant 1 : i32
      %scan3A_68 = scf.for %scan3A_187 = %scan3A_64 to %scan3A_66 step %scan3A_67 iter_args(%scan3A_188 = %scan3A_63) -> (i32)  : i32 {
        %mul3A_189 = arith.constant 16 : i32
        %mul3A_190 = arith.muli %scan3A_187, %mul3A_189 : i32
        %add3A_191 = arith.constant 0 : i32
        %add3A_192 = arith.addi %add3A_191, %mul3A_190 : i32
        %get3A_193 = arith.index_cast %add3A_192 : i32 to index
        %get3A_194 = tpu.vector_load %arg7[%get3A_193] {strides = array<i32>} : memref<24576xf32, #tpu.memory_space<vmem>>, vector<16xf32>,
        %add3A_195 = arith.constant 8192 : i32
        %add3A_196 = arith.addi %add3A_195, %mul3A_190 : i32
        %get3A_197 = arith.index_cast %add3A_196 : i32 to index
        %get3A_198 = tpu.vector_load %arg7[%get3A_197] {strides = array<i32>} : memref<24576xf32, #tpu.memory_space<vmem>>, vector<16xf32>,
        %add3A_199 = arith.constant 16384 : i32
        %add3A_200 = arith.addi %add3A_199, %mul3A_190 : i32
        %get3A_201 = arith.index_cast %add3A_200 : i32 to index
        %get3A_202 = tpu.vector_load %arg7[%get3A_201] {strides = array<i32>} : memref<24576xf32, #tpu.memory_space<vmem>>, vector<16xf32>,
        %mul3A_203 = arith.mulf %get3A_194, %convert_element_type3A : vector<16xf32>
        %mul3A_204 = arith.mulf %get3A_198, %convert_element_type3A : vector<16xf32>
        %mul3A_205 = arith.mulf %get3A_202, %convert_element_type3A : vector<16xf32>
        %convert_element_type3A_206 = arith.fptosi %mul3A_203 : vector<16xf32> to vector<16xi32>
        %convert_element_type3A_207 = arith.fptosi %mul3A_204 : vector<16xf32> to vector<16xi32>
        %convert_element_type3A_208 = arith.fptosi %mul3A_205 : vector<16xf32> to vector<16xi32>
        %convert_element_type3A_209 = arith.sitofp %convert_element_type3A_206 : vector<16xi32> to vector<16xf32>
        %sub3A_210 = arith.subf %mul3A_203, %convert_element_type3A_209 : vector<16xf32>
        %convert_element_type3A_211 = arith.sitofp %convert_element_type3A_207 : vector<16xi32> to vector<16xf32>
        %sub3A_212 = arith.subf %mul3A_204, %convert_element_type3A_211 : vector<16xf32>
        %convert_element_type3A_213 = arith.sitofp %convert_element_type3A_208 : vector<16xi32> to vector<16xf32>
        %sub3A_214 = arith.subf %mul3A_205, %convert_element_type3A_213 : vector<16xf32>
        %add3A_215 = arith.constant 1 : i32
        %add3A_216 = vector.broadcast %add3A_215 : i32 to vector<16xi32>
        %add3A_217 = arith.addi %convert_element_type3A_206, %add3A_216 : vector<16xi32>
        %min3A = arith.minsi %add3A_217, %sub3A_62 : vector<16xi32>
        %add3A_218 = arith.constant 1 : i32
        %add3A_219 = vector.broadcast %add3A_218 : i32 to vector<16xi32>
        %add3A_220 = arith.addi %convert_element_type3A_207, %add3A_219 : vector<16xi32>
        %min3A_221 = arith.minsi %add3A_220, %sub3A_62 : vector<16xi32>
        %add3A_222 = arith.constant 1 : i32
        %add3A_223 = vector.broadcast %add3A_222 : i32 to vector<16xi32>
        %add3A_224 = arith.addi %convert_element_type3A_208, %add3A_223 : vector<16xi32>
        %min3A_225 = arith.minsi %add3A_224, %sub3A_62 : vector<16xi32>
        %mul3A_226 = arith.constant -1640531535 : i32
        %mul3A_227 = vector.broadcast %mul3A_226 : i32 to vector<16xi32>
        %mul3A_228 = arith.muli %convert_element_type3A_207, %mul3A_227 : vector<16xi32>
        %mul3A_229 = arith.constant -1640531535 : i32
        %mul3A_230 = vector.broadcast %mul3A_229 : i32 to vector<16xi32>
        %mul3A_231 = arith.muli %min3A_221, %mul3A_230 : vector<16xi32>
        %mul3A_232 = arith.constant 805459861 : i32
        %mul3A_233 = vector.broadcast %mul3A_232 : i32 to vector<16xi32>
        %mul3A_234 = arith.muli %convert_element_type3A_208, %mul3A_233 : vector<16xi32>
        %mul3A_235 = arith.constant 805459861 : i32
        %mul3A_236 = vector.broadcast %mul3A_235 : i32 to vector<16xi32>
        %mul3A_237 = arith.muli %min3A_225, %mul3A_236 : vector<16xi32>
        %sub3A_238 = arith.constant 1.000000e+00 : f32
        %sub3A_239 = vector.broadcast %sub3A_238 : f32 to vector<16xf32>
        %sub3A_240 = arith.subf %sub3A_239, %sub3A_210 : vector<16xf32>
        %sub3A_241 = arith.constant 1.000000e+00 : f32
        %sub3A_242 = vector.broadcast %sub3A_241 : f32 to vector<16xf32>
        %sub3A_243 = arith.subf %sub3A_242, %sub3A_212 : vector<16xf32>
        %sub3A_244 = arith.constant 1.000000e+00 : f32
        %sub3A_245 = vector.broadcast %sub3A_244 : f32 to vector<16xf32>
        %sub3A_246 = arith.subf %sub3A_245, %sub3A_214 : vector<16xf32>
        %xor3A = arith.xori %convert_element_type3A_206, %mul3A_228 : vector<16xi32>
        %xor3A_247 = arith.xori %xor3A, %mul3A_234 : vector<16xi32>
        %and3A = arith.constant 262143 : i32
        %and3A_248 = vector.broadcast %and3A : i32 to vector<16xi32>
        %and3A_249 = arith.andi %xor3A_247, %and3A_248 : vector<16xi32>
        %mul3A_250 = arith.mulf %sub3A_240, %sub3A_243 : vector<16xf32>
        %mul3A_251 = arith.mulf %mul3A_250, %sub3A_246 : vector<16xf32>
        %add3A_252 = arith.constant 0 : i32
        %add3A_253 = arith.addi %add3A_252, %mul3A_190 : i32
        %swap3A = arith.index_cast %add3A_253 : i32 to index
        %swap3A_254 = tpu.vector_load %arg8[%swap3A] {strides = array<i32>} : memref<2048xi32, #tpu.memory_space<vmem>>, vector<16xi32>,
        tpu.vector_store %arg8[%swap3A], %and3A_249 {strides = array<i32>} : memref<2048xi32, #tpu.memory_space<vmem>>, vector<16xi32>,
        %add3A_255 = arith.constant 0 : i32
        %add3A_256 = arith.addi %add3A_255, %mul3A_190 : i32
        %swap3A_257 = arith.index_cast %add3A_256 : i32 to index
        %swap3A_258 = tpu.vector_load %arg10[%swap3A_257] {strides = array<i32>} : memref<2048xf32, #tpu.memory_space<vmem>>, vector<16xf32>,
        tpu.vector_store %arg10[%swap3A_257], %mul3A_251 {strides = array<i32>} : memref<2048xf32, #tpu.memory_space<vmem>>, vector<16xf32>,
        %xor3A_259 = arith.xori %convert_element_type3A_206, %mul3A_228 : vector<16xi32>
        %xor3A_260 = arith.xori %xor3A_259, %mul3A_237 : vector<16xi32>
        %and3A_261 = arith.constant 262143 : i32
        %and3A_262 = vector.broadcast %and3A_261 : i32 to vector<16xi32>
        %and3A_263 = arith.andi %xor3A_260, %and3A_262 : vector<16xi32>
        %mul3A_264 = arith.mulf %sub3A_240, %sub3A_243 : vector<16xf32>
        %mul3A_265 = arith.mulf %mul3A_264, %sub3A_214 : vector<16xf32>
        %add3A_266 = arith.constant 256 : i32
        %add3A_267 = arith.addi %add3A_266, %mul3A_190 : i32
        %swap3A_268 = arith.index_cast %add3A_267 : i32 to index
        %swap3A_269 = tpu.vector_load %arg8[%swap3A_268] {strides = array<i32>} : memref<2048xi32, #tpu.memory_space<vmem>>, vector<16xi32>,
        tpu.vector_store %arg8[%swap3A_268], %and3A_263 {strides = array<i32>} : memref<2048xi32, #tpu.memory_space<vmem>>, vector<16xi32>,
        %add3A_270 = arith.constant 256 : i32
        %add3A_271 = arith.addi %add3A_270, %mul3A_190 : i32
        %swap3A_272 = arith.index_cast %add3A_271 : i32 to index
        %swap3A_273 = tpu.vector_load %arg10[%swap3A_272] {strides = array<i32>} : memref<2048xf32, #tpu.memory_space<vmem>>, vector<16xf32>,
        tpu.vector_store %arg10[%swap3A_272], %mul3A_265 {strides = array<i32>} : memref<2048xf32, #tpu.memory_space<vmem>>, vector<16xf32>,
        %xor3A_274 = arith.xori %convert_element_type3A_206, %mul3A_231 : vector<16xi32>
        %xor3A_275 = arith.xori %xor3A_274, %mul3A_234 : vector<16xi32>
        %and3A_276 = arith.constant 262143 : i32
        %and3A_277 = vector.broadcast %and3A_276 : i32 to vector<16xi32>
        %and3A_278 = arith.andi %xor3A_275, %and3A_277 : vector<16xi32>
        %mul3A_279 = arith.mulf %sub3A_240, %sub3A_212 : vector<16xf32>
        %mul3A_280 = arith.mulf %mul3A_279, %sub3A_246 : vector<16xf32>
        %add3A_281 = arith.constant 512 : i32
        %add3A_282 = arith.addi %add3A_281, %mul3A_190 : i32
        %swap3A_283 = arith.index_cast %add3A_282 : i32 to index
        %swap3A_284 = tpu.vector_load %arg8[%swap3A_283] {strides = array<i32>} : memref<2048xi32, #tpu.memory_space<vmem>>, vector<16xi32>,
        tpu.vector_store %arg8[%swap3A_283], %and3A_278 {strides = array<i32>} : memref<2048xi32, #tpu.memory_space<vmem>>, vector<16xi32>,
        %add3A_285 = arith.constant 512 : i32
        %add3A_286 = arith.addi %add3A_285, %mul3A_190 : i32
        %swap3A_287 = arith.index_cast %add3A_286 : i32 to index
        %swap3A_288 = tpu.vector_load %arg10[%swap3A_287] {strides = array<i32>} : memref<2048xf32, #tpu.memory_space<vmem>>, vector<16xf32>,
        tpu.vector_store %arg10[%swap3A_287], %mul3A_280 {strides = array<i32>} : memref<2048xf32, #tpu.memory_space<vmem>>, vector<16xf32>,
        %xor3A_289 = arith.xori %convert_element_type3A_206, %mul3A_231 : vector<16xi32>
        %xor3A_290 = arith.xori %xor3A_289, %mul3A_237 : vector<16xi32>
        %and3A_291 = arith.constant 262143 : i32
        %and3A_292 = vector.broadcast %and3A_291 : i32 to vector<16xi32>
        %and3A_293 = arith.andi %xor3A_290, %and3A_292 : vector<16xi32>
        %mul3A_294 = arith.mulf %sub3A_240, %sub3A_212 : vector<16xf32>
        %mul3A_295 = arith.mulf %mul3A_294, %sub3A_214 : vector<16xf32>
        %add3A_296 = arith.constant 768 : i32
        %add3A_297 = arith.addi %add3A_296, %mul3A_190 : i32
        %swap3A_298 = arith.index_cast %add3A_297 : i32 to index
        %swap3A_299 = tpu.vector_load %arg8[%swap3A_298] {strides = array<i32>} : memref<2048xi32, #tpu.memory_space<vmem>>, vector<16xi32>,
        tpu.vector_store %arg8[%swap3A_298], %and3A_293 {strides = array<i32>} : memref<2048xi32, #tpu.memory_space<vmem>>, vector<16xi32>,
        %add3A_300 = arith.constant 768 : i32
        %add3A_301 = arith.addi %add3A_300, %mul3A_190 : i32
        %swap3A_302 = arith.index_cast %add3A_301 : i32 to index
        %swap3A_303 = tpu.vector_load %arg10[%swap3A_302] {strides = array<i32>} : memref<2048xf32, #tpu.memory_space<vmem>>, vector<16xf32>,
        tpu.vector_store %arg10[%swap3A_302], %mul3A_295 {strides = array<i32>} : memref<2048xf32, #tpu.memory_space<vmem>>, vector<16xf32>,
        %xor3A_304 = arith.xori %min3A, %mul3A_228 : vector<16xi32>
        %xor3A_305 = arith.xori %xor3A_304, %mul3A_234 : vector<16xi32>
        %and3A_306 = arith.constant 262143 : i32
        %and3A_307 = vector.broadcast %and3A_306 : i32 to vector<16xi32>
        %and3A_308 = arith.andi %xor3A_305, %and3A_307 : vector<16xi32>
        %mul3A_309 = arith.mulf %sub3A_210, %sub3A_243 : vector<16xf32>
        %mul3A_310 = arith.mulf %mul3A_309, %sub3A_246 : vector<16xf32>
        %add3A_311 = arith.constant 1024 : i32
        %add3A_312 = arith.addi %add3A_311, %mul3A_190 : i32
        %swap3A_313 = arith.index_cast %add3A_312 : i32 to index
        %swap3A_314 = tpu.vector_load %arg8[%swap3A_313] {strides = array<i32>} : memref<2048xi32, #tpu.memory_space<vmem>>, vector<16xi32>,
        tpu.vector_store %arg8[%swap3A_313], %and3A_308 {strides = array<i32>} : memref<2048xi32, #tpu.memory_space<vmem>>, vector<16xi32>,
        %add3A_315 = arith.constant 1024 : i32
        %add3A_316 = arith.addi %add3A_315, %mul3A_190 : i32
        %swap3A_317 = arith.index_cast %add3A_316 : i32 to index
        %swap3A_318 = tpu.vector_load %arg10[%swap3A_317] {strides = array<i32>} : memref<2048xf32, #tpu.memory_space<vmem>>, vector<16xf32>,
        tpu.vector_store %arg10[%swap3A_317], %mul3A_310 {strides = array<i32>} : memref<2048xf32, #tpu.memory_space<vmem>>, vector<16xf32>,
        %xor3A_319 = arith.xori %min3A, %mul3A_228 : vector<16xi32>
        %xor3A_320 = arith.xori %xor3A_319, %mul3A_237 : vector<16xi32>
        %and3A_321 = arith.constant 262143 : i32
        %and3A_322 = vector.broadcast %and3A_321 : i32 to vector<16xi32>
        %and3A_323 = arith.andi %xor3A_320, %and3A_322 : vector<16xi32>
        %mul3A_324 = arith.mulf %sub3A_210, %sub3A_243 : vector<16xf32>
        %mul3A_325 = arith.mulf %mul3A_324, %sub3A_214 : vector<16xf32>
        %add3A_326 = arith.constant 1280 : i32
        %add3A_327 = arith.addi %add3A_326, %mul3A_190 : i32
        %swap3A_328 = arith.index_cast %add3A_327 : i32 to index
        %swap3A_329 = tpu.vector_load %arg8[%swap3A_328] {strides = array<i32>} : memref<2048xi32, #tpu.memory_space<vmem>>, vector<16xi32>,
        tpu.vector_store %arg8[%swap3A_328], %and3A_323 {strides = array<i32>} : memref<2048xi32, #tpu.memory_space<vmem>>, vector<16xi32>,
        %add3A_330 = arith.constant 1280 : i32
        %add3A_331 = arith.addi %add3A_330, %mul3A_190 : i32
        %swap3A_332 = arith.index_cast %add3A_331 : i32 to index
        %swap3A_333 = tpu.vector_load %arg10[%swap3A_332] {strides = array<i32>} : memref<2048xf32, #tpu.memory_space<vmem>>, vector<16xf32>,
        tpu.vector_store %arg10[%swap3A_332], %mul3A_325 {strides = array<i32>} : memref<2048xf32, #tpu.memory_space<vmem>>, vector<16xf32>,
        %xor3A_334 = arith.xori %min3A, %mul3A_231 : vector<16xi32>
        %xor3A_335 = arith.xori %xor3A_334, %mul3A_234 : vector<16xi32>
        %and3A_336 = arith.constant 262143 : i32
        %and3A_337 = vector.broadcast %and3A_336 : i32 to vector<16xi32>
        %and3A_338 = arith.andi %xor3A_335, %and3A_337 : vector<16xi32>
        %mul3A_339 = arith.mulf %sub3A_210, %sub3A_212 : vector<16xf32>
        %mul3A_340 = arith.mulf %mul3A_339, %sub3A_246 : vector<16xf32>
        %add3A_341 = arith.constant 1536 : i32
        %add3A_342 = arith.addi %add3A_341, %mul3A_190 : i32
        %swap3A_343 = arith.index_cast %add3A_342 : i32 to index
        %swap3A_344 = tpu.vector_load %arg8[%swap3A_343] {strides = array<i32>} : memref<2048xi32, #tpu.memory_space<vmem>>, vector<16xi32>,
        tpu.vector_store %arg8[%swap3A_343], %and3A_338 {strides = array<i32>} : memref<2048xi32, #tpu.memory_space<vmem>>, vector<16xi32>,
        %add3A_345 = arith.constant 1536 : i32
        %add3A_346 = arith.addi %add3A_345, %mul3A_190 : i32
        %swap3A_347 = arith.index_cast %add3A_346 : i32 to index
        %swap3A_348 = tpu.vector_load %arg10[%swap3A_347] {strides = array<i32>} : memref<2048xf32, #tpu.memory_space<vmem>>, vector<16xf32>,
        tpu.vector_store %arg10[%swap3A_347], %mul3A_340 {strides = array<i32>} : memref<2048xf32, #tpu.memory_space<vmem>>, vector<16xf32>,
        %xor3A_349 = arith.xori %min3A, %mul3A_231 : vector<16xi32>
        %xor3A_350 = arith.xori %xor3A_349, %mul3A_237 : vector<16xi32>
        %and3A_351 = arith.constant 262143 : i32
        %and3A_352 = vector.broadcast %and3A_351 : i32 to vector<16xi32>
        %and3A_353 = arith.andi %xor3A_350, %and3A_352 : vector<16xi32>
        %mul3A_354 = arith.mulf %sub3A_210, %sub3A_212 : vector<16xf32>
        %mul3A_355 = arith.mulf %mul3A_354, %sub3A_214 : vector<16xf32>
        %add3A_356 = arith.constant 1792 : i32
        %add3A_357 = arith.addi %add3A_356, %mul3A_190 : i32
        %swap3A_358 = arith.index_cast %add3A_357 : i32 to index
        %swap3A_359 = tpu.vector_load %arg8[%swap3A_358] {strides = array<i32>} : memref<2048xi32, #tpu.memory_space<vmem>>, vector<16xi32>,
        tpu.vector_store %arg8[%swap3A_358], %and3A_353 {strides = array<i32>} : memref<2048xi32, #tpu.memory_space<vmem>>, vector<16xi32>,
        %add3A_360 = arith.constant 1792 : i32
        %add3A_361 = arith.addi %add3A_360, %mul3A_190 : i32
        %swap3A_362 = arith.index_cast %add3A_361 : i32 to index
        %swap3A_363 = tpu.vector_load %arg10[%swap3A_362] {strides = array<i32>} : memref<2048xf32, #tpu.memory_space<vmem>>, vector<16xf32>,
        tpu.vector_store %arg10[%swap3A_362], %mul3A_355 {strides = array<i32>} : memref<2048xf32, #tpu.memory_space<vmem>>, vector<16xf32>,
        %scan3A_364 = arith.constant 0 : i32
        scf.yield %scan3A_364 : i32
      }
      %scan3A_69 = arith.constant 16 : i32
      %dma_start3A_70 = arith.constant 0 : i32
      %dma_start3A_71 = tpu.memref_slice %arg20[%dma_start3A_70] : memref<524288xf32, #tpu.memory_space<vmem_shared>> -> memref<262144xf32, #tpu.memory_space<vmem_shared>>
      %dma_start3A_72 = arith.constant 0 : i32
      %dma_start3A_73 = tpu.memref_slice %dma_start3A_71[%dma_start3A_72] : memref<262144xf32, #tpu.memory_space<vmem_shared>> -> memref<262144xf32, #tpu.memory_space<vmem_shared>>
      tpu.enqueue_indirect_dma source(%dma_start3A_73 : memref<262144xf32, #tpu.memory_space<vmem_shared>>) target(%arg12 : memref<2048xf32, #tpu.memory_space<vmem>>) offsets(%arg8 : memref<2048xi32, #tpu.memory_space<vmem>>) semaphore(%arg22 : memref<!tpu.dma_semaphore, #tpu.memory_space<semaphore_mem>>)
      %dma_start3A_74 = arith.constant 262144 : i32
      %dma_start3A_75 = tpu.memref_slice %arg20[%dma_start3A_74] : memref<524288xf32, #tpu.memory_space<vmem_shared>> -> memref<262144xf32, #tpu.memory_space<vmem_shared>>
      %dma_start3A_76 = arith.constant 0 : i32
      %dma_start3A_77 = tpu.memref_slice %dma_start3A_75[%dma_start3A_76] : memref<262144xf32, #tpu.memory_space<vmem_shared>> -> memref<262144xf32, #tpu.memory_space<vmem_shared>>
      tpu.enqueue_indirect_dma source(%dma_start3A_77 : memref<262144xf32, #tpu.memory_space<vmem_shared>>) target(%arg14 : memref<2048xf32, #tpu.memory_space<vmem>>) offsets(%arg8 : memref<2048xi32, #tpu.memory_space<vmem>>) semaphore(%arg23 : memref<!tpu.dma_semaphore, #tpu.memory_space<semaphore_mem>>)
      %scan3A_78 = arith.constant 0 : i32
      %scan3A_79 = arith.constant 0 : i32
      %scan3A_80 = arith.constant 15 : i32
      %scan3A_81 = arith.addi %scan3A_79, %scan3A_80 : i32
      %scan3A_82 = arith.constant 1 : i32
      %scan3A_83 = scf.for %scan3A_187 = %scan3A_79 to %scan3A_81 step %scan3A_82 iter_args(%scan3A_188 = %scan3A_78) -> (i32)  : i32 {
        %mul3A_189 = arith.constant 2 : i32
        %mul3A_190 = arith.muli %mul3A_189, %scan3A_187 : i32
        %add3A_191 = arith.constant 1 : i32
        %add3A_192 = arith.addi %mul3A_190, %add3A_191 : i32
        %mul3A_193 = arith.constant 16 : i32
        %mul3A_194 = arith.muli %scan3A_29, %mul3A_193 : i32
        %get3A_195 = arith.index_cast %mul3A_194 : i32 to index
        %get3A_196 = tpu.vector_load %arg21[%get3A_195] {strides = array<i32>} : memref<256xi32, #tpu.memory_space<vmem>>, vector<16xi32>,
        %sub3A_197 = arith.constant 1 : i32
        %sub3A_198 = vector.broadcast %sub3A_197 : i32 to vector<16xi32>
        %sub3A_199 = arith.subi %get3A_196, %sub3A_198 : vector<16xi32>
        %convert_element_type3A_200 = arith.sitofp %sub3A_199 : vector<16xi32> to vector<16xf32>
        %mul3A_201 = arith.constant 256 : i32
        %mul3A_202 = arith.muli %add3A_192, %mul3A_201 : i32
        %scan3A_203 = arith.constant 0 : i32
        %scan3A_204 = arith.constant 0 : i32
        %scan3A_205 = arith.constant 16 : i32
        %scan3A_206 = arith.addi %scan3A_204, %scan3A_205 : i32
        %scan3A_207 = arith.constant 1 : i32
        %scan3A_208 = scf.for %scan3A_326 = %scan3A_204 to %scan3A_206 step %scan3A_207 iter_args(%scan3A_327 = %scan3A_203) -> (i32)  : i32 {
          %mul3A_328 = arith.constant 16 : i32
          %mul3A_329 = arith.muli %scan3A_326, %mul3A_328 : i32
          %add3A_330 = arith.constant 0 : i32
          %add3A_331 = arith.addi %add3A_330, %mul3A_202 : i32
          %add3A_332 = arith.addi %add3A_331, %mul3A_329 : i32
          %get3A_333 = arith.index_cast %add3A_332 : i32 to index
          %get3A_334 = tpu.vector_load %arg7[%get3A_333] {strides = array<i32>} : memref<24576xf32, #tpu.memory_space<vmem>>, vector<16xf32>,
          %add3A_335 = arith.constant 8192 : i32
          %add3A_336 = arith.addi %add3A_335, %mul3A_202 : i32
          %add3A_337 = arith.addi %add3A_336, %mul3A_329 : i32
          %get3A_338 = arith.index_cast %add3A_337 : i32 to index
          %get3A_339 = tpu.vector_load %arg7[%get3A_338] {strides = array<i32>} : memref<24576xf32, #tpu.memory_space<vmem>>, vector<16xf32>,
          %add3A_340 = arith.constant 16384 : i32
          %add3A_341 = arith.addi %add3A_340, %mul3A_202 : i32
          %add3A_342 = arith.addi %add3A_341, %mul3A_329 : i32
          %get3A_343 = arith.index_cast %add3A_342 : i32 to index
          %get3A_344 = tpu.vector_load %arg7[%get3A_343] {strides = array<i32>} : memref<24576xf32, #tpu.memory_space<vmem>>, vector<16xf32>,
          %mul3A_345 = arith.mulf %get3A_334, %convert_element_type3A_200 : vector<16xf32>
          %mul3A_346 = arith.mulf %get3A_339, %convert_element_type3A_200 : vector<16xf32>
          %mul3A_347 = arith.mulf %get3A_344, %convert_element_type3A_200 : vector<16xf32>
          %convert_element_type3A_348 = arith.fptosi %mul3A_345 : vector<16xf32> to vector<16xi32>
          %convert_element_type3A_349 = arith.fptosi %mul3A_346 : vector<16xf32> to vector<16xi32>
          %convert_element_type3A_350 = arith.fptosi %mul3A_347 : vector<16xf32> to vector<16xi32>
          %convert_element_type3A_351 = arith.sitofp %convert_element_type3A_348 : vector<16xi32> to vector<16xf32>
          %sub3A_352 = arith.subf %mul3A_345, %convert_element_type3A_351 : vector<16xf32>
          %convert_element_type3A_353 = arith.sitofp %convert_element_type3A_349 : vector<16xi32> to vector<16xf32>
          %sub3A_354 = arith.subf %mul3A_346, %convert_element_type3A_353 : vector<16xf32>
          %convert_element_type3A_355 = arith.sitofp %convert_element_type3A_350 : vector<16xi32> to vector<16xf32>
          %sub3A_356 = arith.subf %mul3A_347, %convert_element_type3A_355 : vector<16xf32>
          %add3A_357 = arith.constant 1 : i32
          %add3A_358 = vector.broadcast %add3A_357 : i32 to vector<16xi32>
          %add3A_359 = arith.addi %convert_element_type3A_348, %add3A_358 : vector<16xi32>
          %min3A = arith.minsi %add3A_359, %sub3A_199 : vector<16xi32>
          %add3A_360 = arith.constant 1 : i32
          %add3A_361 = vector.broadcast %add3A_360 : i32 to vector<16xi32>
          %add3A_362 = arith.addi %convert_element_type3A_349, %add3A_361 : vector<16xi32>
          %min3A_363 = arith.minsi %add3A_362, %sub3A_199 : vector<16xi32>
          %add3A_364 = arith.constant 1 : i32
          %add3A_365 = vector.broadcast %add3A_364 : i32 to vector<16xi32>
          %add3A_366 = arith.addi %convert_element_type3A_350, %add3A_365 : vector<16xi32>
          %min3A_367 = arith.minsi %add3A_366, %sub3A_199 : vector<16xi32>
          %mul3A_368 = arith.constant -1640531535 : i32
          %mul3A_369 = vector.broadcast %mul3A_368 : i32 to vector<16xi32>
          %mul3A_370 = arith.muli %convert_element_type3A_349, %mul3A_369 : vector<16xi32>
          %mul3A_371 = arith.constant -1640531535 : i32
          %mul3A_372 = vector.broadcast %mul3A_371 : i32 to vector<16xi32>
          %mul3A_373 = arith.muli %min3A_363, %mul3A_372 : vector<16xi32>
          %mul3A_374 = arith.constant 805459861 : i32
          %mul3A_375 = vector.broadcast %mul3A_374 : i32 to vector<16xi32>
          %mul3A_376 = arith.muli %convert_element_type3A_350, %mul3A_375 : vector<16xi32>
          %mul3A_377 = arith.constant 805459861 : i32
          %mul3A_378 = vector.broadcast %mul3A_377 : i32 to vector<16xi32>
          %mul3A_379 = arith.muli %min3A_367, %mul3A_378 : vector<16xi32>
          %sub3A_380 = arith.constant 1.000000e+00 : f32
          %sub3A_381 = vector.broadcast %sub3A_380 : f32 to vector<16xf32>
          %sub3A_382 = arith.subf %sub3A_381, %sub3A_352 : vector<16xf32>
          %sub3A_383 = arith.constant 1.000000e+00 : f32
          %sub3A_384 = vector.broadcast %sub3A_383 : f32 to vector<16xf32>
          %sub3A_385 = arith.subf %sub3A_384, %sub3A_354 : vector<16xf32>
          %sub3A_386 = arith.constant 1.000000e+00 : f32
          %sub3A_387 = vector.broadcast %sub3A_386 : f32 to vector<16xf32>
          %sub3A_388 = arith.subf %sub3A_387, %sub3A_356 : vector<16xf32>
          %xor3A = arith.xori %convert_element_type3A_348, %mul3A_370 : vector<16xi32>
          %xor3A_389 = arith.xori %xor3A, %mul3A_376 : vector<16xi32>
          %and3A = arith.constant 262143 : i32
          %and3A_390 = vector.broadcast %and3A : i32 to vector<16xi32>
          %and3A_391 = arith.andi %xor3A_389, %and3A_390 : vector<16xi32>
          %mul3A_392 = arith.mulf %sub3A_382, %sub3A_385 : vector<16xf32>
          %mul3A_393 = arith.mulf %mul3A_392, %sub3A_388 : vector<16xf32>
          %add3A_394 = arith.constant 0 : i32
          %add3A_395 = arith.addi %add3A_394, %mul3A_329 : i32
          %swap3A = arith.index_cast %add3A_395 : i32 to index
          %swap3A_396 = tpu.vector_load %arg9[%swap3A] {strides = array<i32>} : memref<2048xi32, #tpu.memory_space<vmem>>, vector<16xi32>,
          tpu.vector_store %arg9[%swap3A], %and3A_391 {strides = array<i32>} : memref<2048xi32, #tpu.memory_space<vmem>>, vector<16xi32>,
          %add3A_397 = arith.constant 0 : i32
          %add3A_398 = arith.addi %add3A_397, %mul3A_329 : i32
          %swap3A_399 = arith.index_cast %add3A_398 : i32 to index
          %swap3A_400 = tpu.vector_load %arg11[%swap3A_399] {strides = array<i32>} : memref<2048xf32, #tpu.memory_space<vmem>>, vector<16xf32>,
          tpu.vector_store %arg11[%swap3A_399], %mul3A_393 {strides = array<i32>} : memref<2048xf32, #tpu.memory_space<vmem>>, vector<16xf32>,
          %xor3A_401 = arith.xori %convert_element_type3A_348, %mul3A_370 : vector<16xi32>
          %xor3A_402 = arith.xori %xor3A_401, %mul3A_379 : vector<16xi32>
          %and3A_403 = arith.constant 262143 : i32
          %and3A_404 = vector.broadcast %and3A_403 : i32 to vector<16xi32>
          %and3A_405 = arith.andi %xor3A_402, %and3A_404 : vector<16xi32>
          %mul3A_406 = arith.mulf %sub3A_382, %sub3A_385 : vector<16xf32>
          %mul3A_407 = arith.mulf %mul3A_406, %sub3A_356 : vector<16xf32>
          %add3A_408 = arith.constant 256 : i32
          %add3A_409 = arith.addi %add3A_408, %mul3A_329 : i32
          %swap3A_410 = arith.index_cast %add3A_409 : i32 to index
          %swap3A_411 = tpu.vector_load %arg9[%swap3A_410] {strides = array<i32>} : memref<2048xi32, #tpu.memory_space<vmem>>, vector<16xi32>,
          tpu.vector_store %arg9[%swap3A_410], %and3A_405 {strides = array<i32>} : memref<2048xi32, #tpu.memory_space<vmem>>, vector<16xi32>,
          %add3A_412 = arith.constant 256 : i32
          %add3A_413 = arith.addi %add3A_412, %mul3A_329 : i32
          %swap3A_414 = arith.index_cast %add3A_413 : i32 to index
          %swap3A_415 = tpu.vector_load %arg11[%swap3A_414] {strides = array<i32>} : memref<2048xf32, #tpu.memory_space<vmem>>, vector<16xf32>,
          tpu.vector_store %arg11[%swap3A_414], %mul3A_407 {strides = array<i32>} : memref<2048xf32, #tpu.memory_space<vmem>>, vector<16xf32>,
          %xor3A_416 = arith.xori %convert_element_type3A_348, %mul3A_373 : vector<16xi32>
          %xor3A_417 = arith.xori %xor3A_416, %mul3A_376 : vector<16xi32>
          %and3A_418 = arith.constant 262143 : i32
          %and3A_419 = vector.broadcast %and3A_418 : i32 to vector<16xi32>
          %and3A_420 = arith.andi %xor3A_417, %and3A_419 : vector<16xi32>
          %mul3A_421 = arith.mulf %sub3A_382, %sub3A_354 : vector<16xf32>
          %mul3A_422 = arith.mulf %mul3A_421, %sub3A_388 : vector<16xf32>
          %add3A_423 = arith.constant 512 : i32
          %add3A_424 = arith.addi %add3A_423, %mul3A_329 : i32
          %swap3A_425 = arith.index_cast %add3A_424 : i32 to index
          %swap3A_426 = tpu.vector_load %arg9[%swap3A_425] {strides = array<i32>} : memref<2048xi32, #tpu.memory_space<vmem>>, vector<16xi32>,
          tpu.vector_store %arg9[%swap3A_425], %and3A_420 {strides = array<i32>} : memref<2048xi32, #tpu.memory_space<vmem>>, vector<16xi32>,
          %add3A_427 = arith.constant 512 : i32
          %add3A_428 = arith.addi %add3A_427, %mul3A_329 : i32
          %swap3A_429 = arith.index_cast %add3A_428 : i32 to index
          %swap3A_430 = tpu.vector_load %arg11[%swap3A_429] {strides = array<i32>} : memref<2048xf32, #tpu.memory_space<vmem>>, vector<16xf32>,
          tpu.vector_store %arg11[%swap3A_429], %mul3A_422 {strides = array<i32>} : memref<2048xf32, #tpu.memory_space<vmem>>, vector<16xf32>,
          %xor3A_431 = arith.xori %convert_element_type3A_348, %mul3A_373 : vector<16xi32>
          %xor3A_432 = arith.xori %xor3A_431, %mul3A_379 : vector<16xi32>
          %and3A_433 = arith.constant 262143 : i32
          %and3A_434 = vector.broadcast %and3A_433 : i32 to vector<16xi32>
          %and3A_435 = arith.andi %xor3A_432, %and3A_434 : vector<16xi32>
          %mul3A_436 = arith.mulf %sub3A_382, %sub3A_354 : vector<16xf32>
          %mul3A_437 = arith.mulf %mul3A_436, %sub3A_356 : vector<16xf32>
          %add3A_438 = arith.constant 768 : i32
          %add3A_439 = arith.addi %add3A_438, %mul3A_329 : i32
          %swap3A_440 = arith.index_cast %add3A_439 : i32 to index
          %swap3A_441 = tpu.vector_load %arg9[%swap3A_440] {strides = array<i32>} : memref<2048xi32, #tpu.memory_space<vmem>>, vector<16xi32>,
          tpu.vector_store %arg9[%swap3A_440], %and3A_435 {strides = array<i32>} : memref<2048xi32, #tpu.memory_space<vmem>>, vector<16xi32>,
          %add3A_442 = arith.constant 768 : i32
          %add3A_443 = arith.addi %add3A_442, %mul3A_329 : i32
          %swap3A_444 = arith.index_cast %add3A_443 : i32 to index
          %swap3A_445 = tpu.vector_load %arg11[%swap3A_444] {strides = array<i32>} : memref<2048xf32, #tpu.memory_space<vmem>>, vector<16xf32>,
          tpu.vector_store %arg11[%swap3A_444], %mul3A_437 {strides = array<i32>} : memref<2048xf32, #tpu.memory_space<vmem>>, vector<16xf32>,
          %xor3A_446 = arith.xori %min3A, %mul3A_370 : vector<16xi32>
          %xor3A_447 = arith.xori %xor3A_446, %mul3A_376 : vector<16xi32>
          %and3A_448 = arith.constant 262143 : i32
          %and3A_449 = vector.broadcast %and3A_448 : i32 to vector<16xi32>
          %and3A_450 = arith.andi %xor3A_447, %and3A_449 : vector<16xi32>
          %mul3A_451 = arith.mulf %sub3A_352, %sub3A_385 : vector<16xf32>
          %mul3A_452 = arith.mulf %mul3A_451, %sub3A_388 : vector<16xf32>
          %add3A_453 = arith.constant 1024 : i32
          %add3A_454 = arith.addi %add3A_453, %mul3A_329 : i32
          %swap3A_455 = arith.index_cast %add3A_454 : i32 to index
          %swap3A_456 = tpu.vector_load %arg9[%swap3A_455] {strides = array<i32>} : memref<2048xi32, #tpu.memory_space<vmem>>, vector<16xi32>,
          tpu.vector_store %arg9[%swap3A_455], %and3A_450 {strides = array<i32>} : memref<2048xi32, #tpu.memory_space<vmem>>, vector<16xi32>,
          %add3A_457 = arith.constant 1024 : i32
          %add3A_458 = arith.addi %add3A_457, %mul3A_329 : i32
          %swap3A_459 = arith.index_cast %add3A_458 : i32 to index
          %swap3A_460 = tpu.vector_load %arg11[%swap3A_459] {strides = array<i32>} : memref<2048xf32, #tpu.memory_space<vmem>>, vector<16xf32>,
          tpu.vector_store %arg11[%swap3A_459], %mul3A_452 {strides = array<i32>} : memref<2048xf32, #tpu.memory_space<vmem>>, vector<16xf32>,
          %xor3A_461 = arith.xori %min3A, %mul3A_370 : vector<16xi32>
          %xor3A_462 = arith.xori %xor3A_461, %mul3A_379 : vector<16xi32>
          %and3A_463 = arith.constant 262143 : i32
          %and3A_464 = vector.broadcast %and3A_463 : i32 to vector<16xi32>
          %and3A_465 = arith.andi %xor3A_462, %and3A_464 : vector<16xi32>
          %mul3A_466 = arith.mulf %sub3A_352, %sub3A_385 : vector<16xf32>
          %mul3A_467 = arith.mulf %mul3A_466, %sub3A_356 : vector<16xf32>
          %add3A_468 = arith.constant 1280 : i32
          %add3A_469 = arith.addi %add3A_468, %mul3A_329 : i32
          %swap3A_470 = arith.index_cast %add3A_469 : i32 to index
          %swap3A_471 = tpu.vector_load %arg9[%swap3A_470] {strides = array<i32>} : memref<2048xi32, #tpu.memory_space<vmem>>, vector<16xi32>,
          tpu.vector_store %arg9[%swap3A_470], %and3A_465 {strides = array<i32>} : memref<2048xi32, #tpu.memory_space<vmem>>, vector<16xi32>,
          %add3A_472 = arith.constant 1280 : i32
          %add3A_473 = arith.addi %add3A_472, %mul3A_329 : i32
          %swap3A_474 = arith.index_cast %add3A_473 : i32 to index
          %swap3A_475 = tpu.vector_load %arg11[%swap3A_474] {strides = array<i32>} : memref<2048xf32, #tpu.memory_space<vmem>>, vector<16xf32>,
          tpu.vector_store %arg11[%swap3A_474], %mul3A_467 {strides = array<i32>} : memref<2048xf32, #tpu.memory_space<vmem>>, vector<16xf32>,
          %xor3A_476 = arith.xori %min3A, %mul3A_373 : vector<16xi32>
          %xor3A_477 = arith.xori %xor3A_476, %mul3A_376 : vector<16xi32>
          %and3A_478 = arith.constant 262143 : i32
          %and3A_479 = vector.broadcast %and3A_478 : i32 to vector<16xi32>
          %and3A_480 = arith.andi %xor3A_477, %and3A_479 : vector<16xi32>
          %mul3A_481 = arith.mulf %sub3A_352, %sub3A_354 : vector<16xf32>
          %mul3A_482 = arith.mulf %mul3A_481, %sub3A_388 : vector<16xf32>
          %add3A_483 = arith.constant 1536 : i32
          %add3A_484 = arith.addi %add3A_483, %mul3A_329 : i32
          %swap3A_485 = arith.index_cast %add3A_484 : i32 to index
          %swap3A_486 = tpu.vector_load %arg9[%swap3A_485] {strides = array<i32>} : memref<2048xi32, #tpu.memory_space<vmem>>, vector<16xi32>,
          tpu.vector_store %arg9[%swap3A_485], %and3A_480 {strides = array<i32>} : memref<2048xi32, #tpu.memory_space<vmem>>, vector<16xi32>,
          %add3A_487 = arith.constant 1536 : i32
          %add3A_488 = arith.addi %add3A_487, %mul3A_329 : i32
          %swap3A_489 = arith.index_cast %add3A_488 : i32 to index
          %swap3A_490 = tpu.vector_load %arg11[%swap3A_489] {strides = array<i32>} : memref<2048xf32, #tpu.memory_space<vmem>>, vector<16xf32>,
          tpu.vector_store %arg11[%swap3A_489], %mul3A_482 {strides = array<i32>} : memref<2048xf32, #tpu.memory_space<vmem>>, vector<16xf32>,
          %xor3A_491 = arith.xori %min3A, %mul3A_373 : vector<16xi32>
          %xor3A_492 = arith.xori %xor3A_491, %mul3A_379 : vector<16xi32>
          %and3A_493 = arith.constant 262143 : i32
          %and3A_494 = vector.broadcast %and3A_493 : i32 to vector<16xi32>
          %and3A_495 = arith.andi %xor3A_492, %and3A_494 : vector<16xi32>
          %mul3A_496 = arith.mulf %sub3A_352, %sub3A_354 : vector<16xf32>
          %mul3A_497 = arith.mulf %mul3A_496, %sub3A_356 : vector<16xf32>
          %add3A_498 = arith.constant 1792 : i32
          %add3A_499 = arith.addi %add3A_498, %mul3A_329 : i32
          %swap3A_500 = arith.index_cast %add3A_499 : i32 to index
          %swap3A_501 = tpu.vector_load %arg9[%swap3A_500] {strides = array<i32>} : memref<2048xi32, #tpu.memory_space<vmem>>, vector<16xi32>,
          tpu.vector_store %arg9[%swap3A_500], %and3A_495 {strides = array<i32>} : memref<2048xi32, #tpu.memory_space<vmem>>, vector<16xi32>,
          %add3A_502 = arith.constant 1792 : i32
          %add3A_503 = arith.addi %add3A_502, %mul3A_329 : i32
          %swap3A_504 = arith.index_cast %add3A_503 : i32 to index
          %swap3A_505 = tpu.vector_load %arg11[%swap3A_504] {strides = array<i32>} : memref<2048xf32, #tpu.memory_space<vmem>>, vector<16xf32>,
          tpu.vector_store %arg11[%swap3A_504], %mul3A_497 {strides = array<i32>} : memref<2048xf32, #tpu.memory_space<vmem>>, vector<16xf32>,
          %scan3A_506 = arith.constant 0 : i32
          scf.yield %scan3A_506 : i32
        }
        %scan3A_209 = arith.constant 16 : i32
        %dma_wait3A_210 = arith.constant 0 : i32
        %dma_wait3A_211 = tpu.memref_slice %arg20[%dma_wait3A_210] : memref<524288xf32, #tpu.memory_space<vmem_shared>> -> memref<262144xf32, #tpu.memory_space<vmem_shared>>
        %dma_wait3A_212 = arith.constant 0 : i32
        %dma_wait3A_213 = tpu.memref_slice %dma_wait3A_211[%dma_wait3A_212] : memref<262144xf32, #tpu.memory_space<vmem_shared>> -> memref<262144xf32, #tpu.memory_space<vmem_shared>>
        tpu.wait_indirect_dma semaphore(%arg22 : memref<!tpu.dma_semaphore, #tpu.memory_space<semaphore_mem>>) src(%dma_wait3A_213 : memref<262144xf32, #tpu.memory_space<vmem_shared>>) dst(%arg12 : memref<2048xf32, #tpu.memory_space<vmem>>)
        %dma_wait3A_214 = arith.constant 262144 : i32
        %dma_wait3A_215 = tpu.memref_slice %arg20[%dma_wait3A_214] : memref<524288xf32, #tpu.memory_space<vmem_shared>> -> memref<262144xf32, #tpu.memory_space<vmem_shared>>
        %dma_wait3A_216 = arith.constant 0 : i32
        %dma_wait3A_217 = tpu.memref_slice %dma_wait3A_215[%dma_wait3A_216] : memref<262144xf32, #tpu.memory_space<vmem_shared>> -> memref<262144xf32, #tpu.memory_space<vmem_shared>>
        tpu.wait_indirect_dma semaphore(%arg23 : memref<!tpu.dma_semaphore, #tpu.memory_space<semaphore_mem>>) src(%dma_wait3A_217 : memref<262144xf32, #tpu.memory_space<vmem_shared>>) dst(%arg14 : memref<2048xf32, #tpu.memory_space<vmem>>)
        %dma_start3A_218 = arith.constant 0 : i32
        %dma_start3A_219 = tpu.memref_slice %arg20[%dma_start3A_218] : memref<524288xf32, #tpu.memory_space<vmem_shared>> -> memref<262144xf32, #tpu.memory_space<vmem_shared>>
        %dma_start3A_220 = arith.constant 0 : i32
        %dma_start3A_221 = tpu.memref_slice %dma_start3A_219[%dma_start3A_220] : memref<262144xf32, #tpu.memory_space<vmem_shared>> -> memref<262144xf32, #tpu.memory_space<vmem_shared>>
        tpu.enqueue_indirect_dma source(%dma_start3A_221 : memref<262144xf32, #tpu.memory_space<vmem_shared>>) target(%arg13 : memref<2048xf32, #tpu.memory_space<vmem>>) offsets(%arg9 : memref<2048xi32, #tpu.memory_space<vmem>>) semaphore(%arg24 : memref<!tpu.dma_semaphore, #tpu.memory_space<semaphore_mem>>)
        %dma_start3A_222 = arith.constant 262144 : i32
        %dma_start3A_223 = tpu.memref_slice %arg20[%dma_start3A_222] : memref<524288xf32, #tpu.memory_space<vmem_shared>> -> memref<262144xf32, #tpu.memory_space<vmem_shared>>
        %dma_start3A_224 = arith.constant 0 : i32
        %dma_start3A_225 = tpu.memref_slice %dma_start3A_223[%dma_start3A_224] : memref<262144xf32, #tpu.memory_space<vmem_shared>> -> memref<262144xf32, #tpu.memory_space<vmem_shared>>
        tpu.enqueue_indirect_dma source(%dma_start3A_225 : memref<262144xf32, #tpu.memory_space<vmem_shared>>) target(%arg15 : memref<2048xf32, #tpu.memory_space<vmem>>) offsets(%arg9 : memref<2048xi32, #tpu.memory_space<vmem>>) semaphore(%arg25 : memref<!tpu.dma_semaphore, #tpu.memory_space<semaphore_mem>>)
        %scan3A_226 = arith.constant 0 : i32
        %scan3A_227 = arith.constant 0 : i32
        %scan3A_228 = arith.constant 16 : i32
        %scan3A_229 = arith.addi %scan3A_227, %scan3A_228 : i32
        %scan3A_230 = arith.constant 1 : i32
        %scan3A_231 = scf.for %scan3A_326 = %scan3A_227 to %scan3A_229 step %scan3A_230 iter_args(%scan3A_327 = %scan3A_226) -> (i32)  : i32 {
          %mul3A_328 = arith.constant 16 : i32
          %mul3A_329 = arith.muli %scan3A_326, %mul3A_328 : i32
          %broadcast_in_dim3A = arith.constant 0.000000e+00 : f32
          %broadcast_in_dim3A_330 = vector.broadcast %broadcast_in_dim3A : f32 to vector<16xf32>
          %broadcast_in_dim3A_331 = arith.constant 0.000000e+00 : f32
          %broadcast_in_dim3A_332 = vector.broadcast %broadcast_in_dim3A_331 : f32 to vector<16xf32>
          %add3A_333 = arith.constant 0 : i32
          %add3A_334 = arith.addi %add3A_333, %mul3A_329 : i32
          %get3A_335 = arith.index_cast %add3A_334 : i32 to index
          %get3A_336 = tpu.vector_load %arg10[%get3A_335] {strides = array<i32>} : memref<2048xf32, #tpu.memory_space<vmem>>, vector<16xf32>,
          %add3A_337 = arith.constant 0 : i32
          %add3A_338 = arith.addi %add3A_337, %mul3A_329 : i32
          %get3A_339 = arith.index_cast %add3A_338 : i32 to index
          %get3A_340 = tpu.vector_load %arg12[%get3A_339] {strides = array<i32>} : memref<2048xf32, #tpu.memory_space<vmem>>, vector<16xf32>,
          %mul3A_341 = arith.mulf %get3A_336, %get3A_340 : vector<16xf32>
          %add3A_342 = arith.addf %broadcast_in_dim3A_330, %mul3A_341 : vector<16xf32>
          %add3A_343 = arith.constant 0 : i32
          %add3A_344 = arith.addi %add3A_343, %mul3A_329 : i32
          %get3A_345 = arith.index_cast %add3A_344 : i32 to index
          %get3A_346 = tpu.vector_load %arg14[%get3A_345] {strides = array<i32>} : memref<2048xf32, #tpu.memory_space<vmem>>, vector<16xf32>,
          %mul3A_347 = arith.mulf %get3A_336, %get3A_346 : vector<16xf32>
          %add3A_348 = arith.addf %broadcast_in_dim3A_332, %mul3A_347 : vector<16xf32>
          %add3A_349 = arith.constant 256 : i32
          %add3A_350 = arith.addi %add3A_349, %mul3A_329 : i32
          %get3A_351 = arith.index_cast %add3A_350 : i32 to index
          %get3A_352 = tpu.vector_load %arg10[%get3A_351] {strides = array<i32>} : memref<2048xf32, #tpu.memory_space<vmem>>, vector<16xf32>,
          %add3A_353 = arith.constant 256 : i32
          %add3A_354 = arith.addi %add3A_353, %mul3A_329 : i32
          %get3A_355 = arith.index_cast %add3A_354 : i32 to index
          %get3A_356 = tpu.vector_load %arg12[%get3A_355] {strides = array<i32>} : memref<2048xf32, #tpu.memory_space<vmem>>, vector<16xf32>,
          %mul3A_357 = arith.mulf %get3A_352, %get3A_356 : vector<16xf32>
          %add3A_358 = arith.addf %add3A_342, %mul3A_357 : vector<16xf32>
          %add3A_359 = arith.constant 256 : i32
          %add3A_360 = arith.addi %add3A_359, %mul3A_329 : i32
          %get3A_361 = arith.index_cast %add3A_360 : i32 to index
          %get3A_362 = tpu.vector_load %arg14[%get3A_361] {strides = array<i32>} : memref<2048xf32, #tpu.memory_space<vmem>>, vector<16xf32>,
          %mul3A_363 = arith.mulf %get3A_352, %get3A_362 : vector<16xf32>
          %add3A_364 = arith.addf %add3A_348, %mul3A_363 : vector<16xf32>
          %add3A_365 = arith.constant 512 : i32
          %add3A_366 = arith.addi %add3A_365, %mul3A_329 : i32
          %get3A_367 = arith.index_cast %add3A_366 : i32 to index
          %get3A_368 = tpu.vector_load %arg10[%get3A_367] {strides = array<i32>} : memref<2048xf32, #tpu.memory_space<vmem>>, vector<16xf32>,
          %add3A_369 = arith.constant 512 : i32
          %add3A_370 = arith.addi %add3A_369, %mul3A_329 : i32
          %get3A_371 = arith.index_cast %add3A_370 : i32 to index
          %get3A_372 = tpu.vector_load %arg12[%get3A_371] {strides = array<i32>} : memref<2048xf32, #tpu.memory_space<vmem>>, vector<16xf32>,
          %mul3A_373 = arith.mulf %get3A_368, %get3A_372 : vector<16xf32>
          %add3A_374 = arith.addf %add3A_358, %mul3A_373 : vector<16xf32>
          %add3A_375 = arith.constant 512 : i32
          %add3A_376 = arith.addi %add3A_375, %mul3A_329 : i32
          %get3A_377 = arith.index_cast %add3A_376 : i32 to index
          %get3A_378 = tpu.vector_load %arg14[%get3A_377] {strides = array<i32>} : memref<2048xf32, #tpu.memory_space<vmem>>, vector<16xf32>,
          %mul3A_379 = arith.mulf %get3A_368, %get3A_378 : vector<16xf32>
          %add3A_380 = arith.addf %add3A_364, %mul3A_379 : vector<16xf32>
          %add3A_381 = arith.constant 768 : i32
          %add3A_382 = arith.addi %add3A_381, %mul3A_329 : i32
          %get3A_383 = arith.index_cast %add3A_382 : i32 to index
          %get3A_384 = tpu.vector_load %arg10[%get3A_383] {strides = array<i32>} : memref<2048xf32, #tpu.memory_space<vmem>>, vector<16xf32>,
          %add3A_385 = arith.constant 768 : i32
          %add3A_386 = arith.addi %add3A_385, %mul3A_329 : i32
          %get3A_387 = arith.index_cast %add3A_386 : i32 to index
          %get3A_388 = tpu.vector_load %arg12[%get3A_387] {strides = array<i32>} : memref<2048xf32, #tpu.memory_space<vmem>>, vector<16xf32>,
          %mul3A_389 = arith.mulf %get3A_384, %get3A_388 : vector<16xf32>
          %add3A_390 = arith.addf %add3A_374, %mul3A_389 : vector<16xf32>
          %add3A_391 = arith.constant 768 : i32
          %add3A_392 = arith.addi %add3A_391, %mul3A_329 : i32
          %get3A_393 = arith.index_cast %add3A_392 : i32 to index
          %get3A_394 = tpu.vector_load %arg14[%get3A_393] {strides = array<i32>} : memref<2048xf32, #tpu.memory_space<vmem>>, vector<16xf32>,
          %mul3A_395 = arith.mulf %get3A_384, %get3A_394 : vector<16xf32>
          %add3A_396 = arith.addf %add3A_380, %mul3A_395 : vector<16xf32>
          %add3A_397 = arith.constant 1024 : i32
          %add3A_398 = arith.addi %add3A_397, %mul3A_329 : i32
          %get3A_399 = arith.index_cast %add3A_398 : i32 to index
          %get3A_400 = tpu.vector_load %arg10[%get3A_399] {strides = array<i32>} : memref<2048xf32, #tpu.memory_space<vmem>>, vector<16xf32>,
          %add3A_401 = arith.constant 1024 : i32
          %add3A_402 = arith.addi %add3A_401, %mul3A_329 : i32
          %get3A_403 = arith.index_cast %add3A_402 : i32 to index
          %get3A_404 = tpu.vector_load %arg12[%get3A_403] {strides = array<i32>} : memref<2048xf32, #tpu.memory_space<vmem>>, vector<16xf32>,
          %mul3A_405 = arith.mulf %get3A_400, %get3A_404 : vector<16xf32>
          %add3A_406 = arith.addf %add3A_390, %mul3A_405 : vector<16xf32>
          %add3A_407 = arith.constant 1024 : i32
          %add3A_408 = arith.addi %add3A_407, %mul3A_329 : i32
          %get3A_409 = arith.index_cast %add3A_408 : i32 to index
          %get3A_410 = tpu.vector_load %arg14[%get3A_409] {strides = array<i32>} : memref<2048xf32, #tpu.memory_space<vmem>>, vector<16xf32>,
          %mul3A_411 = arith.mulf %get3A_400, %get3A_410 : vector<16xf32>
          %add3A_412 = arith.addf %add3A_396, %mul3A_411 : vector<16xf32>
          %add3A_413 = arith.constant 1280 : i32
          %add3A_414 = arith.addi %add3A_413, %mul3A_329 : i32
          %get3A_415 = arith.index_cast %add3A_414 : i32 to index
          %get3A_416 = tpu.vector_load %arg10[%get3A_415] {strides = array<i32>} : memref<2048xf32, #tpu.memory_space<vmem>>, vector<16xf32>,
          %add3A_417 = arith.constant 1280 : i32
          %add3A_418 = arith.addi %add3A_417, %mul3A_329 : i32
          %get3A_419 = arith.index_cast %add3A_418 : i32 to index
          %get3A_420 = tpu.vector_load %arg12[%get3A_419] {strides = array<i32>} : memref<2048xf32, #tpu.memory_space<vmem>>, vector<16xf32>,
          %mul3A_421 = arith.mulf %get3A_416, %get3A_420 : vector<16xf32>
          %add3A_422 = arith.addf %add3A_406, %mul3A_421 : vector<16xf32>
          %add3A_423 = arith.constant 1280 : i32
          %add3A_424 = arith.addi %add3A_423, %mul3A_329 : i32
          %get3A_425 = arith.index_cast %add3A_424 : i32 to index
          %get3A_426 = tpu.vector_load %arg14[%get3A_425] {strides = array<i32>} : memref<2048xf32, #tpu.memory_space<vmem>>, vector<16xf32>,
          %mul3A_427 = arith.mulf %get3A_416, %get3A_426 : vector<16xf32>
          %add3A_428 = arith.addf %add3A_412, %mul3A_427 : vector<16xf32>
          %add3A_429 = arith.constant 1536 : i32
          %add3A_430 = arith.addi %add3A_429, %mul3A_329 : i32
          %get3A_431 = arith.index_cast %add3A_430 : i32 to index
          %get3A_432 = tpu.vector_load %arg10[%get3A_431] {strides = array<i32>} : memref<2048xf32, #tpu.memory_space<vmem>>, vector<16xf32>,
          %add3A_433 = arith.constant 1536 : i32
          %add3A_434 = arith.addi %add3A_433, %mul3A_329 : i32
          %get3A_435 = arith.index_cast %add3A_434 : i32 to index
          %get3A_436 = tpu.vector_load %arg12[%get3A_435] {strides = array<i32>} : memref<2048xf32, #tpu.memory_space<vmem>>, vector<16xf32>,
          %mul3A_437 = arith.mulf %get3A_432, %get3A_436 : vector<16xf32>
          %add3A_438 = arith.addf %add3A_422, %mul3A_437 : vector<16xf32>
          %add3A_439 = arith.constant 1536 : i32
          %add3A_440 = arith.addi %add3A_439, %mul3A_329 : i32
          %get3A_441 = arith.index_cast %add3A_440 : i32 to index
          %get3A_442 = tpu.vector_load %arg14[%get3A_441] {strides = array<i32>} : memref<2048xf32, #tpu.memory_space<vmem>>, vector<16xf32>,
          %mul3A_443 = arith.mulf %get3A_432, %get3A_442 : vector<16xf32>
          %add3A_444 = arith.addf %add3A_428, %mul3A_443 : vector<16xf32>
          %add3A_445 = arith.constant 1792 : i32
          %add3A_446 = arith.addi %add3A_445, %mul3A_329 : i32
          %get3A_447 = arith.index_cast %add3A_446 : i32 to index
          %get3A_448 = tpu.vector_load %arg10[%get3A_447] {strides = array<i32>} : memref<2048xf32, #tpu.memory_space<vmem>>, vector<16xf32>,
          %add3A_449 = arith.constant 1792 : i32
          %add3A_450 = arith.addi %add3A_449, %mul3A_329 : i32
          %get3A_451 = arith.index_cast %add3A_450 : i32 to index
          %get3A_452 = tpu.vector_load %arg12[%get3A_451] {strides = array<i32>} : memref<2048xf32, #tpu.memory_space<vmem>>, vector<16xf32>,
          %mul3A_453 = arith.mulf %get3A_448, %get3A_452 : vector<16xf32>
          %add3A_454 = arith.addf %add3A_438, %mul3A_453 : vector<16xf32>
          %add3A_455 = arith.constant 1792 : i32
          %add3A_456 = arith.addi %add3A_455, %mul3A_329 : i32
          %get3A_457 = arith.index_cast %add3A_456 : i32 to index
          %get3A_458 = tpu.vector_load %arg14[%get3A_457] {strides = array<i32>} : memref<2048xf32, #tpu.memory_space<vmem>>, vector<16xf32>,
          %mul3A_459 = arith.mulf %get3A_448, %get3A_458 : vector<16xf32>
          %add3A_460 = arith.addf %add3A_444, %mul3A_459 : vector<16xf32>
          %swap3A = arith.index_cast %mul3A_329 : i32 to index
          %swap3A_461 = tpu.vector_load %arg16[%swap3A] {strides = array<i32>} : memref<256xf32, #tpu.memory_space<vmem>>, vector<16xf32>,
          tpu.vector_store %arg16[%swap3A], %add3A_454 {strides = array<i32>} : memref<256xf32, #tpu.memory_space<vmem>>, vector<16xf32>,
          %swap3A_462 = arith.index_cast %mul3A_329 : i32 to index
          %swap3A_463 = tpu.vector_load %arg18[%swap3A_462] {strides = array<i32>} : memref<256xf32, #tpu.memory_space<vmem>>, vector<16xf32>,
          tpu.vector_store %arg18[%swap3A_462], %add3A_460 {strides = array<i32>} : memref<256xf32, #tpu.memory_space<vmem>>, vector<16xf32>,
          %scan3A_464 = arith.constant 0 : i32
          scf.yield %scan3A_464 : i32
        }
        %scan3A_232 = arith.constant 16 : i32
        %mul3A_233 = arith.constant 256 : i32
        %mul3A_234 = arith.muli %mul3A_190, %mul3A_233 : i32
        %mul3A_235 = arith.constant 2 : i32
        %mul3A_236 = arith.muli %mul3A_235, %scan3A_29 : i32
        %mul3A_237 = arith.constant 262144 : i32
        %mul3A_238 = arith.muli %mul3A_236, %mul3A_237 : i32
        %add3A_239 = arith.addi %mul3A_238, %mul3A_2 : i32
        %add3A_240 = arith.addi %add3A_239, %mul3A_234 : i32
        %dma_start3A_241 = tpu.memref_slice %arg6[%add3A_240] : memref<8388608xf32, #tpu.memory_space<hbm>> -> memref<256xf32, #tpu.memory_space<hbm>>
        %dma_start3A_242 = tpu.memref_slice %arg6[%add3A_240] : memref<8388608xf32, #tpu.memory_space<hbm>> -> memref<256xf32, #tpu.memory_space<hbm>>
        tpu.enqueue_dma source(%arg16 : memref<256xf32, #tpu.memory_space<vmem>>) target(%dma_start3A_242 : memref<256xf32, #tpu.memory_space<hbm>>) target_semaphore(%arg28 : memref<!tpu.dma_semaphore, #tpu.memory_space<semaphore_mem>>)
        %mul3A_243 = arith.constant 2 : i32
        %mul3A_244 = arith.muli %mul3A_243, %scan3A_29 : i32
        %add3A_245 = arith.constant 1 : i32
        %add3A_246 = arith.addi %mul3A_244, %add3A_245 : i32
        %mul3A_247 = arith.constant 262144 : i32
        %mul3A_248 = arith.muli %add3A_246, %mul3A_247 : i32
        %add3A_249 = arith.addi %mul3A_248, %mul3A_2 : i32
        %add3A_250 = arith.addi %add3A_249, %mul3A_234 : i32
        %dma_start3A_251 = tpu.memref_slice %arg6[%add3A_250] : memref<8388608xf32, #tpu.memory_space<hbm>> -> memref<256xf32, #tpu.memory_space<hbm>>
        %dma_start3A_252 = tpu.memref_slice %arg6[%add3A_250] : memref<8388608xf32, #tpu.memory_space<hbm>> -> memref<256xf32, #tpu.memory_space<hbm>>
        tpu.enqueue_dma source(%arg18 : memref<256xf32, #tpu.memory_space<vmem>>) target(%dma_start3A_252 : memref<256xf32, #tpu.memory_space<hbm>>) target_semaphore(%arg28 : memref<!tpu.dma_semaphore, #tpu.memory_space<semaphore_mem>>)
        %add3A_253 = arith.constant 2 : i32
        %add3A_254 = arith.addi %mul3A_190, %add3A_253 : i32
        %mul3A_255 = arith.constant 16 : i32
        %mul3A_256 = arith.muli %scan3A_29, %mul3A_255 : i32
        %get3A_257 = arith.index_cast %mul3A_256 : i32 to index
        %get3A_258 = tpu.vector_load %arg21[%get3A_257] {strides = array<i32>} : memref<256xi32, #tpu.memory_space<vmem>>, vector<16xi32>,
        %sub3A_259 = arith.constant 1 : i32
        %sub3A_260 = vector.broadcast %sub3A_259 : i32 to vector<16xi32>
        %sub3A_261 = arith.subi %get3A_258, %sub3A_260 : vector<16xi32>
        %convert_element_type3A_262 = arith.sitofp %sub3A_261 : vector<16xi32> to vector<16xf32>
        %mul3A_263 = arith.constant 256 : i32
        %mul3A_264 = arith.muli %add3A_254, %mul3A_263 : i32
        %scan3A_265 = arith.constant 0 : i32
        %scan3A_266 = arith.constant 0 : i32
        %scan3A_267 = arith.constant 16 : i32
        %scan3A_268 = arith.addi %scan3A_266, %scan3A_267 : i32
        %scan3A_269 = arith.constant 1 : i32
        %scan3A_270 = scf.for %scan3A_326 = %scan3A_266 to %scan3A_268 step %scan3A_269 iter_args(%scan3A_327 = %scan3A_265) -> (i32)  : i32 {
          %mul3A_328 = arith.constant 16 : i32
          %mul3A_329 = arith.muli %scan3A_326, %mul3A_328 : i32
          %add3A_330 = arith.constant 0 : i32
          %add3A_331 = arith.addi %add3A_330, %mul3A_264 : i32
          %add3A_332 = arith.addi %add3A_331, %mul3A_329 : i32
          %get3A_333 = arith.index_cast %add3A_332 : i32 to index
          %get3A_334 = tpu.vector_load %arg7[%get3A_333] {strides = array<i32>} : memref<24576xf32, #tpu.memory_space<vmem>>, vector<16xf32>,
          %add3A_335 = arith.constant 8192 : i32
          %add3A_336 = arith.addi %add3A_335, %mul3A_264 : i32
          %add3A_337 = arith.addi %add3A_336, %mul3A_329 : i32
          %get3A_338 = arith.index_cast %add3A_337 : i32 to index
          %get3A_339 = tpu.vector_load %arg7[%get3A_338] {strides = array<i32>} : memref<24576xf32, #tpu.memory_space<vmem>>, vector<16xf32>,
          %add3A_340 = arith.constant 16384 : i32
          %add3A_341 = arith.addi %add3A_340, %mul3A_264 : i32
          %add3A_342 = arith.addi %add3A_341, %mul3A_329 : i32
          %get3A_343 = arith.index_cast %add3A_342 : i32 to index
          %get3A_344 = tpu.vector_load %arg7[%get3A_343] {strides = array<i32>} : memref<24576xf32, #tpu.memory_space<vmem>>, vector<16xf32>,
          %mul3A_345 = arith.mulf %get3A_334, %convert_element_type3A_262 : vector<16xf32>
          %mul3A_346 = arith.mulf %get3A_339, %convert_element_type3A_262 : vector<16xf32>
          %mul3A_347 = arith.mulf %get3A_344, %convert_element_type3A_262 : vector<16xf32>
          %convert_element_type3A_348 = arith.fptosi %mul3A_345 : vector<16xf32> to vector<16xi32>
          %convert_element_type3A_349 = arith.fptosi %mul3A_346 : vector<16xf32> to vector<16xi32>
          %convert_element_type3A_350 = arith.fptosi %mul3A_347 : vector<16xf32> to vector<16xi32>
          %convert_element_type3A_351 = arith.sitofp %convert_element_type3A_348 : vector<16xi32> to vector<16xf32>
          %sub3A_352 = arith.subf %mul3A_345, %convert_element_type3A_351 : vector<16xf32>
          %convert_element_type3A_353 = arith.sitofp %convert_element_type3A_349 : vector<16xi32> to vector<16xf32>
          %sub3A_354 = arith.subf %mul3A_346, %convert_element_type3A_353 : vector<16xf32>
          %convert_element_type3A_355 = arith.sitofp %convert_element_type3A_350 : vector<16xi32> to vector<16xf32>
          %sub3A_356 = arith.subf %mul3A_347, %convert_element_type3A_355 : vector<16xf32>
          %add3A_357 = arith.constant 1 : i32
          %add3A_358 = vector.broadcast %add3A_357 : i32 to vector<16xi32>
          %add3A_359 = arith.addi %convert_element_type3A_348, %add3A_358 : vector<16xi32>
          %min3A = arith.minsi %add3A_359, %sub3A_261 : vector<16xi32>
          %add3A_360 = arith.constant 1 : i32
          %add3A_361 = vector.broadcast %add3A_360 : i32 to vector<16xi32>
          %add3A_362 = arith.addi %convert_element_type3A_349, %add3A_361 : vector<16xi32>
          %min3A_363 = arith.minsi %add3A_362, %sub3A_261 : vector<16xi32>
          %add3A_364 = arith.constant 1 : i32
          %add3A_365 = vector.broadcast %add3A_364 : i32 to vector<16xi32>
          %add3A_366 = arith.addi %convert_element_type3A_350, %add3A_365 : vector<16xi32>
          %min3A_367 = arith.minsi %add3A_366, %sub3A_261 : vector<16xi32>
          %mul3A_368 = arith.constant -1640531535 : i32
          %mul3A_369 = vector.broadcast %mul3A_368 : i32 to vector<16xi32>
          %mul3A_370 = arith.muli %convert_element_type3A_349, %mul3A_369 : vector<16xi32>
          %mul3A_371 = arith.constant -1640531535 : i32
          %mul3A_372 = vector.broadcast %mul3A_371 : i32 to vector<16xi32>
          %mul3A_373 = arith.muli %min3A_363, %mul3A_372 : vector<16xi32>
          %mul3A_374 = arith.constant 805459861 : i32
          %mul3A_375 = vector.broadcast %mul3A_374 : i32 to vector<16xi32>
          %mul3A_376 = arith.muli %convert_element_type3A_350, %mul3A_375 : vector<16xi32>
          %mul3A_377 = arith.constant 805459861 : i32
          %mul3A_378 = vector.broadcast %mul3A_377 : i32 to vector<16xi32>
          %mul3A_379 = arith.muli %min3A_367, %mul3A_378 : vector<16xi32>
          %sub3A_380 = arith.constant 1.000000e+00 : f32
          %sub3A_381 = vector.broadcast %sub3A_380 : f32 to vector<16xf32>
          %sub3A_382 = arith.subf %sub3A_381, %sub3A_352 : vector<16xf32>
          %sub3A_383 = arith.constant 1.000000e+00 : f32
          %sub3A_384 = vector.broadcast %sub3A_383 : f32 to vector<16xf32>
          %sub3A_385 = arith.subf %sub3A_384, %sub3A_354 : vector<16xf32>
          %sub3A_386 = arith.constant 1.000000e+00 : f32
          %sub3A_387 = vector.broadcast %sub3A_386 : f32 to vector<16xf32>
          %sub3A_388 = arith.subf %sub3A_387, %sub3A_356 : vector<16xf32>
          %xor3A = arith.xori %convert_element_type3A_348, %mul3A_370 : vector<16xi32>
          %xor3A_389 = arith.xori %xor3A, %mul3A_376 : vector<16xi32>
          %and3A = arith.constant 262143 : i32
          %and3A_390 = vector.broadcast %and3A : i32 to vector<16xi32>
          %and3A_391 = arith.andi %xor3A_389, %and3A_390 : vector<16xi32>
          %mul3A_392 = arith.mulf %sub3A_382, %sub3A_385 : vector<16xf32>
          %mul3A_393 = arith.mulf %mul3A_392, %sub3A_388 : vector<16xf32>
          %add3A_394 = arith.constant 0 : i32
          %add3A_395 = arith.addi %add3A_394, %mul3A_329 : i32
          %swap3A = arith.index_cast %add3A_395 : i32 to index
          %swap3A_396 = tpu.vector_load %arg8[%swap3A] {strides = array<i32>} : memref<2048xi32, #tpu.memory_space<vmem>>, vector<16xi32>,
          tpu.vector_store %arg8[%swap3A], %and3A_391 {strides = array<i32>} : memref<2048xi32, #tpu.memory_space<vmem>>, vector<16xi32>,
          %add3A_397 = arith.constant 0 : i32
          %add3A_398 = arith.addi %add3A_397, %mul3A_329 : i32
          %swap3A_399 = arith.index_cast %add3A_398 : i32 to index
          %swap3A_400 = tpu.vector_load %arg10[%swap3A_399] {strides = array<i32>} : memref<2048xf32, #tpu.memory_space<vmem>>, vector<16xf32>,
          tpu.vector_store %arg10[%swap3A_399], %mul3A_393 {strides = array<i32>} : memref<2048xf32, #tpu.memory_space<vmem>>, vector<16xf32>,
          %xor3A_401 = arith.xori %convert_element_type3A_348, %mul3A_370 : vector<16xi32>
          %xor3A_402 = arith.xori %xor3A_401, %mul3A_379 : vector<16xi32>
          %and3A_403 = arith.constant 262143 : i32
          %and3A_404 = vector.broadcast %and3A_403 : i32 to vector<16xi32>
          %and3A_405 = arith.andi %xor3A_402, %and3A_404 : vector<16xi32>
          %mul3A_406 = arith.mulf %sub3A_382, %sub3A_385 : vector<16xf32>
          %mul3A_407 = arith.mulf %mul3A_406, %sub3A_356 : vector<16xf32>
          %add3A_408 = arith.constant 256 : i32
          %add3A_409 = arith.addi %add3A_408, %mul3A_329 : i32
          %swap3A_410 = arith.index_cast %add3A_409 : i32 to index
          %swap3A_411 = tpu.vector_load %arg8[%swap3A_410] {strides = array<i32>} : memref<2048xi32, #tpu.memory_space<vmem>>, vector<16xi32>,
          tpu.vector_store %arg8[%swap3A_410], %and3A_405 {strides = array<i32>} : memref<2048xi32, #tpu.memory_space<vmem>>, vector<16xi32>,
          %add3A_412 = arith.constant 256 : i32
          %add3A_413 = arith.addi %add3A_412, %mul3A_329 : i32
          %swap3A_414 = arith.index_cast %add3A_413 : i32 to index
          %swap3A_415 = tpu.vector_load %arg10[%swap3A_414] {strides = array<i32>} : memref<2048xf32, #tpu.memory_space<vmem>>, vector<16xf32>,
          tpu.vector_store %arg10[%swap3A_414], %mul3A_407 {strides = array<i32>} : memref<2048xf32, #tpu.memory_space<vmem>>, vector<16xf32>,
          %xor3A_416 = arith.xori %convert_element_type3A_348, %mul3A_373 : vector<16xi32>
          %xor3A_417 = arith.xori %xor3A_416, %mul3A_376 : vector<16xi32>
          %and3A_418 = arith.constant 262143 : i32
          %and3A_419 = vector.broadcast %and3A_418 : i32 to vector<16xi32>
          %and3A_420 = arith.andi %xor3A_417, %and3A_419 : vector<16xi32>
          %mul3A_421 = arith.mulf %sub3A_382, %sub3A_354 : vector<16xf32>
          %mul3A_422 = arith.mulf %mul3A_421, %sub3A_388 : vector<16xf32>
          %add3A_423 = arith.constant 512 : i32
          %add3A_424 = arith.addi %add3A_423, %mul3A_329 : i32
          %swap3A_425 = arith.index_cast %add3A_424 : i32 to index
          %swap3A_426 = tpu.vector_load %arg8[%swap3A_425] {strides = array<i32>} : memref<2048xi32, #tpu.memory_space<vmem>>, vector<16xi32>,
          tpu.vector_store %arg8[%swap3A_425], %and3A_420 {strides = array<i32>} : memref<2048xi32, #tpu.memory_space<vmem>>, vector<16xi32>,
          %add3A_427 = arith.constant 512 : i32
          %add3A_428 = arith.addi %add3A_427, %mul3A_329 : i32
          %swap3A_429 = arith.index_cast %add3A_428 : i32 to index
          %swap3A_430 = tpu.vector_load %arg10[%swap3A_429] {strides = array<i32>} : memref<2048xf32, #tpu.memory_space<vmem>>, vector<16xf32>,
          tpu.vector_store %arg10[%swap3A_429], %mul3A_422 {strides = array<i32>} : memref<2048xf32, #tpu.memory_space<vmem>>, vector<16xf32>,
          %xor3A_431 = arith.xori %convert_element_type3A_348, %mul3A_373 : vector<16xi32>
          %xor3A_432 = arith.xori %xor3A_431, %mul3A_379 : vector<16xi32>
          %and3A_433 = arith.constant 262143 : i32
          %and3A_434 = vector.broadcast %and3A_433 : i32 to vector<16xi32>
          %and3A_435 = arith.andi %xor3A_432, %and3A_434 : vector<16xi32>
          %mul3A_436 = arith.mulf %sub3A_382, %sub3A_354 : vector<16xf32>
          %mul3A_437 = arith.mulf %mul3A_436, %sub3A_356 : vector<16xf32>
          %add3A_438 = arith.constant 768 : i32
          %add3A_439 = arith.addi %add3A_438, %mul3A_329 : i32
          %swap3A_440 = arith.index_cast %add3A_439 : i32 to index
          %swap3A_441 = tpu.vector_load %arg8[%swap3A_440] {strides = array<i32>} : memref<2048xi32, #tpu.memory_space<vmem>>, vector<16xi32>,
          tpu.vector_store %arg8[%swap3A_440], %and3A_435 {strides = array<i32>} : memref<2048xi32, #tpu.memory_space<vmem>>, vector<16xi32>,
          %add3A_442 = arith.constant 768 : i32
          %add3A_443 = arith.addi %add3A_442, %mul3A_329 : i32
          %swap3A_444 = arith.index_cast %add3A_443 : i32 to index
          %swap3A_445 = tpu.vector_load %arg10[%swap3A_444] {strides = array<i32>} : memref<2048xf32, #tpu.memory_space<vmem>>, vector<16xf32>,
          tpu.vector_store %arg10[%swap3A_444], %mul3A_437 {strides = array<i32>} : memref<2048xf32, #tpu.memory_space<vmem>>, vector<16xf32>,
          %xor3A_446 = arith.xori %min3A, %mul3A_370 : vector<16xi32>
          %xor3A_447 = arith.xori %xor3A_446, %mul3A_376 : vector<16xi32>
          %and3A_448 = arith.constant 262143 : i32
          %and3A_449 = vector.broadcast %and3A_448 : i32 to vector<16xi32>
          %and3A_450 = arith.andi %xor3A_447, %and3A_449 : vector<16xi32>
          %mul3A_451 = arith.mulf %sub3A_352, %sub3A_385 : vector<16xf32>
          %mul3A_452 = arith.mulf %mul3A_451, %sub3A_388 : vector<16xf32>
          %add3A_453 = arith.constant 1024 : i32
          %add3A_454 = arith.addi %add3A_453, %mul3A_329 : i32
          %swap3A_455 = arith.index_cast %add3A_454 : i32 to index
          %swap3A_456 = tpu.vector_load %arg8[%swap3A_455] {strides = array<i32>} : memref<2048xi32, #tpu.memory_space<vmem>>, vector<16xi32>,
          tpu.vector_store %arg8[%swap3A_455], %and3A_450 {strides = array<i32>} : memref<2048xi32, #tpu.memory_space<vmem>>, vector<16xi32>,
          %add3A_457 = arith.constant 1024 : i32
          %add3A_458 = arith.addi %add3A_457, %mul3A_329 : i32
          %swap3A_459 = arith.index_cast %add3A_458 : i32 to index
          %swap3A_460 = tpu.vector_load %arg10[%swap3A_459] {strides = array<i32>} : memref<2048xf32, #tpu.memory_space<vmem>>, vector<16xf32>,
          tpu.vector_store %arg10[%swap3A_459], %mul3A_452 {strides = array<i32>} : memref<2048xf32, #tpu.memory_space<vmem>>, vector<16xf32>,
          %xor3A_461 = arith.xori %min3A, %mul3A_370 : vector<16xi32>
          %xor3A_462 = arith.xori %xor3A_461, %mul3A_379 : vector<16xi32>
          %and3A_463 = arith.constant 262143 : i32
          %and3A_464 = vector.broadcast %and3A_463 : i32 to vector<16xi32>
          %and3A_465 = arith.andi %xor3A_462, %and3A_464 : vector<16xi32>
          %mul3A_466 = arith.mulf %sub3A_352, %sub3A_385 : vector<16xf32>
          %mul3A_467 = arith.mulf %mul3A_466, %sub3A_356 : vector<16xf32>
          %add3A_468 = arith.constant 1280 : i32
          %add3A_469 = arith.addi %add3A_468, %mul3A_329 : i32
          %swap3A_470 = arith.index_cast %add3A_469 : i32 to index
          %swap3A_471 = tpu.vector_load %arg8[%swap3A_470] {strides = array<i32>} : memref<2048xi32, #tpu.memory_space<vmem>>, vector<16xi32>,
          tpu.vector_store %arg8[%swap3A_470], %and3A_465 {strides = array<i32>} : memref<2048xi32, #tpu.memory_space<vmem>>, vector<16xi32>,
          %add3A_472 = arith.constant 1280 : i32
          %add3A_473 = arith.addi %add3A_472, %mul3A_329 : i32
          %swap3A_474 = arith.index_cast %add3A_473 : i32 to index
          %swap3A_475 = tpu.vector_load %arg10[%swap3A_474] {strides = array<i32>} : memref<2048xf32, #tpu.memory_space<vmem>>, vector<16xf32>,
          tpu.vector_store %arg10[%swap3A_474], %mul3A_467 {strides = array<i32>} : memref<2048xf32, #tpu.memory_space<vmem>>, vector<16xf32>,
          %xor3A_476 = arith.xori %min3A, %mul3A_373 : vector<16xi32>
          %xor3A_477 = arith.xori %xor3A_476, %mul3A_376 : vector<16xi32>
          %and3A_478 = arith.constant 262143 : i32
          %and3A_479 = vector.broadcast %and3A_478 : i32 to vector<16xi32>
          %and3A_480 = arith.andi %xor3A_477, %and3A_479 : vector<16xi32>
          %mul3A_481 = arith.mulf %sub3A_352, %sub3A_354 : vector<16xf32>
          %mul3A_482 = arith.mulf %mul3A_481, %sub3A_388 : vector<16xf32>
          %add3A_483 = arith.constant 1536 : i32
          %add3A_484 = arith.addi %add3A_483, %mul3A_329 : i32
          %swap3A_485 = arith.index_cast %add3A_484 : i32 to index
          %swap3A_486 = tpu.vector_load %arg8[%swap3A_485] {strides = array<i32>} : memref<2048xi32, #tpu.memory_space<vmem>>, vector<16xi32>,
          tpu.vector_store %arg8[%swap3A_485], %and3A_480 {strides = array<i32>} : memref<2048xi32, #tpu.memory_space<vmem>>, vector<16xi32>,
          %add3A_487 = arith.constant 1536 : i32
          %add3A_488 = arith.addi %add3A_487, %mul3A_329 : i32
          %swap3A_489 = arith.index_cast %add3A_488 : i32 to index
          %swap3A_490 = tpu.vector_load %arg10[%swap3A_489] {strides = array<i32>} : memref<2048xf32, #tpu.memory_space<vmem>>, vector<16xf32>,
          tpu.vector_store %arg10[%swap3A_489], %mul3A_482 {strides = array<i32>} : memref<2048xf32, #tpu.memory_space<vmem>>, vector<16xf32>,
          %xor3A_491 = arith.xori %min3A, %mul3A_373 : vector<16xi32>
          %xor3A_492 = arith.xori %xor3A_491, %mul3A_379 : vector<16xi32>
          %and3A_493 = arith.constant 262143 : i32
          %and3A_494 = vector.broadcast %and3A_493 : i32 to vector<16xi32>
          %and3A_495 = arith.andi %xor3A_492, %and3A_494 : vector<16xi32>
          %mul3A_496 = arith.mulf %sub3A_352, %sub3A_354 : vector<16xf32>
          %mul3A_497 = arith.mulf %mul3A_496, %sub3A_356 : vector<16xf32>
          %add3A_498 = arith.constant 1792 : i32
          %add3A_499 = arith.addi %add3A_498, %mul3A_329 : i32
          %swap3A_500 = arith.index_cast %add3A_499 : i32 to index
          %swap3A_501 = tpu.vector_load %arg8[%swap3A_500] {strides = array<i32>} : memref<2048xi32, #tpu.memory_space<vmem>>, vector<16xi32>,
          tpu.vector_store %arg8[%swap3A_500], %and3A_495 {strides = array<i32>} : memref<2048xi32, #tpu.memory_space<vmem>>, vector<16xi32>,
          %add3A_502 = arith.constant 1792 : i32
          %add3A_503 = arith.addi %add3A_502, %mul3A_329 : i32
          %swap3A_504 = arith.index_cast %add3A_503 : i32 to index
          %swap3A_505 = tpu.vector_load %arg10[%swap3A_504] {strides = array<i32>} : memref<2048xf32, #tpu.memory_space<vmem>>, vector<16xf32>,
          tpu.vector_store %arg10[%swap3A_504], %mul3A_497 {strides = array<i32>} : memref<2048xf32, #tpu.memory_space<vmem>>, vector<16xf32>,
          %scan3A_506 = arith.constant 0 : i32
          scf.yield %scan3A_506 : i32
        }
        %scan3A_271 = arith.constant 16 : i32
        %dma_wait3A_272 = arith.constant 0 : i32
        %dma_wait3A_273 = tpu.memref_slice %arg20[%dma_wait3A_272] : memref<524288xf32, #tpu.memory_space<vmem_shared>> -> memref<262144xf32, #tpu.memory_space<vmem_shared>>
        %dma_wait3A_274 = arith.constant 0 : i32
        %dma_wait3A_275 = tpu.memref_slice %dma_wait3A_273[%dma_wait3A_274] : memref<262144xf32, #tpu.memory_space<vmem_shared>> -> memref<262144xf32, #tpu.memory_space<vmem_shared>>
        tpu.wait_indirect_dma semaphore(%arg24 : memref<!tpu.dma_semaphore, #tpu.memory_space<semaphore_mem>>) src(%dma_wait3A_275 : memref<262144xf32, #tpu.memory_space<vmem_shared>>) dst(%arg13 : memref<2048xf32, #tpu.memory_space<vmem>>)
        %dma_wait3A_276 = arith.constant 262144 : i32
        %dma_wait3A_277 = tpu.memref_slice %arg20[%dma_wait3A_276] : memref<524288xf32, #tpu.memory_space<vmem_shared>> -> memref<262144xf32, #tpu.memory_space<vmem_shared>>
        %dma_wait3A_278 = arith.constant 0 : i32
        %dma_wait3A_279 = tpu.memref_slice %dma_wait3A_277[%dma_wait3A_278] : memref<262144xf32, #tpu.memory_space<vmem_shared>> -> memref<262144xf32, #tpu.memory_space<vmem_shared>>
        tpu.wait_indirect_dma semaphore(%arg25 : memref<!tpu.dma_semaphore, #tpu.memory_space<semaphore_mem>>) src(%dma_wait3A_279 : memref<262144xf32, #tpu.memory_space<vmem_shared>>) dst(%arg15 : memref<2048xf32, #tpu.memory_space<vmem>>)
        %dma_start3A_280 = arith.constant 0 : i32
        %dma_start3A_281 = tpu.memref_slice %arg20[%dma_start3A_280] : memref<524288xf32, #tpu.memory_space<vmem_shared>> -> memref<262144xf32, #tpu.memory_space<vmem_shared>>
        %dma_start3A_282 = arith.constant 0 : i32
        %dma_start3A_283 = tpu.memref_slice %dma_start3A_281[%dma_start3A_282] : memref<262144xf32, #tpu.memory_space<vmem_shared>> -> memref<262144xf32, #tpu.memory_space<vmem_shared>>
        tpu.enqueue_indirect_dma source(%dma_start3A_283 : memref<262144xf32, #tpu.memory_space<vmem_shared>>) target(%arg12 : memref<2048xf32, #tpu.memory_space<vmem>>) offsets(%arg8 : memref<2048xi32, #tpu.memory_space<vmem>>) semaphore(%arg22 : memref<!tpu.dma_semaphore, #tpu.memory_space<semaphore_mem>>)
        %dma_start3A_284 = arith.constant 262144 : i32
        %dma_start3A_285 = tpu.memref_slice %arg20[%dma_start3A_284] : memref<524288xf32, #tpu.memory_space<vmem_shared>> -> memref<262144xf32, #tpu.memory_space<vmem_shared>>
        %dma_start3A_286 = arith.constant 0 : i32
        %dma_start3A_287 = tpu.memref_slice %dma_start3A_285[%dma_start3A_286] : memref<262144xf32, #tpu.memory_space<vmem_shared>> -> memref<262144xf32, #tpu.memory_space<vmem_shared>>
        tpu.enqueue_indirect_dma source(%dma_start3A_287 : memref<262144xf32, #tpu.memory_space<vmem_shared>>) target(%arg14 : memref<2048xf32, #tpu.memory_space<vmem>>) offsets(%arg8 : memref<2048xi32, #tpu.memory_space<vmem>>) semaphore(%arg23 : memref<!tpu.dma_semaphore, #tpu.memory_space<semaphore_mem>>)
        %add3A_288 = arith.constant 1 : i32
        %add3A_289 = arith.addi %mul3A_190, %add3A_288 : i32
        %scan3A_290 = arith.constant 0 : i32
        %scan3A_291 = arith.constant 0 : i32
        %scan3A_292 = arith.constant 16 : i32
        %scan3A_293 = arith.addi %scan3A_291, %scan3A_292 : i32
        %scan3A_294 = arith.constant 1 : i32
        %scan3A_295 = scf.for %scan3A_326 = %scan3A_291 to %scan3A_293 step %scan3A_294 iter_args(%scan3A_327 = %scan3A_290) -> (i32)  : i32 {
          %mul3A_328 = arith.constant 16 : i32
          %mul3A_329 = arith.muli %scan3A_326, %mul3A_328 : i32
          %broadcast_in_dim3A = arith.constant 0.000000e+00 : f32
          %broadcast_in_dim3A_330 = vector.broadcast %broadcast_in_dim3A : f32 to vector<16xf32>
          %broadcast_in_dim3A_331 = arith.constant 0.000000e+00 : f32
          %broadcast_in_dim3A_332 = vector.broadcast %broadcast_in_dim3A_331 : f32 to vector<16xf32>
          %add3A_333 = arith.constant 0 : i32
          %add3A_334 = arith.addi %add3A_333, %mul3A_329 : i32
          %get3A_335 = arith.index_cast %add3A_334 : i32 to index
          %get3A_336 = tpu.vector_load %arg11[%get3A_335] {strides = array<i32>} : memref<2048xf32, #tpu.memory_space<vmem>>, vector<16xf32>,
          %add3A_337 = arith.constant 0 : i32
          %add3A_338 = arith.addi %add3A_337, %mul3A_329 : i32
          %get3A_339 = arith.index_cast %add3A_338 : i32 to index
          %get3A_340 = tpu.vector_load %arg13[%get3A_339] {strides = array<i32>} : memref<2048xf32, #tpu.memory_space<vmem>>, vector<16xf32>,
          %mul3A_341 = arith.mulf %get3A_336, %get3A_340 : vector<16xf32>
          %add3A_342 = arith.addf %broadcast_in_dim3A_330, %mul3A_341 : vector<16xf32>
          %add3A_343 = arith.constant 0 : i32
          %add3A_344 = arith.addi %add3A_343, %mul3A_329 : i32
          %get3A_345 = arith.index_cast %add3A_344 : i32 to index
          %get3A_346 = tpu.vector_load %arg15[%get3A_345] {strides = array<i32>} : memref<2048xf32, #tpu.memory_space<vmem>>, vector<16xf32>,
          %mul3A_347 = arith.mulf %get3A_336, %get3A_346 : vector<16xf32>
          %add3A_348 = arith.addf %broadcast_in_dim3A_332, %mul3A_347 : vector<16xf32>
          %add3A_349 = arith.constant 256 : i32
          %add3A_350 = arith.addi %add3A_349, %mul3A_329 : i32
          %get3A_351 = arith.index_cast %add3A_350 : i32 to index
          %get3A_352 = tpu.vector_load %arg11[%get3A_351] {strides = array<i32>} : memref<2048xf32, #tpu.memory_space<vmem>>, vector<16xf32>,
          %add3A_353 = arith.constant 256 : i32
          %add3A_354 = arith.addi %add3A_353, %mul3A_329 : i32
          %get3A_355 = arith.index_cast %add3A_354 : i32 to index
          %get3A_356 = tpu.vector_load %arg13[%get3A_355] {strides = array<i32>} : memref<2048xf32, #tpu.memory_space<vmem>>, vector<16xf32>,
          %mul3A_357 = arith.mulf %get3A_352, %get3A_356 : vector<16xf32>
          %add3A_358 = arith.addf %add3A_342, %mul3A_357 : vector<16xf32>
          %add3A_359 = arith.constant 256 : i32
          %add3A_360 = arith.addi %add3A_359, %mul3A_329 : i32
          %get3A_361 = arith.index_cast %add3A_360 : i32 to index
          %get3A_362 = tpu.vector_load %arg15[%get3A_361] {strides = array<i32>} : memref<2048xf32, #tpu.memory_space<vmem>>, vector<16xf32>,
          %mul3A_363 = arith.mulf %get3A_352, %get3A_362 : vector<16xf32>
          %add3A_364 = arith.addf %add3A_348, %mul3A_363 : vector<16xf32>
          %add3A_365 = arith.constant 512 : i32
          %add3A_366 = arith.addi %add3A_365, %mul3A_329 : i32
          %get3A_367 = arith.index_cast %add3A_366 : i32 to index
          %get3A_368 = tpu.vector_load %arg11[%get3A_367] {strides = array<i32>} : memref<2048xf32, #tpu.memory_space<vmem>>, vector<16xf32>,
          %add3A_369 = arith.constant 512 : i32
          %add3A_370 = arith.addi %add3A_369, %mul3A_329 : i32
          %get3A_371 = arith.index_cast %add3A_370 : i32 to index
          %get3A_372 = tpu.vector_load %arg13[%get3A_371] {strides = array<i32>} : memref<2048xf32, #tpu.memory_space<vmem>>, vector<16xf32>,
          %mul3A_373 = arith.mulf %get3A_368, %get3A_372 : vector<16xf32>
          %add3A_374 = arith.addf %add3A_358, %mul3A_373 : vector<16xf32>
          %add3A_375 = arith.constant 512 : i32
          %add3A_376 = arith.addi %add3A_375, %mul3A_329 : i32
          %get3A_377 = arith.index_cast %add3A_376 : i32 to index
          %get3A_378 = tpu.vector_load %arg15[%get3A_377] {strides = array<i32>} : memref<2048xf32, #tpu.memory_space<vmem>>, vector<16xf32>,
          %mul3A_379 = arith.mulf %get3A_368, %get3A_378 : vector<16xf32>
          %add3A_380 = arith.addf %add3A_364, %mul3A_379 : vector<16xf32>
          %add3A_381 = arith.constant 768 : i32
          %add3A_382 = arith.addi %add3A_381, %mul3A_329 : i32
          %get3A_383 = arith.index_cast %add3A_382 : i32 to index
          %get3A_384 = tpu.vector_load %arg11[%get3A_383] {strides = array<i32>} : memref<2048xf32, #tpu.memory_space<vmem>>, vector<16xf32>,
          %add3A_385 = arith.constant 768 : i32
          %add3A_386 = arith.addi %add3A_385, %mul3A_329 : i32
          %get3A_387 = arith.index_cast %add3A_386 : i32 to index
          %get3A_388 = tpu.vector_load %arg13[%get3A_387] {strides = array<i32>} : memref<2048xf32, #tpu.memory_space<vmem>>, vector<16xf32>,
          %mul3A_389 = arith.mulf %get3A_384, %get3A_388 : vector<16xf32>
          %add3A_390 = arith.addf %add3A_374, %mul3A_389 : vector<16xf32>
          %add3A_391 = arith.constant 768 : i32
          %add3A_392 = arith.addi %add3A_391, %mul3A_329 : i32
          %get3A_393 = arith.index_cast %add3A_392 : i32 to index
          %get3A_394 = tpu.vector_load %arg15[%get3A_393] {strides = array<i32>} : memref<2048xf32, #tpu.memory_space<vmem>>, vector<16xf32>,
          %mul3A_395 = arith.mulf %get3A_384, %get3A_394 : vector<16xf32>
          %add3A_396 = arith.addf %add3A_380, %mul3A_395 : vector<16xf32>
          %add3A_397 = arith.constant 1024 : i32
          %add3A_398 = arith.addi %add3A_397, %mul3A_329 : i32
          %get3A_399 = arith.index_cast %add3A_398 : i32 to index
          %get3A_400 = tpu.vector_load %arg11[%get3A_399] {strides = array<i32>} : memref<2048xf32, #tpu.memory_space<vmem>>, vector<16xf32>,
          %add3A_401 = arith.constant 1024 : i32
          %add3A_402 = arith.addi %add3A_401, %mul3A_329 : i32
          %get3A_403 = arith.index_cast %add3A_402 : i32 to index
          %get3A_404 = tpu.vector_load %arg13[%get3A_403] {strides = array<i32>} : memref<2048xf32, #tpu.memory_space<vmem>>, vector<16xf32>,
          %mul3A_405 = arith.mulf %get3A_400, %get3A_404 : vector<16xf32>
          %add3A_406 = arith.addf %add3A_390, %mul3A_405 : vector<16xf32>
          %add3A_407 = arith.constant 1024 : i32
          %add3A_408 = arith.addi %add3A_407, %mul3A_329 : i32
          %get3A_409 = arith.index_cast %add3A_408 : i32 to index
          %get3A_410 = tpu.vector_load %arg15[%get3A_409] {strides = array<i32>} : memref<2048xf32, #tpu.memory_space<vmem>>, vector<16xf32>,
          %mul3A_411 = arith.mulf %get3A_400, %get3A_410 : vector<16xf32>
          %add3A_412 = arith.addf %add3A_396, %mul3A_411 : vector<16xf32>
          %add3A_413 = arith.constant 1280 : i32
          %add3A_414 = arith.addi %add3A_413, %mul3A_329 : i32
          %get3A_415 = arith.index_cast %add3A_414 : i32 to index
          %get3A_416 = tpu.vector_load %arg11[%get3A_415] {strides = array<i32>} : memref<2048xf32, #tpu.memory_space<vmem>>, vector<16xf32>,
          %add3A_417 = arith.constant 1280 : i32
          %add3A_418 = arith.addi %add3A_417, %mul3A_329 : i32
          %get3A_419 = arith.index_cast %add3A_418 : i32 to index
          %get3A_420 = tpu.vector_load %arg13[%get3A_419] {strides = array<i32>} : memref<2048xf32, #tpu.memory_space<vmem>>, vector<16xf32>,
          %mul3A_421 = arith.mulf %get3A_416, %get3A_420 : vector<16xf32>
          %add3A_422 = arith.addf %add3A_406, %mul3A_421 : vector<16xf32>
          %add3A_423 = arith.constant 1280 : i32
          %add3A_424 = arith.addi %add3A_423, %mul3A_329 : i32
          %get3A_425 = arith.index_cast %add3A_424 : i32 to index
          %get3A_426 = tpu.vector_load %arg15[%get3A_425] {strides = array<i32>} : memref<2048xf32, #tpu.memory_space<vmem>>, vector<16xf32>,
          %mul3A_427 = arith.mulf %get3A_416, %get3A_426 : vector<16xf32>
          %add3A_428 = arith.addf %add3A_412, %mul3A_427 : vector<16xf32>
          %add3A_429 = arith.constant 1536 : i32
          %add3A_430 = arith.addi %add3A_429, %mul3A_329 : i32
          %get3A_431 = arith.index_cast %add3A_430 : i32 to index
          %get3A_432 = tpu.vector_load %arg11[%get3A_431] {strides = array<i32>} : memref<2048xf32, #tpu.memory_space<vmem>>, vector<16xf32>,
          %add3A_433 = arith.constant 1536 : i32
          %add3A_434 = arith.addi %add3A_433, %mul3A_329 : i32
          %get3A_435 = arith.index_cast %add3A_434 : i32 to index
          %get3A_436 = tpu.vector_load %arg13[%get3A_435] {strides = array<i32>} : memref<2048xf32, #tpu.memory_space<vmem>>, vector<16xf32>,
          %mul3A_437 = arith.mulf %get3A_432, %get3A_436 : vector<16xf32>
          %add3A_438 = arith.addf %add3A_422, %mul3A_437 : vector<16xf32>
          %add3A_439 = arith.constant 1536 : i32
          %add3A_440 = arith.addi %add3A_439, %mul3A_329 : i32
          %get3A_441 = arith.index_cast %add3A_440 : i32 to index
          %get3A_442 = tpu.vector_load %arg15[%get3A_441] {strides = array<i32>} : memref<2048xf32, #tpu.memory_space<vmem>>, vector<16xf32>,
          %mul3A_443 = arith.mulf %get3A_432, %get3A_442 : vector<16xf32>
          %add3A_444 = arith.addf %add3A_428, %mul3A_443 : vector<16xf32>
          %add3A_445 = arith.constant 1792 : i32
          %add3A_446 = arith.addi %add3A_445, %mul3A_329 : i32
          %get3A_447 = arith.index_cast %add3A_446 : i32 to index
          %get3A_448 = tpu.vector_load %arg11[%get3A_447] {strides = array<i32>} : memref<2048xf32, #tpu.memory_space<vmem>>, vector<16xf32>,
          %add3A_449 = arith.constant 1792 : i32
          %add3A_450 = arith.addi %add3A_449, %mul3A_329 : i32
          %get3A_451 = arith.index_cast %add3A_450 : i32 to index
          %get3A_452 = tpu.vector_load %arg13[%get3A_451] {strides = array<i32>} : memref<2048xf32, #tpu.memory_space<vmem>>, vector<16xf32>,
          %mul3A_453 = arith.mulf %get3A_448, %get3A_452 : vector<16xf32>
          %add3A_454 = arith.addf %add3A_438, %mul3A_453 : vector<16xf32>
          %add3A_455 = arith.constant 1792 : i32
          %add3A_456 = arith.addi %add3A_455, %mul3A_329 : i32
          %get3A_457 = arith.index_cast %add3A_456 : i32 to index
          %get3A_458 = tpu.vector_load %arg15[%get3A_457] {strides = array<i32>} : memref<2048xf32, #tpu.memory_space<vmem>>, vector<16xf32>,
          %mul3A_459 = arith.mulf %get3A_448, %get3A_458 : vector<16xf32>
          %add3A_460 = arith.addf %add3A_444, %mul3A_459 : vector<16xf32>
          %swap3A = arith.index_cast %mul3A_329 : i32 to index
          %swap3A_461 = tpu.vector_load %arg17[%swap3A] {strides = array<i32>} : memref<256xf32, #tpu.memory_space<vmem>>, vector<16xf32>,
          tpu.vector_store %arg17[%swap3A], %add3A_454 {strides = array<i32>} : memref<256xf32, #tpu.memory_space<vmem>>, vector<16xf32>,
          %swap3A_462 = arith.index_cast %mul3A_329 : i32 to index
          %swap3A_463 = tpu.vector_load %arg19[%swap3A_462] {strides = array<i32>} : memref<256xf32, #tpu.memory_space<vmem>>, vector<16xf32>,
          tpu.vector_store %arg19[%swap3A_462], %add3A_460 {strides = array<i32>} : memref<256xf32, #tpu.memory_space<vmem>>, vector<16xf32>,
          %scan3A_464 = arith.constant 0 : i32
          scf.yield %scan3A_464 : i32
        }
        %scan3A_296 = arith.constant 16 : i32
        %mul3A_297 = arith.constant 256 : i32
        %mul3A_298 = arith.muli %add3A_289, %mul3A_297 : i32
        %mul3A_299 = arith.constant 2 : i32
        %mul3A_300 = arith.muli %mul3A_299, %scan3A_29 : i32
        %mul3A_301 = arith.constant 262144 : i32
        %mul3A_302 = arith.muli %mul3A_300, %mul3A_301 : i32
        %add3A_303 = arith.addi %mul3A_302, %mul3A_2 : i32
        %add3A_304 = arith.addi %add3A_303, %mul3A_298 : i32
        %dma_start3A_305 = tpu.memref_slice %arg6[%add3A_304] : memref<8388608xf32, #tpu.memory_space<hbm>> -> memref<256xf32, #tpu.memory_space<hbm>>
        %dma_start3A_306 = tpu.memref_slice %arg6[%add3A_304] : memref<8388608xf32, #tpu.memory_space<hbm>> -> memref<256xf32, #tpu.memory_space<hbm>>
        tpu.enqueue_dma source(%arg17 : memref<256xf32, #tpu.memory_space<vmem>>) target(%dma_start3A_306 : memref<256xf32, #tpu.memory_space<hbm>>) target_semaphore(%arg28 : memref<!tpu.dma_semaphore, #tpu.memory_space<semaphore_mem>>)
        %mul3A_307 = arith.constant 2 : i32
        %mul3A_308 = arith.muli %mul3A_307, %scan3A_29 : i32
        %add3A_309 = arith.constant 1 : i32
        %add3A_310 = arith.addi %mul3A_308, %add3A_309 : i32
        %mul3A_311 = arith.constant 262144 : i32
        %mul3A_312 = arith.muli %add3A_310, %mul3A_311 : i32
        %add3A_313 = arith.addi %mul3A_312, %mul3A_2 : i32
        %add3A_314 = arith.addi %add3A_313, %mul3A_298 : i32
        %dma_start3A_315 = tpu.memref_slice %arg6[%add3A_314] : memref<8388608xf32, #tpu.memory_space<hbm>> -> memref<256xf32, #tpu.memory_space<hbm>>
        %dma_start3A_316 = tpu.memref_slice %arg6[%add3A_314] : memref<8388608xf32, #tpu.memory_space<hbm>> -> memref<256xf32, #tpu.memory_space<hbm>>
        tpu.enqueue_dma source(%arg19 : memref<256xf32, #tpu.memory_space<vmem>>) target(%dma_start3A_316 : memref<256xf32, #tpu.memory_space<hbm>>) target_semaphore(%arg28 : memref<!tpu.dma_semaphore, #tpu.memory_space<semaphore_mem>>)
        %dma_wait3A_317 = tpu.memref_slice %arg6[%add3A_240] : memref<8388608xf32, #tpu.memory_space<hbm>> -> memref<256xf32, #tpu.memory_space<hbm>>
        %dma_wait3A_318 = tpu.memref_slice %arg6[%add3A_240] : memref<8388608xf32, #tpu.memory_space<hbm>> -> memref<256xf32, #tpu.memory_space<hbm>>
        tpu.wait_dma2 semaphore(%arg28 : memref<!tpu.dma_semaphore, #tpu.memory_space<semaphore_mem>>) src(%arg16 : memref<256xf32, #tpu.memory_space<vmem>>) dst(%dma_wait3A_318 : memref<256xf32, #tpu.memory_space<hbm>>)
        %dma_wait3A_319 = tpu.memref_slice %arg6[%add3A_250] : memref<8388608xf32, #tpu.memory_space<hbm>> -> memref<256xf32, #tpu.memory_space<hbm>>
        %dma_wait3A_320 = tpu.memref_slice %arg6[%add3A_250] : memref<8388608xf32, #tpu.memory_space<hbm>> -> memref<256xf32, #tpu.memory_space<hbm>>
        tpu.wait_dma2 semaphore(%arg28 : memref<!tpu.dma_semaphore, #tpu.memory_space<semaphore_mem>>) src(%arg18 : memref<256xf32, #tpu.memory_space<vmem>>) dst(%dma_wait3A_320 : memref<256xf32, #tpu.memory_space<hbm>>)
        %dma_wait3A_321 = tpu.memref_slice %arg6[%add3A_304] : memref<8388608xf32, #tpu.memory_space<hbm>> -> memref<256xf32, #tpu.memory_space<hbm>>
        %dma_wait3A_322 = tpu.memref_slice %arg6[%add3A_304] : memref<8388608xf32, #tpu.memory_space<hbm>> -> memref<256xf32, #tpu.memory_space<hbm>>
        tpu.wait_dma2 semaphore(%arg28 : memref<!tpu.dma_semaphore, #tpu.memory_space<semaphore_mem>>) src(%arg17 : memref<256xf32, #tpu.memory_space<vmem>>) dst(%dma_wait3A_322 : memref<256xf32, #tpu.memory_space<hbm>>)
        %dma_wait3A_323 = tpu.memref_slice %arg6[%add3A_314] : memref<8388608xf32, #tpu.memory_space<hbm>> -> memref<256xf32, #tpu.memory_space<hbm>>
        %dma_wait3A_324 = tpu.memref_slice %arg6[%add3A_314] : memref<8388608xf32, #tpu.memory_space<hbm>> -> memref<256xf32, #tpu.memory_space<hbm>>
        tpu.wait_dma2 semaphore(%arg28 : memref<!tpu.dma_semaphore, #tpu.memory_space<semaphore_mem>>) src(%arg19 : memref<256xf32, #tpu.memory_space<vmem>>) dst(%dma_wait3A_324 : memref<256xf32, #tpu.memory_space<hbm>>)
        %scan3A_325 = arith.constant 0 : i32
        scf.yield %scan3A_325 : i32
      }
      %scan3A_84 = arith.constant 15 : i32
      %mul3A_85 = arith.constant 16 : i32
      %mul3A_86 = arith.muli %scan3A_29, %mul3A_85 : i32
      %get3A_87 = arith.index_cast %mul3A_86 : i32 to index
      %get3A_88 = tpu.vector_load %arg21[%get3A_87] {strides = array<i32>} : memref<256xi32, #tpu.memory_space<vmem>>, vector<16xi32>,
      %sub3A_89 = arith.constant 1 : i32
      %sub3A_90 = vector.broadcast %sub3A_89 : i32 to vector<16xi32>
      %sub3A_91 = arith.subi %get3A_88, %sub3A_90 : vector<16xi32>
      %convert_element_type3A_92 = arith.sitofp %sub3A_91 : vector<16xi32> to vector<16xf32>
      %scan3A_93 = arith.constant 0 : i32
      %scan3A_94 = arith.constant 0 : i32
      %scan3A_95 = arith.constant 16 : i32
      %scan3A_96 = arith.addi %scan3A_94, %scan3A_95 : i32
      %scan3A_97 = arith.constant 1 : i32
      %scan3A_98 = scf.for %scan3A_187 = %scan3A_94 to %scan3A_96 step %scan3A_97 iter_args(%scan3A_188 = %scan3A_93) -> (i32)  : i32 {
        %mul3A_189 = arith.constant 16 : i32
        %mul3A_190 = arith.muli %scan3A_187, %mul3A_189 : i32
        %add3A_191 = arith.constant 7936 : i32
        %add3A_192 = arith.addi %add3A_191, %mul3A_190 : i32
        %get3A_193 = arith.index_cast %add3A_192 : i32 to index
        %get3A_194 = tpu.vector_load %arg7[%get3A_193] {strides = array<i32>} : memref<24576xf32, #tpu.memory_space<vmem>>, vector<16xf32>,
        %add3A_195 = arith.constant 16128 : i32
        %add3A_196 = arith.addi %add3A_195, %mul3A_190 : i32
        %get3A_197 = arith.index_cast %add3A_196 : i32 to index
        %get3A_198 = tpu.vector_load %arg7[%get3A_197] {strides = array<i32>} : memref<24576xf32, #tpu.memory_space<vmem>>, vector<16xf32>,
        %add3A_199 = arith.constant 24320 : i32
        %add3A_200 = arith.addi %add3A_199, %mul3A_190 : i32
        %get3A_201 = arith.index_cast %add3A_200 : i32 to index
        %get3A_202 = tpu.vector_load %arg7[%get3A_201] {strides = array<i32>} : memref<24576xf32, #tpu.memory_space<vmem>>, vector<16xf32>,
        %mul3A_203 = arith.mulf %get3A_194, %convert_element_type3A_92 : vector<16xf32>
        %mul3A_204 = arith.mulf %get3A_198, %convert_element_type3A_92 : vector<16xf32>
        %mul3A_205 = arith.mulf %get3A_202, %convert_element_type3A_92 : vector<16xf32>
        %convert_element_type3A_206 = arith.fptosi %mul3A_203 : vector<16xf32> to vector<16xi32>
        %convert_element_type3A_207 = arith.fptosi %mul3A_204 : vector<16xf32> to vector<16xi32>
        %convert_element_type3A_208 = arith.fptosi %mul3A_205 : vector<16xf32> to vector<16xi32>
        %convert_element_type3A_209 = arith.sitofp %convert_element_type3A_206 : vector<16xi32> to vector<16xf32>
        %sub3A_210 = arith.subf %mul3A_203, %convert_element_type3A_209 : vector<16xf32>
        %convert_element_type3A_211 = arith.sitofp %convert_element_type3A_207 : vector<16xi32> to vector<16xf32>
        %sub3A_212 = arith.subf %mul3A_204, %convert_element_type3A_211 : vector<16xf32>
        %convert_element_type3A_213 = arith.sitofp %convert_element_type3A_208 : vector<16xi32> to vector<16xf32>
        %sub3A_214 = arith.subf %mul3A_205, %convert_element_type3A_213 : vector<16xf32>
        %add3A_215 = arith.constant 1 : i32
        %add3A_216 = vector.broadcast %add3A_215 : i32 to vector<16xi32>
        %add3A_217 = arith.addi %convert_element_type3A_206, %add3A_216 : vector<16xi32>
        %min3A = arith.minsi %add3A_217, %sub3A_91 : vector<16xi32>
        %add3A_218 = arith.constant 1 : i32
        %add3A_219 = vector.broadcast %add3A_218 : i32 to vector<16xi32>
        %add3A_220 = arith.addi %convert_element_type3A_207, %add3A_219 : vector<16xi32>
        %min3A_221 = arith.minsi %add3A_220, %sub3A_91 : vector<16xi32>
        %add3A_222 = arith.constant 1 : i32
        %add3A_223 = vector.broadcast %add3A_222 : i32 to vector<16xi32>
        %add3A_224 = arith.addi %convert_element_type3A_208, %add3A_223 : vector<16xi32>
        %min3A_225 = arith.minsi %add3A_224, %sub3A_91 : vector<16xi32>
        %mul3A_226 = arith.constant -1640531535 : i32
        %mul3A_227 = vector.broadcast %mul3A_226 : i32 to vector<16xi32>
        %mul3A_228 = arith.muli %convert_element_type3A_207, %mul3A_227 : vector<16xi32>
        %mul3A_229 = arith.constant -1640531535 : i32
        %mul3A_230 = vector.broadcast %mul3A_229 : i32 to vector<16xi32>
        %mul3A_231 = arith.muli %min3A_221, %mul3A_230 : vector<16xi32>
        %mul3A_232 = arith.constant 805459861 : i32
        %mul3A_233 = vector.broadcast %mul3A_232 : i32 to vector<16xi32>
        %mul3A_234 = arith.muli %convert_element_type3A_208, %mul3A_233 : vector<16xi32>
        %mul3A_235 = arith.constant 805459861 : i32
        %mul3A_236 = vector.broadcast %mul3A_235 : i32 to vector<16xi32>
        %mul3A_237 = arith.muli %min3A_225, %mul3A_236 : vector<16xi32>
        %sub3A_238 = arith.constant 1.000000e+00 : f32
        %sub3A_239 = vector.broadcast %sub3A_238 : f32 to vector<16xf32>
        %sub3A_240 = arith.subf %sub3A_239, %sub3A_210 : vector<16xf32>
        %sub3A_241 = arith.constant 1.000000e+00 : f32
        %sub3A_242 = vector.broadcast %sub3A_241 : f32 to vector<16xf32>
        %sub3A_243 = arith.subf %sub3A_242, %sub3A_212 : vector<16xf32>
        %sub3A_244 = arith.constant 1.000000e+00 : f32
        %sub3A_245 = vector.broadcast %sub3A_244 : f32 to vector<16xf32>
        %sub3A_246 = arith.subf %sub3A_245, %sub3A_214 : vector<16xf32>
        %xor3A = arith.xori %convert_element_type3A_206, %mul3A_228 : vector<16xi32>
        %xor3A_247 = arith.xori %xor3A, %mul3A_234 : vector<16xi32>
        %and3A = arith.constant 262143 : i32
        %and3A_248 = vector.broadcast %and3A : i32 to vector<16xi32>
        %and3A_249 = arith.andi %xor3A_247, %and3A_248 : vector<16xi32>
        %mul3A_250 = arith.mulf %sub3A_240, %sub3A_243 : vector<16xf32>
        %mul3A_251 = arith.mulf %mul3A_250, %sub3A_246 : vector<16xf32>
        %add3A_252 = arith.constant 0 : i32
        %add3A_253 = arith.addi %add3A_252, %mul3A_190 : i32
        %swap3A = arith.index_cast %add3A_253 : i32 to index
        %swap3A_254 = tpu.vector_load %arg9[%swap3A] {strides = array<i32>} : memref<2048xi32, #tpu.memory_space<vmem>>, vector<16xi32>,
        tpu.vector_store %arg9[%swap3A], %and3A_249 {strides = array<i32>} : memref<2048xi32, #tpu.memory_space<vmem>>, vector<16xi32>,
        %add3A_255 = arith.constant 0 : i32
        %add3A_256 = arith.addi %add3A_255, %mul3A_190 : i32
        %swap3A_257 = arith.index_cast %add3A_256 : i32 to index
        %swap3A_258 = tpu.vector_load %arg11[%swap3A_257] {strides = array<i32>} : memref<2048xf32, #tpu.memory_space<vmem>>, vector<16xf32>,
        tpu.vector_store %arg11[%swap3A_257], %mul3A_251 {strides = array<i32>} : memref<2048xf32, #tpu.memory_space<vmem>>, vector<16xf32>,
        %xor3A_259 = arith.xori %convert_element_type3A_206, %mul3A_228 : vector<16xi32>
        %xor3A_260 = arith.xori %xor3A_259, %mul3A_237 : vector<16xi32>
        %and3A_261 = arith.constant 262143 : i32
        %and3A_262 = vector.broadcast %and3A_261 : i32 to vector<16xi32>
        %and3A_263 = arith.andi %xor3A_260, %and3A_262 : vector<16xi32>
        %mul3A_264 = arith.mulf %sub3A_240, %sub3A_243 : vector<16xf32>
        %mul3A_265 = arith.mulf %mul3A_264, %sub3A_214 : vector<16xf32>
        %add3A_266 = arith.constant 256 : i32
        %add3A_267 = arith.addi %add3A_266, %mul3A_190 : i32
        %swap3A_268 = arith.index_cast %add3A_267 : i32 to index
        %swap3A_269 = tpu.vector_load %arg9[%swap3A_268] {strides = array<i32>} : memref<2048xi32, #tpu.memory_space<vmem>>, vector<16xi32>,
        tpu.vector_store %arg9[%swap3A_268], %and3A_263 {strides = array<i32>} : memref<2048xi32, #tpu.memory_space<vmem>>, vector<16xi32>,
        %add3A_270 = arith.constant 256 : i32
        %add3A_271 = arith.addi %add3A_270, %mul3A_190 : i32
        %swap3A_272 = arith.index_cast %add3A_271 : i32 to index
        %swap3A_273 = tpu.vector_load %arg11[%swap3A_272] {strides = array<i32>} : memref<2048xf32, #tpu.memory_space<vmem>>, vector<16xf32>,
        tpu.vector_store %arg11[%swap3A_272], %mul3A_265 {strides = array<i32>} : memref<2048xf32, #tpu.memory_space<vmem>>, vector<16xf32>,
        %xor3A_274 = arith.xori %convert_element_type3A_206, %mul3A_231 : vector<16xi32>
        %xor3A_275 = arith.xori %xor3A_274, %mul3A_234 : vector<16xi32>
        %and3A_276 = arith.constant 262143 : i32
        %and3A_277 = vector.broadcast %and3A_276 : i32 to vector<16xi32>
        %and3A_278 = arith.andi %xor3A_275, %and3A_277 : vector<16xi32>
        %mul3A_279 = arith.mulf %sub3A_240, %sub3A_212 : vector<16xf32>
        %mul3A_280 = arith.mulf %mul3A_279, %sub3A_246 : vector<16xf32>
        %add3A_281 = arith.constant 512 : i32
        %add3A_282 = arith.addi %add3A_281, %mul3A_190 : i32
        %swap3A_283 = arith.index_cast %add3A_282 : i32 to index
        %swap3A_284 = tpu.vector_load %arg9[%swap3A_283] {strides = array<i32>} : memref<2048xi32, #tpu.memory_space<vmem>>, vector<16xi32>,
        tpu.vector_store %arg9[%swap3A_283], %and3A_278 {strides = array<i32>} : memref<2048xi32, #tpu.memory_space<vmem>>, vector<16xi32>,
        %add3A_285 = arith.constant 512 : i32
        %add3A_286 = arith.addi %add3A_285, %mul3A_190 : i32
        %swap3A_287 = arith.index_cast %add3A_286 : i32 to index
        %swap3A_288 = tpu.vector_load %arg11[%swap3A_287] {strides = array<i32>} : memref<2048xf32, #tpu.memory_space<vmem>>, vector<16xf32>,
        tpu.vector_store %arg11[%swap3A_287], %mul3A_280 {strides = array<i32>} : memref<2048xf32, #tpu.memory_space<vmem>>, vector<16xf32>,
        %xor3A_289 = arith.xori %convert_element_type3A_206, %mul3A_231 : vector<16xi32>
        %xor3A_290 = arith.xori %xor3A_289, %mul3A_237 : vector<16xi32>
        %and3A_291 = arith.constant 262143 : i32
        %and3A_292 = vector.broadcast %and3A_291 : i32 to vector<16xi32>
        %and3A_293 = arith.andi %xor3A_290, %and3A_292 : vector<16xi32>
        %mul3A_294 = arith.mulf %sub3A_240, %sub3A_212 : vector<16xf32>
        %mul3A_295 = arith.mulf %mul3A_294, %sub3A_214 : vector<16xf32>
        %add3A_296 = arith.constant 768 : i32
        %add3A_297 = arith.addi %add3A_296, %mul3A_190 : i32
        %swap3A_298 = arith.index_cast %add3A_297 : i32 to index
        %swap3A_299 = tpu.vector_load %arg9[%swap3A_298] {strides = array<i32>} : memref<2048xi32, #tpu.memory_space<vmem>>, vector<16xi32>,
        tpu.vector_store %arg9[%swap3A_298], %and3A_293 {strides = array<i32>} : memref<2048xi32, #tpu.memory_space<vmem>>, vector<16xi32>,
        %add3A_300 = arith.constant 768 : i32
        %add3A_301 = arith.addi %add3A_300, %mul3A_190 : i32
        %swap3A_302 = arith.index_cast %add3A_301 : i32 to index
        %swap3A_303 = tpu.vector_load %arg11[%swap3A_302] {strides = array<i32>} : memref<2048xf32, #tpu.memory_space<vmem>>, vector<16xf32>,
        tpu.vector_store %arg11[%swap3A_302], %mul3A_295 {strides = array<i32>} : memref<2048xf32, #tpu.memory_space<vmem>>, vector<16xf32>,
        %xor3A_304 = arith.xori %min3A, %mul3A_228 : vector<16xi32>
        %xor3A_305 = arith.xori %xor3A_304, %mul3A_234 : vector<16xi32>
        %and3A_306 = arith.constant 262143 : i32
        %and3A_307 = vector.broadcast %and3A_306 : i32 to vector<16xi32>
        %and3A_308 = arith.andi %xor3A_305, %and3A_307 : vector<16xi32>
        %mul3A_309 = arith.mulf %sub3A_210, %sub3A_243 : vector<16xf32>
        %mul3A_310 = arith.mulf %mul3A_309, %sub3A_246 : vector<16xf32>
        %add3A_311 = arith.constant 1024 : i32
        %add3A_312 = arith.addi %add3A_311, %mul3A_190 : i32
        %swap3A_313 = arith.index_cast %add3A_312 : i32 to index
        %swap3A_314 = tpu.vector_load %arg9[%swap3A_313] {strides = array<i32>} : memref<2048xi32, #tpu.memory_space<vmem>>, vector<16xi32>,
        tpu.vector_store %arg9[%swap3A_313], %and3A_308 {strides = array<i32>} : memref<2048xi32, #tpu.memory_space<vmem>>, vector<16xi32>,
        %add3A_315 = arith.constant 1024 : i32
        %add3A_316 = arith.addi %add3A_315, %mul3A_190 : i32
        %swap3A_317 = arith.index_cast %add3A_316 : i32 to index
        %swap3A_318 = tpu.vector_load %arg11[%swap3A_317] {strides = array<i32>} : memref<2048xf32, #tpu.memory_space<vmem>>, vector<16xf32>,
        tpu.vector_store %arg11[%swap3A_317], %mul3A_310 {strides = array<i32>} : memref<2048xf32, #tpu.memory_space<vmem>>, vector<16xf32>,
        %xor3A_319 = arith.xori %min3A, %mul3A_228 : vector<16xi32>
        %xor3A_320 = arith.xori %xor3A_319, %mul3A_237 : vector<16xi32>
        %and3A_321 = arith.constant 262143 : i32
        %and3A_322 = vector.broadcast %and3A_321 : i32 to vector<16xi32>
        %and3A_323 = arith.andi %xor3A_320, %and3A_322 : vector<16xi32>
        %mul3A_324 = arith.mulf %sub3A_210, %sub3A_243 : vector<16xf32>
        %mul3A_325 = arith.mulf %mul3A_324, %sub3A_214 : vector<16xf32>
        %add3A_326 = arith.constant 1280 : i32
        %add3A_327 = arith.addi %add3A_326, %mul3A_190 : i32
        %swap3A_328 = arith.index_cast %add3A_327 : i32 to index
        %swap3A_329 = tpu.vector_load %arg9[%swap3A_328] {strides = array<i32>} : memref<2048xi32, #tpu.memory_space<vmem>>, vector<16xi32>,
        tpu.vector_store %arg9[%swap3A_328], %and3A_323 {strides = array<i32>} : memref<2048xi32, #tpu.memory_space<vmem>>, vector<16xi32>,
        %add3A_330 = arith.constant 1280 : i32
        %add3A_331 = arith.addi %add3A_330, %mul3A_190 : i32
        %swap3A_332 = arith.index_cast %add3A_331 : i32 to index
        %swap3A_333 = tpu.vector_load %arg11[%swap3A_332] {strides = array<i32>} : memref<2048xf32, #tpu.memory_space<vmem>>, vector<16xf32>,
        tpu.vector_store %arg11[%swap3A_332], %mul3A_325 {strides = array<i32>} : memref<2048xf32, #tpu.memory_space<vmem>>, vector<16xf32>,
        %xor3A_334 = arith.xori %min3A, %mul3A_231 : vector<16xi32>
        %xor3A_335 = arith.xori %xor3A_334, %mul3A_234 : vector<16xi32>
        %and3A_336 = arith.constant 262143 : i32
        %and3A_337 = vector.broadcast %and3A_336 : i32 to vector<16xi32>
        %and3A_338 = arith.andi %xor3A_335, %and3A_337 : vector<16xi32>
        %mul3A_339 = arith.mulf %sub3A_210, %sub3A_212 : vector<16xf32>
        %mul3A_340 = arith.mulf %mul3A_339, %sub3A_246 : vector<16xf32>
        %add3A_341 = arith.constant 1536 : i32
        %add3A_342 = arith.addi %add3A_341, %mul3A_190 : i32
        %swap3A_343 = arith.index_cast %add3A_342 : i32 to index
        %swap3A_344 = tpu.vector_load %arg9[%swap3A_343] {strides = array<i32>} : memref<2048xi32, #tpu.memory_space<vmem>>, vector<16xi32>,
        tpu.vector_store %arg9[%swap3A_343], %and3A_338 {strides = array<i32>} : memref<2048xi32, #tpu.memory_space<vmem>>, vector<16xi32>,
        %add3A_345 = arith.constant 1536 : i32
        %add3A_346 = arith.addi %add3A_345, %mul3A_190 : i32
        %swap3A_347 = arith.index_cast %add3A_346 : i32 to index
        %swap3A_348 = tpu.vector_load %arg11[%swap3A_347] {strides = array<i32>} : memref<2048xf32, #tpu.memory_space<vmem>>, vector<16xf32>,
        tpu.vector_store %arg11[%swap3A_347], %mul3A_340 {strides = array<i32>} : memref<2048xf32, #tpu.memory_space<vmem>>, vector<16xf32>,
        %xor3A_349 = arith.xori %min3A, %mul3A_231 : vector<16xi32>
        %xor3A_350 = arith.xori %xor3A_349, %mul3A_237 : vector<16xi32>
        %and3A_351 = arith.constant 262143 : i32
        %and3A_352 = vector.broadcast %and3A_351 : i32 to vector<16xi32>
        %and3A_353 = arith.andi %xor3A_350, %and3A_352 : vector<16xi32>
        %mul3A_354 = arith.mulf %sub3A_210, %sub3A_212 : vector<16xf32>
        %mul3A_355 = arith.mulf %mul3A_354, %sub3A_214 : vector<16xf32>
        %add3A_356 = arith.constant 1792 : i32
        %add3A_357 = arith.addi %add3A_356, %mul3A_190 : i32
        %swap3A_358 = arith.index_cast %add3A_357 : i32 to index
        %swap3A_359 = tpu.vector_load %arg9[%swap3A_358] {strides = array<i32>} : memref<2048xi32, #tpu.memory_space<vmem>>, vector<16xi32>,
        tpu.vector_store %arg9[%swap3A_358], %and3A_353 {strides = array<i32>} : memref<2048xi32, #tpu.memory_space<vmem>>, vector<16xi32>,
        %add3A_360 = arith.constant 1792 : i32
        %add3A_361 = arith.addi %add3A_360, %mul3A_190 : i32
        %swap3A_362 = arith.index_cast %add3A_361 : i32 to index
        %swap3A_363 = tpu.vector_load %arg11[%swap3A_362] {strides = array<i32>} : memref<2048xf32, #tpu.memory_space<vmem>>, vector<16xf32>,
        tpu.vector_store %arg11[%swap3A_362], %mul3A_355 {strides = array<i32>} : memref<2048xf32, #tpu.memory_space<vmem>>, vector<16xf32>,
        %scan3A_364 = arith.constant 0 : i32
        scf.yield %scan3A_364 : i32
      }
      %scan3A_99 = arith.constant 16 : i32
      %dma_wait3A_100 = arith.constant 0 : i32
      %dma_wait3A_101 = tpu.memref_slice %arg20[%dma_wait3A_100] : memref<524288xf32, #tpu.memory_space<vmem_shared>> -> memref<262144xf32, #tpu.memory_space<vmem_shared>>
      %dma_wait3A_102 = arith.constant 0 : i32
      %dma_wait3A_103 = tpu.memref_slice %dma_wait3A_101[%dma_wait3A_102] : memref<262144xf32, #tpu.memory_space<vmem_shared>> -> memref<262144xf32, #tpu.memory_space<vmem_shared>>
      tpu.wait_indirect_dma semaphore(%arg22 : memref<!tpu.dma_semaphore, #tpu.memory_space<semaphore_mem>>) src(%dma_wait3A_103 : memref<262144xf32, #tpu.memory_space<vmem_shared>>) dst(%arg12 : memref<2048xf32, #tpu.memory_space<vmem>>)
      %dma_wait3A_104 = arith.constant 262144 : i32
      %dma_wait3A_105 = tpu.memref_slice %arg20[%dma_wait3A_104] : memref<524288xf32, #tpu.memory_space<vmem_shared>> -> memref<262144xf32, #tpu.memory_space<vmem_shared>>
      %dma_wait3A_106 = arith.constant 0 : i32
      %dma_wait3A_107 = tpu.memref_slice %dma_wait3A_105[%dma_wait3A_106] : memref<262144xf32, #tpu.memory_space<vmem_shared>> -> memref<262144xf32, #tpu.memory_space<vmem_shared>>
      tpu.wait_indirect_dma semaphore(%arg23 : memref<!tpu.dma_semaphore, #tpu.memory_space<semaphore_mem>>) src(%dma_wait3A_107 : memref<262144xf32, #tpu.memory_space<vmem_shared>>) dst(%arg14 : memref<2048xf32, #tpu.memory_space<vmem>>)
      %dma_start3A_108 = arith.constant 0 : i32
      %dma_start3A_109 = tpu.memref_slice %arg20[%dma_start3A_108] : memref<524288xf32, #tpu.memory_space<vmem_shared>> -> memref<262144xf32, #tpu.memory_space<vmem_shared>>
      %dma_start3A_110 = arith.constant 0 : i32
      %dma_start3A_111 = tpu.memref_slice %dma_start3A_109[%dma_start3A_110] : memref<262144xf32, #tpu.memory_space<vmem_shared>> -> memref<262144xf32, #tpu.memory_space<vmem_shared>>
      tpu.enqueue_indirect_dma source(%dma_start3A_111 : memref<262144xf32, #tpu.memory_space<vmem_shared>>) target(%arg13 : memref<2048xf32, #tpu.memory_space<vmem>>) offsets(%arg9 : memref<2048xi32, #tpu.memory_space<vmem>>) semaphore(%arg24 : memref<!tpu.dma_semaphore, #tpu.memory_space<semaphore_mem>>)
      %dma_start3A_112 = arith.constant 262144 : i32
      %dma_start3A_113 = tpu.memref_slice %arg20[%dma_start3A_112] : memref<524288xf32, #tpu.memory_space<vmem_shared>> -> memref<262144xf32, #tpu.memory_space<vmem_shared>>
      %dma_start3A_114 = arith.constant 0 : i32
      %dma_start3A_115 = tpu.memref_slice %dma_start3A_113[%dma_start3A_114] : memref<262144xf32, #tpu.memory_space<vmem_shared>> -> memref<262144xf32, #tpu.memory_space<vmem_shared>>
      tpu.enqueue_indirect_dma source(%dma_start3A_115 : memref<262144xf32, #tpu.memory_space<vmem_shared>>) target(%arg15 : memref<2048xf32, #tpu.memory_space<vmem>>) offsets(%arg9 : memref<2048xi32, #tpu.memory_space<vmem>>) semaphore(%arg25 : memref<!tpu.dma_semaphore, #tpu.memory_space<semaphore_mem>>)
      %scan3A_116 = arith.constant 0 : i32
      %scan3A_117 = arith.constant 0 : i32
      %scan3A_118 = arith.constant 16 : i32
      %scan3A_119 = arith.addi %scan3A_117, %scan3A_118 : i32
      %scan3A_120 = arith.constant 1 : i32
      %scan3A_121 = scf.for %scan3A_187 = %scan3A_117 to %scan3A_119 step %scan3A_120 iter_args(%scan3A_188 = %scan3A_116) -> (i32)  : i32 {
        %mul3A_189 = arith.constant 16 : i32
        %mul3A_190 = arith.muli %scan3A_187, %mul3A_189 : i32
        %broadcast_in_dim3A = arith.constant 0.000000e+00 : f32
        %broadcast_in_dim3A_191 = vector.broadcast %broadcast_in_dim3A : f32 to vector<16xf32>
        %broadcast_in_dim3A_192 = arith.constant 0.000000e+00 : f32
        %broadcast_in_dim3A_193 = vector.broadcast %broadcast_in_dim3A_192 : f32 to vector<16xf32>
        %add3A_194 = arith.constant 0 : i32
        %add3A_195 = arith.addi %add3A_194, %mul3A_190 : i32
        %get3A_196 = arith.index_cast %add3A_195 : i32 to index
        %get3A_197 = tpu.vector_load %arg10[%get3A_196] {strides = array<i32>} : memref<2048xf32, #tpu.memory_space<vmem>>, vector<16xf32>,
        %add3A_198 = arith.constant 0 : i32
        %add3A_199 = arith.addi %add3A_198, %mul3A_190 : i32
        %get3A_200 = arith.index_cast %add3A_199 : i32 to index
        %get3A_201 = tpu.vector_load %arg12[%get3A_200] {strides = array<i32>} : memref<2048xf32, #tpu.memory_space<vmem>>, vector<16xf32>,
        %mul3A_202 = arith.mulf %get3A_197, %get3A_201 : vector<16xf32>
        %add3A_203 = arith.addf %broadcast_in_dim3A_191, %mul3A_202 : vector<16xf32>
        %add3A_204 = arith.constant 0 : i32
        %add3A_205 = arith.addi %add3A_204, %mul3A_190 : i32
        %get3A_206 = arith.index_cast %add3A_205 : i32 to index
        %get3A_207 = tpu.vector_load %arg14[%get3A_206] {strides = array<i32>} : memref<2048xf32, #tpu.memory_space<vmem>>, vector<16xf32>,
        %mul3A_208 = arith.mulf %get3A_197, %get3A_207 : vector<16xf32>
        %add3A_209 = arith.addf %broadcast_in_dim3A_193, %mul3A_208 : vector<16xf32>
        %add3A_210 = arith.constant 256 : i32
        %add3A_211 = arith.addi %add3A_210, %mul3A_190 : i32
        %get3A_212 = arith.index_cast %add3A_211 : i32 to index
        %get3A_213 = tpu.vector_load %arg10[%get3A_212] {strides = array<i32>} : memref<2048xf32, #tpu.memory_space<vmem>>, vector<16xf32>,
        %add3A_214 = arith.constant 256 : i32
        %add3A_215 = arith.addi %add3A_214, %mul3A_190 : i32
        %get3A_216 = arith.index_cast %add3A_215 : i32 to index
        %get3A_217 = tpu.vector_load %arg12[%get3A_216] {strides = array<i32>} : memref<2048xf32, #tpu.memory_space<vmem>>, vector<16xf32>,
        %mul3A_218 = arith.mulf %get3A_213, %get3A_217 : vector<16xf32>
        %add3A_219 = arith.addf %add3A_203, %mul3A_218 : vector<16xf32>
        %add3A_220 = arith.constant 256 : i32
        %add3A_221 = arith.addi %add3A_220, %mul3A_190 : i32
        %get3A_222 = arith.index_cast %add3A_221 : i32 to index
        %get3A_223 = tpu.vector_load %arg14[%get3A_222] {strides = array<i32>} : memref<2048xf32, #tpu.memory_space<vmem>>, vector<16xf32>,
        %mul3A_224 = arith.mulf %get3A_213, %get3A_223 : vector<16xf32>
        %add3A_225 = arith.addf %add3A_209, %mul3A_224 : vector<16xf32>
        %add3A_226 = arith.constant 512 : i32
        %add3A_227 = arith.addi %add3A_226, %mul3A_190 : i32
        %get3A_228 = arith.index_cast %add3A_227 : i32 to index
        %get3A_229 = tpu.vector_load %arg10[%get3A_228] {strides = array<i32>} : memref<2048xf32, #tpu.memory_space<vmem>>, vector<16xf32>,
        %add3A_230 = arith.constant 512 : i32
        %add3A_231 = arith.addi %add3A_230, %mul3A_190 : i32
        %get3A_232 = arith.index_cast %add3A_231 : i32 to index
        %get3A_233 = tpu.vector_load %arg12[%get3A_232] {strides = array<i32>} : memref<2048xf32, #tpu.memory_space<vmem>>, vector<16xf32>,
        %mul3A_234 = arith.mulf %get3A_229, %get3A_233 : vector<16xf32>
        %add3A_235 = arith.addf %add3A_219, %mul3A_234 : vector<16xf32>
        %add3A_236 = arith.constant 512 : i32
        %add3A_237 = arith.addi %add3A_236, %mul3A_190 : i32
        %get3A_238 = arith.index_cast %add3A_237 : i32 to index
        %get3A_239 = tpu.vector_load %arg14[%get3A_238] {strides = array<i32>} : memref<2048xf32, #tpu.memory_space<vmem>>, vector<16xf32>,
        %mul3A_240 = arith.mulf %get3A_229, %get3A_239 : vector<16xf32>
        %add3A_241 = arith.addf %add3A_225, %mul3A_240 : vector<16xf32>
        %add3A_242 = arith.constant 768 : i32
        %add3A_243 = arith.addi %add3A_242, %mul3A_190 : i32
        %get3A_244 = arith.index_cast %add3A_243 : i32 to index
        %get3A_245 = tpu.vector_load %arg10[%get3A_244] {strides = array<i32>} : memref<2048xf32, #tpu.memory_space<vmem>>, vector<16xf32>,
        %add3A_246 = arith.constant 768 : i32
        %add3A_247 = arith.addi %add3A_246, %mul3A_190 : i32
        %get3A_248 = arith.index_cast %add3A_247 : i32 to index
        %get3A_249 = tpu.vector_load %arg12[%get3A_248] {strides = array<i32>} : memref<2048xf32, #tpu.memory_space<vmem>>, vector<16xf32>,
        %mul3A_250 = arith.mulf %get3A_245, %get3A_249 : vector<16xf32>
        %add3A_251 = arith.addf %add3A_235, %mul3A_250 : vector<16xf32>
        %add3A_252 = arith.constant 768 : i32
        %add3A_253 = arith.addi %add3A_252, %mul3A_190 : i32
        %get3A_254 = arith.index_cast %add3A_253 : i32 to index
        %get3A_255 = tpu.vector_load %arg14[%get3A_254] {strides = array<i32>} : memref<2048xf32, #tpu.memory_space<vmem>>, vector<16xf32>,
        %mul3A_256 = arith.mulf %get3A_245, %get3A_255 : vector<16xf32>
        %add3A_257 = arith.addf %add3A_241, %mul3A_256 : vector<16xf32>
        %add3A_258 = arith.constant 1024 : i32
        %add3A_259 = arith.addi %add3A_258, %mul3A_190 : i32
        %get3A_260 = arith.index_cast %add3A_259 : i32 to index
        %get3A_261 = tpu.vector_load %arg10[%get3A_260] {strides = array<i32>} : memref<2048xf32, #tpu.memory_space<vmem>>, vector<16xf32>,
        %add3A_262 = arith.constant 1024 : i32
        %add3A_263 = arith.addi %add3A_262, %mul3A_190 : i32
        %get3A_264 = arith.index_cast %add3A_263 : i32 to index
        %get3A_265 = tpu.vector_load %arg12[%get3A_264] {strides = array<i32>} : memref<2048xf32, #tpu.memory_space<vmem>>, vector<16xf32>,
        %mul3A_266 = arith.mulf %get3A_261, %get3A_265 : vector<16xf32>
        %add3A_267 = arith.addf %add3A_251, %mul3A_266 : vector<16xf32>
        %add3A_268 = arith.constant 1024 : i32
        %add3A_269 = arith.addi %add3A_268, %mul3A_190 : i32
        %get3A_270 = arith.index_cast %add3A_269 : i32 to index
        %get3A_271 = tpu.vector_load %arg14[%get3A_270] {strides = array<i32>} : memref<2048xf32, #tpu.memory_space<vmem>>, vector<16xf32>,
        %mul3A_272 = arith.mulf %get3A_261, %get3A_271 : vector<16xf32>
        %add3A_273 = arith.addf %add3A_257, %mul3A_272 : vector<16xf32>
        %add3A_274 = arith.constant 1280 : i32
        %add3A_275 = arith.addi %add3A_274, %mul3A_190 : i32
        %get3A_276 = arith.index_cast %add3A_275 : i32 to index
        %get3A_277 = tpu.vector_load %arg10[%get3A_276] {strides = array<i32>} : memref<2048xf32, #tpu.memory_space<vmem>>, vector<16xf32>,
        %add3A_278 = arith.constant 1280 : i32
        %add3A_279 = arith.addi %add3A_278, %mul3A_190 : i32
        %get3A_280 = arith.index_cast %add3A_279 : i32 to index
        %get3A_281 = tpu.vector_load %arg12[%get3A_280] {strides = array<i32>} : memref<2048xf32, #tpu.memory_space<vmem>>, vector<16xf32>,
        %mul3A_282 = arith.mulf %get3A_277, %get3A_281 : vector<16xf32>
        %add3A_283 = arith.addf %add3A_267, %mul3A_282 : vector<16xf32>
        %add3A_284 = arith.constant 1280 : i32
        %add3A_285 = arith.addi %add3A_284, %mul3A_190 : i32
        %get3A_286 = arith.index_cast %add3A_285 : i32 to index
        %get3A_287 = tpu.vector_load %arg14[%get3A_286] {strides = array<i32>} : memref<2048xf32, #tpu.memory_space<vmem>>, vector<16xf32>,
        %mul3A_288 = arith.mulf %get3A_277, %get3A_287 : vector<16xf32>
        %add3A_289 = arith.addf %add3A_273, %mul3A_288 : vector<16xf32>
        %add3A_290 = arith.constant 1536 : i32
        %add3A_291 = arith.addi %add3A_290, %mul3A_190 : i32
        %get3A_292 = arith.index_cast %add3A_291 : i32 to index
        %get3A_293 = tpu.vector_load %arg10[%get3A_292] {strides = array<i32>} : memref<2048xf32, #tpu.memory_space<vmem>>, vector<16xf32>,
        %add3A_294 = arith.constant 1536 : i32
        %add3A_295 = arith.addi %add3A_294, %mul3A_190 : i32
        %get3A_296 = arith.index_cast %add3A_295 : i32 to index
        %get3A_297 = tpu.vector_load %arg12[%get3A_296] {strides = array<i32>} : memref<2048xf32, #tpu.memory_space<vmem>>, vector<16xf32>,
        %mul3A_298 = arith.mulf %get3A_293, %get3A_297 : vector<16xf32>
        %add3A_299 = arith.addf %add3A_283, %mul3A_298 : vector<16xf32>
        %add3A_300 = arith.constant 1536 : i32
        %add3A_301 = arith.addi %add3A_300, %mul3A_190 : i32
        %get3A_302 = arith.index_cast %add3A_301 : i32 to index
        %get3A_303 = tpu.vector_load %arg14[%get3A_302] {strides = array<i32>} : memref<2048xf32, #tpu.memory_space<vmem>>, vector<16xf32>,
        %mul3A_304 = arith.mulf %get3A_293, %get3A_303 : vector<16xf32>
        %add3A_305 = arith.addf %add3A_289, %mul3A_304 : vector<16xf32>
        %add3A_306 = arith.constant 1792 : i32
        %add3A_307 = arith.addi %add3A_306, %mul3A_190 : i32
        %get3A_308 = arith.index_cast %add3A_307 : i32 to index
        %get3A_309 = tpu.vector_load %arg10[%get3A_308] {strides = array<i32>} : memref<2048xf32, #tpu.memory_space<vmem>>, vector<16xf32>,
        %add3A_310 = arith.constant 1792 : i32
        %add3A_311 = arith.addi %add3A_310, %mul3A_190 : i32
        %get3A_312 = arith.index_cast %add3A_311 : i32 to index
        %get3A_313 = tpu.vector_load %arg12[%get3A_312] {strides = array<i32>} : memref<2048xf32, #tpu.memory_space<vmem>>, vector<16xf32>,
        %mul3A_314 = arith.mulf %get3A_309, %get3A_313 : vector<16xf32>
        %add3A_315 = arith.addf %add3A_299, %mul3A_314 : vector<16xf32>
        %add3A_316 = arith.constant 1792 : i32
        %add3A_317 = arith.addi %add3A_316, %mul3A_190 : i32
        %get3A_318 = arith.index_cast %add3A_317 : i32 to index
        %get3A_319 = tpu.vector_load %arg14[%get3A_318] {strides = array<i32>} : memref<2048xf32, #tpu.memory_space<vmem>>, vector<16xf32>,
        %mul3A_320 = arith.mulf %get3A_309, %get3A_319 : vector<16xf32>
        %add3A_321 = arith.addf %add3A_305, %mul3A_320 : vector<16xf32>
        %swap3A = arith.index_cast %mul3A_190 : i32 to index
        %swap3A_322 = tpu.vector_load %arg16[%swap3A] {strides = array<i32>} : memref<256xf32, #tpu.memory_space<vmem>>, vector<16xf32>,
        tpu.vector_store %arg16[%swap3A], %add3A_315 {strides = array<i32>} : memref<256xf32, #tpu.memory_space<vmem>>, vector<16xf32>,
        %swap3A_323 = arith.index_cast %mul3A_190 : i32 to index
        %swap3A_324 = tpu.vector_load %arg18[%swap3A_323] {strides = array<i32>} : memref<256xf32, #tpu.memory_space<vmem>>, vector<16xf32>,
        tpu.vector_store %arg18[%swap3A_323], %add3A_321 {strides = array<i32>} : memref<256xf32, #tpu.memory_space<vmem>>, vector<16xf32>,
        %scan3A_325 = arith.constant 0 : i32
        scf.yield %scan3A_325 : i32
      }
      %scan3A_122 = arith.constant 16 : i32
      %mul3A_123 = arith.constant 2 : i32
      %mul3A_124 = arith.muli %mul3A_123, %scan3A_29 : i32
      %mul3A_125 = arith.constant 262144 : i32
      %mul3A_126 = arith.muli %mul3A_124, %mul3A_125 : i32
      %add3A_127 = arith.addi %mul3A_126, %mul3A_2 : i32
      %add3A_128 = arith.constant 7680 : i32
      %add3A_129 = arith.addi %add3A_127, %add3A_128 : i32
      %dma_start3A_130 = tpu.memref_slice %arg6[%add3A_129] : memref<8388608xf32, #tpu.memory_space<hbm>> -> memref<256xf32, #tpu.memory_space<hbm>>
      %dma_start3A_131 = tpu.memref_slice %arg6[%add3A_129] : memref<8388608xf32, #tpu.memory_space<hbm>> -> memref<256xf32, #tpu.memory_space<hbm>>
      tpu.enqueue_dma source(%arg16 : memref<256xf32, #tpu.memory_space<vmem>>) target(%dma_start3A_131 : memref<256xf32, #tpu.memory_space<hbm>>) target_semaphore(%arg28 : memref<!tpu.dma_semaphore, #tpu.memory_space<semaphore_mem>>)
      %mul3A_132 = arith.constant 2 : i32
      %mul3A_133 = arith.muli %mul3A_132, %scan3A_29 : i32
      %add3A_134 = arith.constant 1 : i32
      %add3A_135 = arith.addi %mul3A_133, %add3A_134 : i32
      %mul3A_136 = arith.constant 262144 : i32
      %mul3A_137 = arith.muli %add3A_135, %mul3A_136 : i32
      %add3A_138 = arith.addi %mul3A_137, %mul3A_2 : i32
      %add3A_139 = arith.constant 7680 : i32
      %add3A_140 = arith.addi %add3A_138, %add3A_139 : i32
      %dma_start3A_141 = tpu.memref_slice %arg6[%add3A_140] : memref<8388608xf32, #tpu.memory_space<hbm>> -> memref<256xf32, #tpu.memory_space<hbm>>
      %dma_start3A_142 = tpu.memref_slice %arg6[%add3A_140] : memref<8388608xf32, #tpu.memory_space<hbm>> -> memref<256xf32, #tpu.memory_space<hbm>>
      tpu.enqueue_dma source(%arg18 : memref<256xf32, #tpu.memory_space<vmem>>) target(%dma_start3A_142 : memref<256xf32, #tpu.memory_space<hbm>>) target_semaphore(%arg28 : memref<!tpu.dma_semaphore, #tpu.memory_space<semaphore_mem>>)
      %dma_wait3A_143 = arith.constant 0 : i32
      %dma_wait3A_144 = tpu.memref_slice %arg20[%dma_wait3A_143] : memref<524288xf32, #tpu.memory_space<vmem_shared>> -> memref<262144xf32, #tpu.memory_space<vmem_shared>>
      %dma_wait3A_145 = arith.constant 0 : i32
      %dma_wait3A_146 = tpu.memref_slice %dma_wait3A_144[%dma_wait3A_145] : memref<262144xf32, #tpu.memory_space<vmem_shared>> -> memref<262144xf32, #tpu.memory_space<vmem_shared>>
      tpu.wait_indirect_dma semaphore(%arg24 : memref<!tpu.dma_semaphore, #tpu.memory_space<semaphore_mem>>) src(%dma_wait3A_146 : memref<262144xf32, #tpu.memory_space<vmem_shared>>) dst(%arg13 : memref<2048xf32, #tpu.memory_space<vmem>>)
      %dma_wait3A_147 = arith.constant 262144 : i32
      %dma_wait3A_148 = tpu.memref_slice %arg20[%dma_wait3A_147] : memref<524288xf32, #tpu.memory_space<vmem_shared>> -> memref<262144xf32, #tpu.memory_space<vmem_shared>>
      %dma_wait3A_149 = arith.constant 0 : i32
      %dma_wait3A_150 = tpu.memref_slice %dma_wait3A_148[%dma_wait3A_149] : memref<262144xf32, #tpu.memory_space<vmem_shared>> -> memref<262144xf32, #tpu.memory_space<vmem_shared>>
      tpu.wait_indirect_dma semaphore(%arg25 : memref<!tpu.dma_semaphore, #tpu.memory_space<semaphore_mem>>) src(%dma_wait3A_150 : memref<262144xf32, #tpu.memory_space<vmem_shared>>) dst(%arg15 : memref<2048xf32, #tpu.memory_space<vmem>>)
      %scan3A_151 = arith.constant 0 : i32
      %scan3A_152 = arith.constant 0 : i32
      %scan3A_153 = arith.constant 16 : i32
      %scan3A_154 = arith.addi %scan3A_152, %scan3A_153 : i32
      %scan3A_155 = arith.constant 1 : i32
      %scan3A_156 = scf.for %scan3A_187 = %scan3A_152 to %scan3A_154 step %scan3A_155 iter_args(%scan3A_188 = %scan3A_151) -> (i32)  : i32 {
        %mul3A_189 = arith.constant 16 : i32
        %mul3A_190 = arith.muli %scan3A_187, %mul3A_189 : i32
        %broadcast_in_dim3A = arith.constant 0.000000e+00 : f32
        %broadcast_in_dim3A_191 = vector.broadcast %broadcast_in_dim3A : f32 to vector<16xf32>
        %broadcast_in_dim3A_192 = arith.constant 0.000000e+00 : f32
        %broadcast_in_dim3A_193 = vector.broadcast %broadcast_in_dim3A_192 : f32 to vector<16xf32>
        %add3A_194 = arith.constant 0 : i32
        %add3A_195 = arith.addi %add3A_194, %mul3A_190 : i32
        %get3A_196 = arith.index_cast %add3A_195 : i32 to index
        %get3A_197 = tpu.vector_load %arg11[%get3A_196] {strides = array<i32>} : memref<2048xf32, #tpu.memory_space<vmem>>, vector<16xf32>,
        %add3A_198 = arith.constant 0 : i32
        %add3A_199 = arith.addi %add3A_198, %mul3A_190 : i32
        %get3A_200 = arith.index_cast %add3A_199 : i32 to index
        %get3A_201 = tpu.vector_load %arg13[%get3A_200] {strides = array<i32>} : memref<2048xf32, #tpu.memory_space<vmem>>, vector<16xf32>,
        %mul3A_202 = arith.mulf %get3A_197, %get3A_201 : vector<16xf32>
        %add3A_203 = arith.addf %broadcast_in_dim3A_191, %mul3A_202 : vector<16xf32>
        %add3A_204 = arith.constant 0 : i32
        %add3A_205 = arith.addi %add3A_204, %mul3A_190 : i32
        %get3A_206 = arith.index_cast %add3A_205 : i32 to index
        %get3A_207 = tpu.vector_load %arg15[%get3A_206] {strides = array<i32>} : memref<2048xf32, #tpu.memory_space<vmem>>, vector<16xf32>,
        %mul3A_208 = arith.mulf %get3A_197, %get3A_207 : vector<16xf32>
        %add3A_209 = arith.addf %broadcast_in_dim3A_193, %mul3A_208 : vector<16xf32>
        %add3A_210 = arith.constant 256 : i32
        %add3A_211 = arith.addi %add3A_210, %mul3A_190 : i32
        %get3A_212 = arith.index_cast %add3A_211 : i32 to index
        %get3A_213 = tpu.vector_load %arg11[%get3A_212] {strides = array<i32>} : memref<2048xf32, #tpu.memory_space<vmem>>, vector<16xf32>,
        %add3A_214 = arith.constant 256 : i32
        %add3A_215 = arith.addi %add3A_214, %mul3A_190 : i32
        %get3A_216 = arith.index_cast %add3A_215 : i32 to index
        %get3A_217 = tpu.vector_load %arg13[%get3A_216] {strides = array<i32>} : memref<2048xf32, #tpu.memory_space<vmem>>, vector<16xf32>,
        %mul3A_218 = arith.mulf %get3A_213, %get3A_217 : vector<16xf32>
        %add3A_219 = arith.addf %add3A_203, %mul3A_218 : vector<16xf32>
        %add3A_220 = arith.constant 256 : i32
        %add3A_221 = arith.addi %add3A_220, %mul3A_190 : i32
        %get3A_222 = arith.index_cast %add3A_221 : i32 to index
        %get3A_223 = tpu.vector_load %arg15[%get3A_222] {strides = array<i32>} : memref<2048xf32, #tpu.memory_space<vmem>>, vector<16xf32>,
        %mul3A_224 = arith.mulf %get3A_213, %get3A_223 : vector<16xf32>
        %add3A_225 = arith.addf %add3A_209, %mul3A_224 : vector<16xf32>
        %add3A_226 = arith.constant 512 : i32
        %add3A_227 = arith.addi %add3A_226, %mul3A_190 : i32
        %get3A_228 = arith.index_cast %add3A_227 : i32 to index
        %get3A_229 = tpu.vector_load %arg11[%get3A_228] {strides = array<i32>} : memref<2048xf32, #tpu.memory_space<vmem>>, vector<16xf32>,
        %add3A_230 = arith.constant 512 : i32
        %add3A_231 = arith.addi %add3A_230, %mul3A_190 : i32
        %get3A_232 = arith.index_cast %add3A_231 : i32 to index
        %get3A_233 = tpu.vector_load %arg13[%get3A_232] {strides = array<i32>} : memref<2048xf32, #tpu.memory_space<vmem>>, vector<16xf32>,
        %mul3A_234 = arith.mulf %get3A_229, %get3A_233 : vector<16xf32>
        %add3A_235 = arith.addf %add3A_219, %mul3A_234 : vector<16xf32>
        %add3A_236 = arith.constant 512 : i32
        %add3A_237 = arith.addi %add3A_236, %mul3A_190 : i32
        %get3A_238 = arith.index_cast %add3A_237 : i32 to index
        %get3A_239 = tpu.vector_load %arg15[%get3A_238] {strides = array<i32>} : memref<2048xf32, #tpu.memory_space<vmem>>, vector<16xf32>,
        %mul3A_240 = arith.mulf %get3A_229, %get3A_239 : vector<16xf32>
        %add3A_241 = arith.addf %add3A_225, %mul3A_240 : vector<16xf32>
        %add3A_242 = arith.constant 768 : i32
        %add3A_243 = arith.addi %add3A_242, %mul3A_190 : i32
        %get3A_244 = arith.index_cast %add3A_243 : i32 to index
        %get3A_245 = tpu.vector_load %arg11[%get3A_244] {strides = array<i32>} : memref<2048xf32, #tpu.memory_space<vmem>>, vector<16xf32>,
        %add3A_246 = arith.constant 768 : i32
        %add3A_247 = arith.addi %add3A_246, %mul3A_190 : i32
        %get3A_248 = arith.index_cast %add3A_247 : i32 to index
        %get3A_249 = tpu.vector_load %arg13[%get3A_248] {strides = array<i32>} : memref<2048xf32, #tpu.memory_space<vmem>>, vector<16xf32>,
        %mul3A_250 = arith.mulf %get3A_245, %get3A_249 : vector<16xf32>
        %add3A_251 = arith.addf %add3A_235, %mul3A_250 : vector<16xf32>
        %add3A_252 = arith.constant 768 : i32
        %add3A_253 = arith.addi %add3A_252, %mul3A_190 : i32
        %get3A_254 = arith.index_cast %add3A_253 : i32 to index
        %get3A_255 = tpu.vector_load %arg15[%get3A_254] {strides = array<i32>} : memref<2048xf32, #tpu.memory_space<vmem>>, vector<16xf32>,
        %mul3A_256 = arith.mulf %get3A_245, %get3A_255 : vector<16xf32>
        %add3A_257 = arith.addf %add3A_241, %mul3A_256 : vector<16xf32>
        %add3A_258 = arith.constant 1024 : i32
        %add3A_259 = arith.addi %add3A_258, %mul3A_190 : i32
        %get3A_260 = arith.index_cast %add3A_259 : i32 to index
        %get3A_261 = tpu.vector_load %arg11[%get3A_260] {strides = array<i32>} : memref<2048xf32, #tpu.memory_space<vmem>>, vector<16xf32>,
        %add3A_262 = arith.constant 1024 : i32
        %add3A_263 = arith.addi %add3A_262, %mul3A_190 : i32
        %get3A_264 = arith.index_cast %add3A_263 : i32 to index
        %get3A_265 = tpu.vector_load %arg13[%get3A_264] {strides = array<i32>} : memref<2048xf32, #tpu.memory_space<vmem>>, vector<16xf32>,
        %mul3A_266 = arith.mulf %get3A_261, %get3A_265 : vector<16xf32>
        %add3A_267 = arith.addf %add3A_251, %mul3A_266 : vector<16xf32>
        %add3A_268 = arith.constant 1024 : i32
        %add3A_269 = arith.addi %add3A_268, %mul3A_190 : i32
        %get3A_270 = arith.index_cast %add3A_269 : i32 to index
        %get3A_271 = tpu.vector_load %arg15[%get3A_270] {strides = array<i32>} : memref<2048xf32, #tpu.memory_space<vmem>>, vector<16xf32>,
        %mul3A_272 = arith.mulf %get3A_261, %get3A_271 : vector<16xf32>
        %add3A_273 = arith.addf %add3A_257, %mul3A_272 : vector<16xf32>
        %add3A_274 = arith.constant 1280 : i32
        %add3A_275 = arith.addi %add3A_274, %mul3A_190 : i32
        %get3A_276 = arith.index_cast %add3A_275 : i32 to index
        %get3A_277 = tpu.vector_load %arg11[%get3A_276] {strides = array<i32>} : memref<2048xf32, #tpu.memory_space<vmem>>, vector<16xf32>,
        %add3A_278 = arith.constant 1280 : i32
        %add3A_279 = arith.addi %add3A_278, %mul3A_190 : i32
        %get3A_280 = arith.index_cast %add3A_279 : i32 to index
        %get3A_281 = tpu.vector_load %arg13[%get3A_280] {strides = array<i32>} : memref<2048xf32, #tpu.memory_space<vmem>>, vector<16xf32>,
        %mul3A_282 = arith.mulf %get3A_277, %get3A_281 : vector<16xf32>
        %add3A_283 = arith.addf %add3A_267, %mul3A_282 : vector<16xf32>
        %add3A_284 = arith.constant 1280 : i32
        %add3A_285 = arith.addi %add3A_284, %mul3A_190 : i32
        %get3A_286 = arith.index_cast %add3A_285 : i32 to index
        %get3A_287 = tpu.vector_load %arg15[%get3A_286] {strides = array<i32>} : memref<2048xf32, #tpu.memory_space<vmem>>, vector<16xf32>,
        %mul3A_288 = arith.mulf %get3A_277, %get3A_287 : vector<16xf32>
        %add3A_289 = arith.addf %add3A_273, %mul3A_288 : vector<16xf32>
        %add3A_290 = arith.constant 1536 : i32
        %add3A_291 = arith.addi %add3A_290, %mul3A_190 : i32
        %get3A_292 = arith.index_cast %add3A_291 : i32 to index
        %get3A_293 = tpu.vector_load %arg11[%get3A_292] {strides = array<i32>} : memref<2048xf32, #tpu.memory_space<vmem>>, vector<16xf32>,
        %add3A_294 = arith.constant 1536 : i32
        %add3A_295 = arith.addi %add3A_294, %mul3A_190 : i32
        %get3A_296 = arith.index_cast %add3A_295 : i32 to index
        %get3A_297 = tpu.vector_load %arg13[%get3A_296] {strides = array<i32>} : memref<2048xf32, #tpu.memory_space<vmem>>, vector<16xf32>,
        %mul3A_298 = arith.mulf %get3A_293, %get3A_297 : vector<16xf32>
        %add3A_299 = arith.addf %add3A_283, %mul3A_298 : vector<16xf32>
        %add3A_300 = arith.constant 1536 : i32
        %add3A_301 = arith.addi %add3A_300, %mul3A_190 : i32
        %get3A_302 = arith.index_cast %add3A_301 : i32 to index
        %get3A_303 = tpu.vector_load %arg15[%get3A_302] {strides = array<i32>} : memref<2048xf32, #tpu.memory_space<vmem>>, vector<16xf32>,
        %mul3A_304 = arith.mulf %get3A_293, %get3A_303 : vector<16xf32>
        %add3A_305 = arith.addf %add3A_289, %mul3A_304 : vector<16xf32>
        %add3A_306 = arith.constant 1792 : i32
        %add3A_307 = arith.addi %add3A_306, %mul3A_190 : i32
        %get3A_308 = arith.index_cast %add3A_307 : i32 to index
        %get3A_309 = tpu.vector_load %arg11[%get3A_308] {strides = array<i32>} : memref<2048xf32, #tpu.memory_space<vmem>>, vector<16xf32>,
        %add3A_310 = arith.constant 1792 : i32
        %add3A_311 = arith.addi %add3A_310, %mul3A_190 : i32
        %get3A_312 = arith.index_cast %add3A_311 : i32 to index
        %get3A_313 = tpu.vector_load %arg13[%get3A_312] {strides = array<i32>} : memref<2048xf32, #tpu.memory_space<vmem>>, vector<16xf32>,
        %mul3A_314 = arith.mulf %get3A_309, %get3A_313 : vector<16xf32>
        %add3A_315 = arith.addf %add3A_299, %mul3A_314 : vector<16xf32>
        %add3A_316 = arith.constant 1792 : i32
        %add3A_317 = arith.addi %add3A_316, %mul3A_190 : i32
        %get3A_318 = arith.index_cast %add3A_317 : i32 to index
        %get3A_319 = tpu.vector_load %arg15[%get3A_318] {strides = array<i32>} : memref<2048xf32, #tpu.memory_space<vmem>>, vector<16xf32>,
        %mul3A_320 = arith.mulf %get3A_309, %get3A_319 : vector<16xf32>
        %add3A_321 = arith.addf %add3A_305, %mul3A_320 : vector<16xf32>
        %swap3A = arith.index_cast %mul3A_190 : i32 to index
        %swap3A_322 = tpu.vector_load %arg17[%swap3A] {strides = array<i32>} : memref<256xf32, #tpu.memory_space<vmem>>, vector<16xf32>,
        tpu.vector_store %arg17[%swap3A], %add3A_315 {strides = array<i32>} : memref<256xf32, #tpu.memory_space<vmem>>, vector<16xf32>,
        %swap3A_323 = arith.index_cast %mul3A_190 : i32 to index
        %swap3A_324 = tpu.vector_load %arg19[%swap3A_323] {strides = array<i32>} : memref<256xf32, #tpu.memory_space<vmem>>, vector<16xf32>,
        tpu.vector_store %arg19[%swap3A_323], %add3A_321 {strides = array<i32>} : memref<256xf32, #tpu.memory_space<vmem>>, vector<16xf32>,
        %scan3A_325 = arith.constant 0 : i32
        scf.yield %scan3A_325 : i32
      }
      %scan3A_157 = arith.constant 16 : i32
      %mul3A_158 = arith.constant 2 : i32
      %mul3A_159 = arith.muli %mul3A_158, %scan3A_29 : i32
      %mul3A_160 = arith.constant 262144 : i32
      %mul3A_161 = arith.muli %mul3A_159, %mul3A_160 : i32
      %add3A_162 = arith.addi %mul3A_161, %mul3A_2 : i32
      %add3A_163 = arith.constant 7936 : i32
      %add3A_164 = arith.addi %add3A_162, %add3A_163 : i32
      %dma_start3A_165 = tpu.memref_slice %arg6[%add3A_164] : memref<8388608xf32, #tpu.memory_space<hbm>> -> memref<256xf32, #tpu.memory_space<hbm>>
      %dma_start3A_166 = tpu.memref_slice %arg6[%add3A_164] : memref<8388608xf32, #tpu.memory_space<hbm>> -> memref<256xf32, #tpu.memory_space<hbm>>
      tpu.enqueue_dma source(%arg17 : memref<256xf32, #tpu.memory_space<vmem>>) target(%dma_start3A_166 : memref<256xf32, #tpu.memory_space<hbm>>) target_semaphore(%arg28 : memref<!tpu.dma_semaphore, #tpu.memory_space<semaphore_mem>>)
      %mul3A_167 = arith.constant 2 : i32
      %mul3A_168 = arith.muli %mul3A_167, %scan3A_29 : i32
      %add3A_169 = arith.constant 1 : i32
      %add3A_170 = arith.addi %mul3A_168, %add3A_169 : i32
      %mul3A_171 = arith.constant 262144 : i32
      %mul3A_172 = arith.muli %add3A_170, %mul3A_171 : i32
      %add3A_173 = arith.addi %mul3A_172, %mul3A_2 : i32
      %add3A_174 = arith.constant 7936 : i32
      %add3A_175 = arith.addi %add3A_173, %add3A_174 : i32
      %dma_start3A_176 = tpu.memref_slice %arg6[%add3A_175] : memref<8388608xf32, #tpu.memory_space<hbm>> -> memref<256xf32, #tpu.memory_space<hbm>>
      %dma_start3A_177 = tpu.memref_slice %arg6[%add3A_175] : memref<8388608xf32, #tpu.memory_space<hbm>> -> memref<256xf32, #tpu.memory_space<hbm>>
      tpu.enqueue_dma source(%arg19 : memref<256xf32, #tpu.memory_space<vmem>>) target(%dma_start3A_177 : memref<256xf32, #tpu.memory_space<hbm>>) target_semaphore(%arg28 : memref<!tpu.dma_semaphore, #tpu.memory_space<semaphore_mem>>)
      %dma_wait3A_178 = tpu.memref_slice %arg6[%add3A_129] : memref<8388608xf32, #tpu.memory_space<hbm>> -> memref<256xf32, #tpu.memory_space<hbm>>
      %dma_wait3A_179 = tpu.memref_slice %arg6[%add3A_129] : memref<8388608xf32, #tpu.memory_space<hbm>> -> memref<256xf32, #tpu.memory_space<hbm>>
      tpu.wait_dma2 semaphore(%arg28 : memref<!tpu.dma_semaphore, #tpu.memory_space<semaphore_mem>>) src(%arg16 : memref<256xf32, #tpu.memory_space<vmem>>) dst(%dma_wait3A_179 : memref<256xf32, #tpu.memory_space<hbm>>)
      %dma_wait3A_180 = tpu.memref_slice %arg6[%add3A_140] : memref<8388608xf32, #tpu.memory_space<hbm>> -> memref<256xf32, #tpu.memory_space<hbm>>
      %dma_wait3A_181 = tpu.memref_slice %arg6[%add3A_140] : memref<8388608xf32, #tpu.memory_space<hbm>> -> memref<256xf32, #tpu.memory_space<hbm>>
      tpu.wait_dma2 semaphore(%arg28 : memref<!tpu.dma_semaphore, #tpu.memory_space<semaphore_mem>>) src(%arg18 : memref<256xf32, #tpu.memory_space<vmem>>) dst(%dma_wait3A_181 : memref<256xf32, #tpu.memory_space<hbm>>)
      %dma_wait3A_182 = tpu.memref_slice %arg6[%add3A_164] : memref<8388608xf32, #tpu.memory_space<hbm>> -> memref<256xf32, #tpu.memory_space<hbm>>
      %dma_wait3A_183 = tpu.memref_slice %arg6[%add3A_164] : memref<8388608xf32, #tpu.memory_space<hbm>> -> memref<256xf32, #tpu.memory_space<hbm>>
      tpu.wait_dma2 semaphore(%arg28 : memref<!tpu.dma_semaphore, #tpu.memory_space<semaphore_mem>>) src(%arg17 : memref<256xf32, #tpu.memory_space<vmem>>) dst(%dma_wait3A_183 : memref<256xf32, #tpu.memory_space<hbm>>)
      %dma_wait3A_184 = tpu.memref_slice %arg6[%add3A_175] : memref<8388608xf32, #tpu.memory_space<hbm>> -> memref<256xf32, #tpu.memory_space<hbm>>
      %dma_wait3A_185 = tpu.memref_slice %arg6[%add3A_175] : memref<8388608xf32, #tpu.memory_space<hbm>> -> memref<256xf32, #tpu.memory_space<hbm>>
      tpu.wait_dma2 semaphore(%arg28 : memref<!tpu.dma_semaphore, #tpu.memory_space<semaphore_mem>>) src(%arg19 : memref<256xf32, #tpu.memory_space<vmem>>) dst(%dma_wait3A_185 : memref<256xf32, #tpu.memory_space<hbm>>)
      %scan3A_186 = arith.constant 0 : i32
      scf.yield %scan3A_186 : i32
    }
    %scan3A_28 = arith.constant 15 : i32
    return
  }
}

</mosaic_0001>

<sc_bundles>
// kernel: kernel.3.cloned.1.call-start
scs
__scs_entry_jumppad:
0x0: {  	(pc) =	sbr.rel $0x88, $3  }
0x1: {  	(tag) =	ssettag $0x0;
	lr =	simm.s32 $0x1  }
0x2: {  	[smem:$0x3F9E] =	sst lr;
	_ =	strace $0xD0000000  }
0x3: {  	_ = 	snop  }
0x4: {  	_ = 	snop  }
0x5: {  	_ = 	snop  }
0x6: {  	_ = 	snop  }
0x7: {  	_ = 	snop  }
__scs_overlays_trampoline_lowered:
0x8: {  	[smem:$0x3FAD] =	sst s0  }
0x9: {  	[smem:$0x3FAE] =	sst s1  }
0xa: {  	[smem:$0x3FAF] =	sst s2  }
0xb: {  	[smem:$0x3FB0] =	sst s3  }
0xc: {  	[smem:$0x3FB1] =	sst s4  }
0xd: {  	[smem:$0x3FB2] =	sst s5  }
0xe: {  	[smem:$0x3FB3] =	sst s6  }
0xf: {  	[smem:$0x3FB4] =	sst s7  }
0x10: {  	[smem:$0x3FB5] =	sst s8  }
0x11: {  	[smem:$0x3FB6] =	sst s9;
	s0 =	simm.s32 @!p0 $0x0  }
0x12: {  	s1 =	sld [smem:$0x3F9C];
	s0 =	simm.s32 @p0 $0x1  }
0x13: {  	[smem:$0x3FB7] =	sst s0;
	s0 =	simm.s32 @!p1 $0x0  }
0x14: {  	s2 =	sld [smem:$0x3F9B];
	s0 =	simm.s32 @p1 $0x1  }
0x15: {  	[smem:$0x3FB8] =	sst s0;
	s0 =	simm.s32 @!p2 $0x0  }
0x16: {  	s3 =	sld [smem:$0x3FDB];
	s0 =	simm.s32 @p2 $0x1  }
0x17: {  	s4 =	simm.s32 $0x1BF5;
	[smem:$0x3FBA] =	sst s0  }
0x18: {  	s0 =	sld [smem:$0x3F9D];
	_ =	swait.ge [sflag:s4], $0x0  }
0x19: {  	s7 =	sld [smem:$0x3F9E]  }
0x1a: {  	s8 =	sadd.s32 $0xFFFFE003, lr  }
0x1b: {  	s9 =	sadd.s32 $0xFFFFFEF7, lr;
	s5 =	simm.s32 $0xFFFFFFFF;
	p2 =	slt.u32 s8, $0xFFFFF086  }
0x1c: {  	p1 =	slt.u32 s9, $0xF7A;
	s5 =	simm.s32 @!p2 $0x0  }
0x1d: {  	s5 =	simm.s32 @p1 $0x1;
	p0 =	seq.s32 s7, s2  }
0x1e: {  	s7 =	smul.u32 @!p0 $0xF7A, s2;
	p2 =	seq.s32 @!p0 s5, $0x0  }
0x1f: {  	s9 =	smul.u32 $0xF7A, s1;
	s8 =	simm.s32 @!p0 $0x1BF5;
	p2 =	por !p2, p0  }
0x20: {  	[sflag:s8] =	ssyncset.s32 @!p0 $0xFFFFF086;
	s6 =	sadd.s32 @!p0 s3, s7;
	s7 =	simm.s32 @!p0 $0x108  }
0x21: {  	s3 =	sadd.s32 s3, s9;
	s6 =	sadd.s32 @!p0 $0x88, s6;
	s7 =	simm.s32 @p2 $0x1082  }
0x22: {  	[simem:s7], [sflag:s8] =	dma.local @!p0 [hbm:s6], $0xF7A  }
0x23: {  	s9 =	sor.u32 $0xD0000000, s2;
	s6 =	simm.s32 $0x108;
	_ =	swait.ge @!p0 [sflag:s8], $0x0  }
0x24: {  	s3 =	sadd.s32 $0x88, s3;
	s6 =	simm.s32 @!p1 $0x1082;
	[sflag:s4] =	ssyncset.s32 $0xFFFFF086  }
0x25: {  	[simem:s6], [sflag:s4] =	dma.local [hbm:s3], $0xF7A  }
0x26: {  	[smem:$0x3F9E] =	sst s1;
	(tag) =	ssettag s2;
	_ =	strace s9  }
0x27: {  	s1 =	sld [smem:$0x3FAE]  }
0x28: {  	s2 =	sld [smem:$0x3FAF]  }
0x29: {  	s4 =	sld [smem:$0x3FB1]  }
0x2a: {  	p0 =	seq.s32 s5, $0x0;
	s5 =	sld [smem:$0x3FB2]  }
0x2b: {  	s6 =	sld [smem:$0x3FB3]  }
0x2c: {  	s7 =	sld [smem:$0x3FB4]  }
0x2d: {  	s3 =	simm.s32 $0x108;
	s8 =	sld [smem:$0x3FB5]  }
0x2e: {  	s3 =	simm.s32 @!p0 $0x1082;
	s9 =	sld [smem:$0x3FB6]  }
0x2f: {  	lr =	sadd.s32 s0, s3;
	s0 =	sld [smem:$0x3FAD]  }
0x30: {  	s3 =	sld [smem:$0x3FB0]  }
0x31: {  	[smem:$0x3FB9] =	sst s10  }
0x32: {  	s10 =	sld [smem:$0x3FB7];
	_ =	sdelay $0x3  }
0x33: {  	p0 =	seq.s32 s10, $0x1;
	s10 =	sld [smem:$0x3FB9];
	_ =	sdelay $0x3  }
0x34: {  	[smem:$0x3FB9] =	sst s10  }
0x35: {  	s10 =	sld [smem:$0x3FB8];
	_ =	sdelay $0x3  }
0x36: {  	p1 =	seq.s32 s10, $0x1;
	s10 =	sld [smem:$0x3FB9];
	_ =	sdelay $0x3  }
0x37: {  	[smem:$0x3FB9] =	sst s10  }
0x38: {  	s10 =	sld [smem:$0x3FBA]  }
0x39: {  	_ = 	snop;
	(pc) =	sbr.ind lr, $3  }
0x3a: {  	_ = 	snop  }
0x3b: {  	_ = 	snop  }
0x3c: {  	p2 =	seq.s32 s10, $0x1;
	s10 =	sld [smem:$0x3FB9]  }
0x3d: {  	_ =	shalt  }
0x3e: {  	_ =	shalt  }
0x3f: {  	_ =	shalt  }
0x40: {  	_ =	shalt  }
0x41: {  	_ =	shalt  }
0x42: {  	_ =	shalt  }
0x43: {  	_ =	shalt  }
0x44: {  	_ =	shalt  }
0x45: {  	_ =	shalt  }
0x46: {  	_ =	shalt  }
0x47: {  	_ =	shalt  }
0x48: {  	_ =	shalt  }
0x49: {  	_ =	shalt  }
0x4a: {  	_ =	shalt  }
0x4b: {  	_ =	shalt  }
0x4c: {  	_ =	shalt  }
0x4d: {  	_ =	shalt  }
0x4e: {  	_ =	shalt  }
0x4f: {  	_ =	shalt  }
0x50: {  	_ =	shalt  }
0x51: {  	_ =	shalt  }
0x52: {  	_ =	shalt  }
0x53: {  	_ =	shalt  }
0x54: {  	_ =	shalt  }
0x55: {  	_ =	shalt  }
0x56: {  	_ =	shalt  }
0x57: {  	_ =	shalt  }
0x58: {  	_ =	shalt  }
0x59: {  	_ =	shalt  }
0x5a: {  	_ =	shalt  }
0x5b: {  	_ =	shalt  }
0x5c: {  	_ =	shalt  }
0x5d: {  	_ =	shalt  }
0x5e: {  	_ =	shalt  }
0x5f: {  	_ =	shalt  }
0x60: {  	_ =	shalt  }
0x61: {  	_ =	shalt  }
0x62: {  	_ =	shalt  }
0x63: {  	_ =	shalt  }
0x64: {  	_ =	shalt  }
0x65: {  	_ =	shalt  }
0x66: {  	_ =	shalt  }
0x67: {  	_ =	shalt  }
0x68: {  	_ =	shalt  }
0x69: {  	_ =	shalt  }
0x6a: {  	_ =	shalt  }
0x6b: {  	_ =	shalt  }
0x6c: {  	_ =	shalt  }
0x6d: {  	_ =	shalt  }
0x6e: {  	_ =	shalt  }
0x6f: {  	_ =	shalt  }
0x70: {  	_ =	shalt  }
0x71: {  	_ =	shalt  }
0x72: {  	_ =	shalt  }
0x73: {  	_ =	shalt  }
0x74: {  	_ =	shalt  }
0x75: {  	_ =	shalt  }
0x76: {  	_ =	shalt  }
0x77: {  	_ =	shalt  }
0x78: {  	_ =	shalt  }
0x79: {  	_ =	shalt  }
0x7a: {  	_ =	shalt  }
0x7b: {  	_ =	shalt  }
0x7c: {  	_ =	shalt  }
0x7d: {  	_ =	shalt  }
0x7e: {  	_ =	shalt  }
0x7f: {  	_ =	shalt  }
0x80: {  	_ =	shalt  }
0x81: {  	_ =	shalt  }
0x82: {  	_ =	shalt  }
0x83: {  	_ =	shalt  }
0x84: {  	_ =	shalt  }
0x85: {  	_ =	shalt  }
0x86: {  	_ =	shalt  }
0x87: {  	_ =	shalt  }
.Lfunc_end0:
.L_simem_size_0:
called_computation_lowered:
.L_overlay_start_0:
0x88: {  	s2 =	sld [smem:$0x3FD9]  }
0x89: {  	s3 =	sld [smem:$0x3FFE];
	_ =	sdelay $0x1  }
0x8a: {  	s1 =	srdreg.scid  }
0x8b: {  	s0 =	sand.u32 $0x1, s1  }
0x8c: {  	s17 =	sshll.u32 s0, $0xA;
	s2 =	sadd.s32 s3, s2  }
0x8d: {  	s2 =	sadd.s32 s2, s17  }
0x8e: {  	[smem:$0x3FC5] =	sst s2  }
0x8f: {  	_ = 	snop  }
0x90: {  	s2 =	sld [smem:$0x3FD0];
	(tm) =	ssettm $0x1  }
0x91: {  	s18 =	sld [smem:$0x3FFB];
	_ =	sdelay $0x3  }
0x92: {  	_ =	strace s18  }
0x93: {  	s3 =	sld [smem:$0x3FFC];
	_ =	sdelay $0x3  }
0x94: {  	_ =	strace s3  }
0x95: {  	s3 =	sld [smem:$0x3FFD];
	_ =	sdelay $0x3  }
0x96: {  	_ =	strace s3  }
0x97: {  	_ =	strace $0x8FFFFFFF  }
0x98: {  	s19 =	sld [smem:$0x3FDB];
	_ =	sdelay $0x1  }
0x99: {  	s4 =	simm.s32 $_scs_section_size  }
0x9a: {  	s5 =	simm.s32 $_size__tile_overlayer_lowered;
	s6 =	simm.s32 $_tile_overlayer_lowered  }
0x9b: {  	s22 =	simm.s32 $0x1BFF;
	s21 =	sshll.u32 s6, $0x1;
	s3 =	sadd.s32 s4, s19  }
0x9c: {  	s7 =	simm.s32 $0x0;
	s20 =	sshll.u32 s5, $0x1;
	s5 =	sadd.s32 s21, s3  }
0x9d: {  	[timem:s7], [sflag:s22] =	dma.local [hbm:s5], s20  }
0x9e: {  	_ =	swait.ge [sflag:s22], s20  }
0x9f: {  	s4 =	ssub.s32 $0x0, s20;
	[sflag:s22] =	ssyncset.done $0x0  }
0xa0: {  	[sflag:s22] =	ssyncadd.s32 s4;
	_ =	sdelay $0x1  }
0xa1: {  	s23 =	simm.s32 $0x1B8B  }
0xa2: {  	_ =	swait.ge [sflag:s23], $0x1  }
0xa3: {  	[sflag:s23] =	ssyncset.done $0x0  }
0xa4: {  	s25 =	simm.s32 $0x1B8E;
	s24 =	sld [smem:$0x3FFE];
	[sflag:s23] =	ssyncadd.s32 $0xFFFFFFFF  }
0xa5: {  	s26 =	simm.s32 $execute0_lowered;
	[smem:$0x3FD2] =	sst s25  }
0xa6: {  	s5 =	sshll.u32 s26, $0x1;
	_ =	strace $0x80000046;
	[dreg:$0x1] =	wrdreg $0xFFFFFFFF  }
0xa7: {  	s28 =	simm.s32 $_size_execute0_lowered;
	s3 =	sadd.s32 s3, s5;
	[dreg:$0x0] =	wrdreg $0x0  }
0xa8: {  	s5 =	sshll.u32 s28, $0x1;
	[dreg:$0x2] =	wrdreg s3  }
0xa9: {  	[dreg:$0x3] =	wrdreg s5  }
0xaa: {  	[dreg:$0x4] =	wrdreg $0xC0  }
0xab: {  	_ =	task [dreg:s7], $0x5FFFF  }
0xac: {  	[dreg:$0x1] =	wrdreg $0xFFFFFFFF  }
0xad: {  	[dreg:$0x0] =	wrdreg $0x60  }
0xae: {  	[dreg:$0x2] =	wrdreg s24  }
0xaf: {  	[dreg:$0x3] =	wrdreg s2  }
0xb0: {  	[dreg:$0x4] =	wrdreg $0xA4000  }
0xb1: {  	[dreg:$0x5] =	wrdreg $0x9  }
0xb2: {  	_ =	task.clear_ibuf [dreg:s7], $0x6FFFF;
	_ =	strace $0x90000046  }
0xb3: {  	s29 =	simm.s32 $0x9;
	_ =	strace $0x80000048  }
0xb4: {  	_ =	swait.ge [sflag:s29], $0x1  }
0xb5: {  	[sflag:s29] =	ssyncadd.s32 $0xFFFFFFFF  }
0xb6: {  	_ =	strace $0x90000048  }
0xb7: {  	_ =	sfence  }
0xb8: {  	s30 =	sld [smem:$0x0];
	_ =	sdelay $0x2  }
0xb9: {  	s31 =	sshll.u32 s1, $0xD;
	s1 =	sshrl.u32 s1, $0x2  }
0xba: {  	s3 =	sand.u32 $0x4000, s31;
	s1 =	sadd.s32 s1, s30  }
0xbb: {  	s0 =	sor.u32 s3, s0;
	s1 =	sshll.u32 s1, $0x11  }
0xbc: {  	s0 =	sor.u32 s1, s0  }
0xbd: {  	s0 =	sadd.s32 $0x8F2B, s0  }
0xbe: {  	[sflag:s0] =	ssyncadd.remote.s32 $0x1  }
0xbf: {  	_ =	sfence.sel $0xFFFF  }
0xc0: {  	[dreg:$0x0] =	wrdreg $0xFFFFFFFF;
	(pc) =	sbr.abs _section_cstart, $3  }
0xc1: {  	[dreg:$0x1] =	wrdreg $0xFFFFFFFF  }
0xc2: {  	_ =	task.clear_ibuf [dreg:s7], $0x2FFFF;
	_ =	strace $0x9FFFFFFF  }
0xc3: {  	(tm) =	ssettm $0x7FFFFFFF  }
tec
execute0_lowered:
.L_overlay_start_1:
0x0: {  	(tag) =	ssettag $0x1  }
0x1: {  	s0 =	rddreg [dreg:$0x0]  }
0x2: {  	s29 =	rddreg [dreg:$0x2];
	s4 =	simm.s32 $0x0;
	s1 =	srdreg.scid  }
0x3: {  	s2 =	stileid.u32;
	s14 =	simm.s32 $0x7;
	[smem:$0x7FF] =	sst s4  }
0x4: {  	s1 =	sand.u32 $0x1, s1;
	s3 =	sadd.s32 $0xA00, s0;
	s16 =	sadd.s32 $0x600, s0  }
0x5: {  	s17 =	sadd.s32 $0x18A00, s0;
	_ =	strace $0x80000047;
	[dreg:$0x4] =	wrdreg s16  }
0x6: {  	s5 =	sshll.u32 s2, $0xE;
	s25 =	sadd.s32 $0x18FC0, s0;
	[dreg:$0x5] =	wrdreg s17  }
0x7: {  	s8 =	sadd.s32 $0x18C00, s0;
	s26 =	sadd.s32 $0x20FC0, s0;
	[dreg:$0xe] =	wrdreg s25  }
0x8: {  	s28 =	sadd.s32 $0x18FE0, s0;
	s0 =	sadd.s32 $0x20FE0, s0;
	[dreg:$0xf] =	wrdreg s26  }
0x9: {  	s6 =	sshll.u32 s1, $0xD;
	s1 =	ssub.s32 $0x2, s1;
	[dreg:$0x10] =	wrdreg s28  }
0xa: {  	s21 =	sor.u32 $0xFFF80000, s5;
	s22 =	sadd.s32 s5, s29;
	[dreg:$0x11] =	wrdreg s0  }
0xb: {  	s23 =	sor.u32 $0xFFFC0000, s5;
	s16 =	sadd.s32 $0x40000, s29;
	[dreg:$0xb] =	wrdreg s21  }
0xc: {  	s25 =	simm.s32 $0x0;
	s17 =	sor.u32 s6, s5;
	[dreg:$0xd] =	wrdreg s23  }
0xd: {  	s19 =	sshrl.u32 s1, $0x1;
	[dreg:$0xc] =	wrdreg s22;
	s24 =	sadd.s32 $0x40000, s22  }
0xe: {  	s23 =	simm.s32 $0x6000;
	s22 =	simm.s32 $0x2;
	s6 =	simm.s32 $0x800  }
0xf: {  	s21 =	simm.s32 $0x1;
	s18 =	sor.u32 $0x40000, s17;
	[dreg:$0x6] =	wrdreg s17  }
0x10: {  	s7 =	sshrl.u32 s17, $0x3;
	s31 =	sshrl.u32 s24, $0x3;
	[dreg:$0x7] =	wrdreg s18  }
0x11: {  	s1 =	ssub.s32 s1, s19;
	s20 =	sadd.s32 s3, s7;
	[dreg:$0x13] =	wrdreg s31  }
0x12: {  	s9 =	sshrl.u32 s18, $0x3;
	s30 =	smax.u32 s1, $0x1;
	[dreg:$0x8] =	wrdreg s20  }
0x13: {  	s19 =	simm.s32 $0x6800;
	s3 =	sadd.s32 s3, s9;
	[dreg:$0x12] =	wrdreg s30  }
0x14: {  	s1 =	simm.s32 $0x3;
	s2 =	sadd.s32 $0x10000, s20;
	[dreg:$0x9] =	wrdreg s3  }
0x15: {  	v0 =	vimm.s32 $0x0;
	s9 =	simm.s32 $0x4;
	[dreg:$0xa] =	wrdreg s2;
	s2 =	simm.s32 $0x0  }
.LBB2_1:
0x16: {  	[dreg:$0x14] =	wrdreg s2  }
0x17: {  	s0 =	rddreg [dreg:$0x5];
	s20 =	simm.s32 $0x12400;
	s24 =	simm.s32 $0x8  }
0x18: {  	[tilespmem:s20], [sflag:$0x8] =	stream.linear.gather [hbm4b:s0+s4], $0x100, $0x38;
	[tilespmem:$0x12500] =	vst v63  }
0x19: {  	_ =	swait.ge [sflag:s24], $0x100  }
0x1a: {  	[sflag:s24] =	ssyncset.done $0x0  }
0x1b: {  	s26 =	rddreg [dreg:$0x8];
	[sflag:s24] =	ssyncadd.s32 $0xFFFFFF00  }
0x1c: {  	[tilespmem:s4], [sflag:$0x8] =	stream.linear.gather [hbm4b:s26+s4], $0x2000, $0x38;
	[tilespmem:$0x12500] =	vst v63  }
0x1d: {  	_ =	swait.ge [sflag:s24], $0x2000  }
0x1e: {  	[sflag:s24] =	ssyncset.done $0x0  }
0x1f: {  	s3 =	simm.s32 $0x2000;
	s28 =	rddreg [dreg:$0x9];
	[sflag:s24] =	ssyncadd.s32 $0xFFFFE000  }
0x20: {  	[tilespmem:s3], [sflag:$0x8] =	stream.linear.gather [hbm4b:s28+s4], $0x2000, $0x38;
	[tilespmem:$0x12500] =	vst v63  }
0x21: {  	_ =	swait.ge [sflag:s24], $0x2000  }
0x22: {  	[sflag:s24] =	ssyncset.done $0x0  }
0x23: {  	s31 =	simm.s32 $0x4000;
	s30 =	rddreg [dreg:$0xa];
	[sflag:s24] =	ssyncadd.s32 $0xFFFFE000  }
0x24: {  	[tilespmem:s31], [sflag:$0x8] =	stream.linear.gather [hbm4b:s30+s4], $0x2000, $0x38;
	[tilespmem:$0x12500] =	vst v63  }
0x25: {  	_ =	swait.ge [sflag:s24], $0x2000  }
0x26: {  	[sflag:s24] =	ssyncset.done $0x0  }
0x27: {  	[sflag:s24] =	ssyncadd.s32 $0xFFFFE000  }
0x28: {  	v1 =	vld [tilespmem:s4+$0x0];
	_ =	sdelay $0x4  }
0x29: {  	v1 =	vadd.f32 $1.000000000e+00, v1;
	_ =	sdelay $0x1  }
0x2a: {  	v1 =	vmul.f32 $5.000000000e-01, v1;
	_ =	sdelay $0x1  }
0x2b: {  	s10 =	sand.u32 $0x1FF0, s4;
	[tilespmem:s4+$0x0] =	vst v1  }
0x2c: {  	v1 =	vld [tilespmem:s10+$0x2000]  }
0x2d: {  	v2 =	vld [tilespmem:s10+$0x4000];
	_ =	sdelay $0x4  }
0x2e: {  	v1 =	vadd.f32 $1.000000000e+00, v1;
	v3 =	vadd.f32 $1.000000000e+00, v2;
	_ =	sdelay $0x1  }
0x2f: {  	s7 =	simm.s32 $0x0;
	s3 =	simm.s32 $0x10;
	v2 =	vmul.f32 $5.000000000e-01, v1;
	v1 =	vmul.f32 $5.000000000e-01, v3  }
.LBB2_2:
0x30: {  	p0 =	sne.s32 s3, $0x1FF0  }
0x31: {  	[tilespmem:s10+$0x2000] =	vst v2;
	s7 =	sadd.s32 $0x10, s7;
	s5 =	smov.u32 s3;
	s3 =	sadd.s32 $0x10, s3  }
0x32: {  	[tilespmem:s10+$0x4000] =	vst v1  }
0x33: {  	v1 =	vld [tilespmem:s7+$0x0];
	_ =	sdelay $0x4  }
0x34: {  	v1 =	vadd.f32 $1.000000000e+00, v1;
	_ =	sdelay $0x1  }
0x35: {  	v1 =	vmul.f32 $5.000000000e-01, v1;
	_ =	sdelay $0x1  }
0x36: {  	s10 =	sand.u32 $0x1FF0, s5;
	[tilespmem:s7+$0x0] =	vst v1  }
0x37: {  	v1 =	vld [tilespmem:s10+$0x2000]  }
0x38: {  	v2 =	vld [tilespmem:s10+$0x4000];
	_ =	sdelay $0x2  }
.Ltmp0:
0x39: {  	(pc) =	sbr.rel @p0 .LBB2_2-.Ltmp0, $4  }
0x3a: {  	v1 =	vadd.f32 $1.000000000e+00, v1  }
0x3b: {  	v3 =	vadd.f32 $1.000000000e+00, v2  }
0x3c: {  	v2 =	vmul.f32 $5.000000000e-01, v1  }
0x3d: {  	s5 =	simm.s32 $0x0;
	v1 =	vmul.f32 $5.000000000e-01, v3  }
0x3e: {  	[tilespmem:s10+$0x2000] =	vst v2  }
0x3f: {  	s7 =	simm.s32 $0x0;
	[tilespmem:s10+$0x4000] =	vst v1  }
.LBB2_4:
0x40: {  	s10 =	sshll.u32 s7, $0x8;
	s3 =	sand.u32 $0x80, s5  }
0x41: {  	s11 =	sand.u32 $0x70, s5;
	s3 =	sadd.s32 s3, s10  }
0x42: {  	s3 =	sadd.s32 s11, s3  }
0x43: {  	v1 =	vld [tilespmem:s3+$0x2000]  }
0x44: {  	v2 =	vld [tilespmem:s3+$0x0]  }
0x45: {  	v3 =	vld [tilespmem:s3+$0x4000];
	_ =	sdelay $0x3  }
0x46: {  	v1 =	vmul.f32 $1.500000000e+01, v1  }
0x47: {  	v2 =	vmul.f32 $1.500000000e+01, v2;
	v3 =	vmul.f32 $1.500000000e+01, v3  }
0x48: {  	v1 =	vadd.f32 $5.000000000e-01, v1  }
0x49: {  	v2 =	vadd.f32 $5.000000000e-01, v2;
	v3 =	vadd.f32 $5.000000000e-01, v3  }
0x4a: {  	v4 =	vtrunc.f32 v1  }
0x4b: {  	v6 =	vtrunc.f32 v2;
	v7 =	vtrunc.f32 v3  }
0x4c: {  	v8 =	vcvt.f32.s32 v6;
	v9 =	vcvt.f32.s32 v7  }
0x4d: {  	v5 =	vcvt.f32.s32 v4;
	vm0 =	veq.f32 v1, v4;
	vm1 =	veq.f32 v2, v6  }
0x4e: {  	vm3 =	veq.f32 v3, v7;
	v2 =	vand.u32 $0x1, v8;
	v63 =	vand.u32 $0x1, v9  }
0x4f: {  	v1 =	vand.u32 $0x1, v5;
	vm2 =	veq.s32 v2, $0x1;
	vm4 =	veq.s32 v63, $0x1  }
0x50: {  	vm15 =	veq.s32 v1, $0x1;
	vm1 =	vmand vm1, vm2;
	vm3 =	vmand vm3, vm4  }
0x51: {  	vm0 =	vmand vm0, vm15;
	v1 =	vsel vm1, $0xFFFFFFFF, v0;
	v2 =	vsel vm3, $0xFFFFFFFF, v0  }
0x52: {  	v3 =	vsel vm0, $0xFFFFFFFF, v0;
	v1 =	vadd.s32 v8, v1;
	v2 =	vadd.s32 v9, v2  }
0x53: {  	v3 =	vadd.s32 v5, v3;
	v1 =	vshll.u32 v1, $0x9;
	v2 =	vshll.u32 v2, $0x1  }
0x54: {  	s12 =	simm.s32 $0x10;
	v3 =	vshll.u32 v3, $0x5;
	v1 =	vadd.s32 v2, v1  }
0x55: {  	s13 =	sand.u32 $0x80, s12;
	s3 =	simm.s32 $0x6000;
	v1 =	vadd.s32 v1, v3  }
0x56: {  	s12 =	sand.u32 $0x70, s12;
	s11 =	simm.s32 $0x6800;
	s13 =	sadd.s32 s13, s10;
	[tilespmem:s3+$0x0] =	vst v1;
	v1 =	vor.u32 $0x1, v1  }
0x57: {  	s13 =	sadd.s32 s12, s13;
	s12 =	simm.s32 $0x20;
	[tilespmem:s11+$0x0] =	vst v1  }
.LBB2_5:
0x58: {  	p0 =	sne.s32 s12, $0xF0;
	v1 =	vld [tilespmem:s13+$0x2000]  }
0x59: {  	v2 =	vld [tilespmem:s13+$0x0]  }
0x5a: {  	v3 =	vld [tilespmem:s13+$0x4000];
	_ =	sdelay $0x2  }
0x5b: {  	v1 =	vmul.f32 $1.500000000e+01, v1;
	_ =	sdelay $0x1  }
0x5c: {  	v2 =	vmul.f32 $1.500000000e+01, v2;
	v1 =	vadd.f32 $5.000000000e-01, v1;
	v3 =	vmul.f32 $1.500000000e+01, v3;
	_ =	sdelay $0x1  }
0x5d: {  	v2 =	vadd.f32 $5.000000000e-01, v2;
	v4 =	vtrunc.f32 v1;
	v3 =	vadd.f32 $5.000000000e-01, v3  }
0x5e: {  	v5 =	vcvt.f32.s32 v4  }
0x5f: {  	v6 =	vtrunc.f32 v2;
	v7 =	vtrunc.f32 v3  }
0x60: {  	v8 =	vcvt.f32.s32 v6;
	v9 =	vcvt.f32.s32 v7  }
0x61: {  	vm0 =	veq.f32 v1, v4;
	v1 =	vand.u32 $0x1, v5  }
0x62: {  	vm1 =	veq.f32 v2, v6;
	v2 =	vand.u32 $0x1, v8;
	v4 =	vand.u32 $0x1, v9  }
0x63: {  	vm3 =	veq.f32 v3, v7;
	vm2 =	veq.s32 v2, $0x1;
	vm4 =	veq.s32 v4, $0x1  }
0x64: {  	vm1 =	vmand vm1, vm2;
	vm2 =	veq.s32 v1, $0x1;
	vm3 =	vmand vm3, vm4  }
0x65: {  	v1 =	vsel vm1, $0xFFFFFFFF, v0;
	vm0 =	vmand vm0, vm2;
	v2 =	vsel vm3, $0xFFFFFFFF, v0  }
0x66: {  	v1 =	vadd.s32 v8, v1;
	v3 =	vsel vm0, $0xFFFFFFFF, v0;
	v2 =	vadd.s32 v9, v2  }
.Ltmp1:
0x67: {  	v3 =	vadd.s32 v5, v3;
	v1 =	vshll.u32 v1, $0x9;
	v2 =	vshll.u32 v2, $0x1;
	(pc) =	sbr.rel @p0 .LBB2_5-.Ltmp1, $4  }
0x68: {  	v3 =	vshll.u32 v3, $0x5;
	v1 =	vadd.s32 v2, v1  }
0x69: {  	s3 =	sadd.s32 $0x10, s3;
	s13 =	sand.u32 $0x80, s12;
	v1 =	vadd.s32 v1, v3  }
0x6a: {  	s15 =	sand.u32 $0x70, s12;
	s11 =	sadd.s32 $0x10, s11;
	s13 =	sadd.s32 s13, s10;
	[tilespmem:s3+$0x0] =	vst v1;
	v1 =	vor.u32 $0x1, v1  }
0x6b: {  	s12 =	sadd.s32 $0x10, s12;
	s13 =	sadd.s32 s15, s13;
	[tilespmem:s11+$0x0] =	vst v1  }
0x6c: {  	v1 =	vld [tilespmem:s13+$0x2000]  }
0x6d: {  	v2 =	vld [tilespmem:s13+$0x0]  }
0x6e: {  	v3 =	vld [tilespmem:s13+$0x4000];
	_ =	sdelay $0x3  }
0x6f: {  	v1 =	vmul.f32 $1.500000000e+01, v1  }
0x70: {  	v2 =	vmul.f32 $1.500000000e+01, v2;
	v3 =	vmul.f32 $1.500000000e+01, v3  }
0x71: {  	v1 =	vadd.f32 $5.000000000e-01, v1  }
0x72: {  	v2 =	vadd.f32 $5.000000000e-01, v2;
	v3 =	vadd.f32 $5.000000000e-01, v3  }
0x73: {  	v4 =	vtrunc.f32 v1  }
0x74: {  	v6 =	vtrunc.f32 v2;
	v7 =	vtrunc.f32 v3  }
0x75: {  	v8 =	vcvt.f32.s32 v6;
	v9 =	vcvt.f32.s32 v7  }
0x76: {  	v5 =	vcvt.f32.s32 v4;
	vm0 =	veq.f32 v1, v4;
	vm1 =	veq.f32 v2, v6  }
0x77: {  	vm3 =	veq.f32 v3, v7;
	v2 =	vand.u32 $0x1, v8;
	v63 =	vand.u32 $0x1, v9  }
0x78: {  	v1 =	vand.u32 $0x1, v5;
	vm2 =	veq.s32 v2, $0x1;
	vm4 =	veq.s32 v63, $0x1  }
0x79: {  	vm15 =	veq.s32 v1, $0x1;
	vm1 =	vmand vm1, vm2;
	vm3 =	vmand vm3, vm4  }
0x7a: {  	vm0 =	vmand vm0, vm15;
	v1 =	vsel vm1, $0xFFFFFFFF, v0;
	v2 =	vsel vm3, $0xFFFFFFFF, v0  }
0x7b: {  	v3 =	vsel vm0, $0xFFFFFFFF, v0;
	v1 =	vadd.s32 v8, v1;
	v2 =	vadd.s32 v9, v2  }
0x7c: {  	v3 =	vadd.s32 v5, v3;
	v1 =	vshll.u32 v1, $0x9;
	v2 =	vshll.u32 v2, $0x1  }
0x7d: {  	v3 =	vshll.u32 v3, $0x5;
	v1 =	vadd.s32 v2, v1  }
0x7e: {  	s3 =	sadd.s32 $0x10, s3;
	v1 =	vadd.s32 v1, v3  }
0x7f: {  	s20 =	sadd.s32 $0x10, s11;
	[tilespmem:s3+$0x0] =	vst v1;
	v1 =	vor.u32 $0x1, v1  }
0x80: {  	s0 =	rddreg [dreg:$0x4];
	s2 =	simm.s32 $0x100;
	s24 =	simm.s32 $0xA000;
	[tilespmem:s20+$0x0] =	vst v1  }
0x81: {  	[tilespmem:s24], [sflag:$0x1] =	stream.indirect.gather [hbm4b:s0+s2], $0x1, s23, s2, $0xb8;
	[tilespmem:$0x12500] =	vst v63  }
0x82: {  	s12 =	simm.s32 $0xA200;
	s13 =	simm.s32 $0x1  }
0x83: {  	[tilespmem:s12], [sflag:$0x2] =	stream.indirect.gather [hbm4b:s0+s2], $0x1, s19, s2, $0xb8;
	[tilespmem:$0x12500] =	vst v63  }
0x84: {  	_ =	swait.ge [sflag:s13], $0x100  }
0x85: {  	[sflag:s13] =	ssyncset.done $0x0  }
0x86: {  	[sflag:s13] =	ssyncadd.s32 $0xFFFFFF00  }
0x87: {  	s26 =	sor.u32 s17, s10;
	_ =	swait.ge [sflag:s22], $0x100  }
0x88: {  	s3 =	sshrl.u32 s26, $0x3;
	[sflag:s22] =	ssyncset.done $0x0  }
0x89: {  	s28 =	simm.s32 $0x8;
	s3 =	sadd.s32 s8, s3;
	[sflag:s22] =	ssyncadd.s32 $0xFFFFFF00  }
0x8a: {  	[hbm4b:s3+s4] =	stream.linear.scatter [tilespmem:s24], [sflag:$0x8], $0x100, $0x38;
	[tilespmem:$0x12500] =	vst v63  }
0x8b: {  	_ =	swait.ge [sflag:s28], $0x100  }
0x8c: {  	s30 =	rddreg [dreg:$0x7]  }
0x8d: {  	s7 =	sadd.s32 $0x1, s7;
	s31 =	sor.u32 s30, s10  }
0x8e: {  	p0 =	sne.s32 s7, $0x20;
	[sflag:s28] =	ssyncset.done $0x0;
	s3 =	sshrl.u32 s31, $0x3  }
.Ltmp2:
0x8f: {  	[sflag:s28] =	ssyncadd.s32 $0xFFFFFF00;
	s3 =	sadd.s32 s8, s3;
	(pc) =	sbr.rel @p0 .LBB2_4-.Ltmp2, $4  }
0x90: {  	[hbm4b:s3+s4] =	stream.linear.scatter [tilespmem:s12], [sflag:$0x8], $0x100, $0x38;
	[tilespmem:$0x12500] =	vst v63  }
0x91: {  	_ =	swait.ge [sflag:s28], $0x100  }
0x92: {  	[sflag:s28] =	ssyncset.done $0x0  }
0x93: {  	[sflag:s28] =	ssyncadd.s32 $0xFFFFFF00  }
.LBB2_7:
0x94: {  	s18 =	sshll.u32 s13, $0x13;
	s0 =	rddreg [dreg:$0xb];
	[bflag:$0x0] =	sbarrier.arrive $0xFFFF  }
0x95: {  	s15 =	stileid.u32;
	s3 =	sadd.s32 s0, s18;
	s19 =	rddreg [dreg:$0x1]  }
0x96: {  	s5 =	sshll.u32 s15, $0x6;
	s2 =	rddreg [dreg:$0xc];
	s3 =	sshrl.u32 s3, $0x3  }
0x97: {  	s7 =	sor.u32 $0x1C05, s5;
	s10 =	sshrl.u32 s2, $0x3;
	s3 =	sadd.s32 s19, s3  }
0x98: {  	[spmem:s10], [sflag:s7] =	dma.local [hbm:s3], $0x800  }
0x99: {  	s20 =	rddreg [dreg:$0xd]  }
0x9a: {  	s23 =	sadd.s32 s20, s18  }
0x9b: {  	s26 =	simm.s32 $0x5;
	s3 =	sshrl.u32 s23, $0x3  }
0x9c: {  	s5 =	sor.u32 $0x1C06, s5;
	s24 =	rddreg [dreg:$0x13];
	s3 =	sadd.s32 s19, s3  }
0x9d: {  	[spmem:s24], [sflag:s5] =	dma.local [hbm:s3], $0x800  }
0x9e: {  	_ =	swait.ge [sflag:s26], $0x800  }
0x9f: {  	[sflag:s26] =	ssyncset.done $0x0  }
0xa0: {  	s28 =	simm.s32 $0x6;
	[sflag:s26] =	ssyncadd.s32 $0xFFFFF800  }
0xa1: {  	_ =	swait.ge [sflag:s28], $0x800  }
0xa2: {  	[sflag:s28] =	ssyncset.done $0x0  }
0xa3: {  	s30 =	sshll.u32 s13, $0x6;
	[dreg:$0x15] =	wrdreg s13;
	[sflag:s28] =	ssyncadd.s32 $0xFFFFF800  }
0xa4: {  	s19 =	sshrl.u32 s30, $0x2;
	[bflag:$0x0] =	sbarrier.arrive $0xFFFF  }
0xa5: {  	s5 =	simm.s32 $0x0;
	v1 =	vld [tilespmem:s19+$0x12400]  }
0xa6: {  	s31 =	sand.u32 $0xF0, s5  }
0xa7: {  	v3 =	vld [tilespmem:s31+$0x2000]  }
0xa8: {  	v4 =	vld [tilespmem:s5+$0x0]  }
0xa9: {  	v5 =	vld [tilespmem:s31+$0x4000]  }
0xaa: {  	v1 =	vadd.s32 $0xFFFFFFFF, v1  }
0xab: {  	v2 =	vcvt.s32.f32 v1;
	_ =	sdelay $0x1  }
0xac: {  	v3 =	vmul.f32 v2, v3  }
0xad: {  	v4 =	vmul.f32 v2, v4;
	v5 =	vmul.f32 v2, v5  }
0xae: {  	v6 =	vtrunc.f32 v3  }
0xaf: {  	v7 =	vtrunc.f32 v4;
	v8 =	vtrunc.f32 v5  }
0xb0: {  	v6 =	vcvt.f32.s32 v6;
	v7 =	vcvt.f32.s32 v7  }
0xb1: {  	v8 =	vcvt.f32.s32 v8  }
0xb2: {  	v9 =	vcvt.s32.f32 v6;
	v10 =	vcvt.s32.f32 v7  }
0xb3: {  	v11 =	vcvt.s32.f32 v8;
	v12 =	vmul.u32 $0x9E3779B1, v6  }
0xb4: {  	v6 =	vadd.s32 $0x1, v6;
	v3 =	vsub.f32 v3, v9;
	v4 =	vsub.f32 v4, v10  }
0xb5: {  	v54 =	vadd.s32 $0x1, v8;
	v8 =	vmul.u32 $0x30025795, v8;
	v5 =	vsub.f32 v5, v11  }
0xb6: {  	vm0 =	vlt.s32 v54, v1;
	v10 =	vsub.f32 $1.000000000e+00, v4;
	v55 =	vsub.f32 $1.000000000e+00, v3  }
0xb7: {  	vm14 =	vlt.s32 v6, v1;
	v9 =	vsel vm0, v54, v1;
	v13 =	vxor.u32 v7, v12  }
0xb8: {  	v6 =	vsel vm14, v6, v1;
	v14 =	vsub.f32 $1.000000000e+00, v5;
	v15 =	vmul.f32 v55, v10  }
0xb9: {  	v9 =	vmul.u32 $0x30025795, v9;
	v16 =	vxor.u32 v8, v13;
	v6 =	vmul.u32 $0x9E3779B1, v6  }
0xba: {  	s7 =	simm.s32 $0x6400;
	v16 =	vand.u32 $0x3FFFF, v16;
	v17 =	vmul.f32 v14, v15  }
0xbb: {  	s10 =	simm.s32 $0x7400;
	v13 =	vxor.u32 v13, v9;
	[tilespmem:s7+$0xFFFFFC00] =	vst v16;
	v56 =	vxor.u32 v7, v6  }
0xbc: {  	v10 =	vmul.f32 v3, v10;
	v13 =	vand.u32 $0x3FFFF, v13;
	v15 =	vmul.f32 v15, v5;
	[tilespmem:s10+$0xFFFFFC00] =	vst v17  }
0xbd: {  	v7 =	vadd.s32 $0x1, v7;
	v57 =	vxor.u32 v8, v56;
	[tilespmem:s7+$0xFFFFFD00] =	vst v13  }
0xbe: {  	vm15 =	vlt.s32 v7, v1;
	v58 =	vmul.f32 v14, v10;
	v13 =	vand.u32 $0x3FFFF, v57;
	[tilespmem:s10+$0xFFFFFD00] =	vst v15  }
0xbf: {  	v59 =	vxor.u32 v9, v56;
	v11 =	vmul.f32 v55, v4;
	v7 =	vsel vm15, v7, v1;
	[tilespmem:s7+$0xFFFFFE00] =	vst v13  }
0xc0: {  	v60 =	vand.u32 $0x3FFFF, v59;
	v10 =	vmul.f32 v5, v10;
	v12 =	vxor.u32 v12, v7;
	[tilespmem:s10+$0xFFFFFE00] =	vst v58  }
0xc1: {  	v61 =	vxor.u32 v8, v12;
	[tilespmem:s7+$0xFFFFFF00] =	vst v60  }
0xc2: {  	v62 =	vmul.f32 v14, v11;
	v63 =	vand.u32 $0x3FFFF, v61;
	[tilespmem:s10+$0xFFFFFF00] =	vst v10  }
0xc3: {  	v3 =	vmul.f32 v3, v4;
	v12 =	vxor.u32 v12, v9;
	[tilespmem:s7+$0x0] =	vst v63  }
0xc4: {  	v11 =	vmul.f32 v11, v5;
	v6 =	vxor.u32 v7, v6;
	v4 =	vand.u32 $0x3FFFF, v12;
	[tilespmem:s10+$0x0] =	vst v62  }
0xc5: {  	v7 =	vxor.u32 v8, v6;
	[tilespmem:s7+$0x100] =	vst v4  }
0xc6: {  	v4 =	vand.u32 $0x3FFFF, v7;
	v7 =	vmul.f32 v14, v3;
	[tilespmem:s10+$0x100] =	vst v11  }
0xc7: {  	v6 =	vxor.u32 v9, v6;
	[tilespmem:s7+$0x200] =	vst v4  }
0xc8: {  	s11 =	simm.s32 $0x7400;
	s3 =	simm.s32 $0x10;
	v3 =	vmul.f32 v5, v3;
	v4 =	vand.u32 $0x3FFFF, v6;
	[tilespmem:s10+$0x200] =	vst v7  }
.LBB2_8:
0xc9: {  	[tilespmem:s7+$0x300] =	vst v4;
	s5 =	sadd.s32 $0x10, s5;
	s7 =	sadd.s32 $0x10, s7;
	s10 =	sadd.s32 $0x10, s10  }
0xca: {  	s12 =	sand.u32 $0xF0, s3;
	p0 =	sne.s32 s3, $0xF0;
	s3 =	sadd.s32 $0x10, s3;
	[tilespmem:s11+$0x300] =	vst v3  }
0xcb: {  	s11 =	smov.u32 s10;
	v3 =	vld [tilespmem:s12+$0x2000]  }
0xcc: {  	v4 =	vld [tilespmem:s5+$0x0]  }
0xcd: {  	v5 =	vld [tilespmem:s12+$0x4000];
	_ =	sdelay $0x2  }
0xce: {  	v3 =	vmul.f32 v2, v3  }
0xcf: {  	v4 =	vmul.f32 v2, v4  }
0xd0: {  	v5 =	vmul.f32 v2, v5;
	v6 =	vtrunc.f32 v3  }
0xd1: {  	v7 =	vtrunc.f32 v4;
	v6 =	vcvt.f32.s32 v6  }
0xd2: {  	v7 =	vcvt.f32.s32 v7;
	v8 =	vtrunc.f32 v5  }
0xd3: {  	v8 =	vcvt.f32.s32 v8;
	v9 =	vcvt.s32.f32 v6;
	v10 =	vmul.u32 $0x9E3779B1, v6  }
0xd4: {  	v6 =	vadd.s32 $0x1, v6;
	v11 =	vcvt.s32.f32 v7;
	v12 =	vadd.s32 $0x1, v7  }
0xd5: {  	v3 =	vsub.f32 v3, v9;
	v9 =	vcvt.s32.f32 v8;
	v13 =	vadd.s32 $0x1, v8  }
0xd6: {  	v8 =	vmul.u32 $0x30025795, v8;
	v4 =	vsub.f32 v4, v11;
	vm0 =	vlt.s32 v13, v1  }
0xd7: {  	v11 =	vxor.u32 v7, v10;
	v5 =	vsub.f32 v5, v9;
	v9 =	vsel vm0, v13, v1  }
0xd8: {  	v14 =	vsub.f32 $1.000000000e+00, v3;
	v9 =	vmul.u32 $0x30025795, v9;
	v13 =	vsub.f32 $1.000000000e+00, v4  }
0xd9: {  	vm1 =	vlt.s32 v6, v1;
	vm0 =	vlt.s32 v12, v1;
	v15 =	vxor.u32 v8, v11  }
0xda: {  	v12 =	vsel vm0, v12, v1;
	v16 =	vsub.f32 $1.000000000e+00, v5;
	v17 =	vmul.f32 v14, v13  }
0xdb: {  	v6 =	vsel vm1, v6, v1;
	v15 =	vand.u32 $0x3FFFF, v15;
	v13 =	vmul.f32 v3, v13  }
0xdc: {  	v6 =	vmul.u32 $0x9E3779B1, v6;
	v11 =	vxor.u32 v11, v9;
	v18 =	vmul.f32 v16, v17  }
0xdd: {  	v11 =	vand.u32 $0x3FFFF, v11;
	[tilespmem:s7+$0xFFFFFC00] =	vst v15;
	v15 =	vmul.f32 v17, v5;
	v17 =	vmul.f32 v16, v13  }
0xde: {  	v7 =	vxor.u32 v7, v6;
	v10 =	vxor.u32 v10, v12;
	v13 =	vmul.f32 v5, v13;
	[tilespmem:s10+$0xFFFFFC00] =	vst v18  }
0xdf: {  	v14 =	vmul.f32 v14, v4;
	[tilespmem:s7+$0xFFFFFD00] =	vst v11;
	v11 =	vxor.u32 v8, v7;
	v7 =	vxor.u32 v9, v7  }
0xe0: {  	[tilespmem:s10+$0xFFFFFD00] =	vst v15;
	v11 =	vand.u32 $0x3FFFF, v11;
	v15 =	vxor.u32 v8, v10;
	v10 =	vxor.u32 v10, v9  }
0xe1: {  	v6 =	vxor.u32 v12, v6;
	[tilespmem:s7+$0xFFFFFE00] =	vst v11;
	v11 =	vmul.f32 v16, v14;
	v14 =	vmul.f32 v14, v5  }
0xe2: {  	v7 =	vand.u32 $0x3FFFF, v7;
	v8 =	vxor.u32 v8, v6;
	v6 =	vxor.u32 v9, v6;
	[tilespmem:s10+$0xFFFFFE00] =	vst v17  }
0xe3: {  	v4 =	vmul.f32 v3, v4;
	[tilespmem:s7+$0xFFFFFF00] =	vst v7  }
0xe4: {  	v3 =	vand.u32 $0x3FFFF, v15;
	[tilespmem:s10+$0xFFFFFF00] =	vst v13  }
0xe5: {  	[tilespmem:s7+$0x0] =	vst v3;
	v3 =	vmul.f32 v5, v4  }
.Ltmp3:
0xe6: {  	v5 =	vand.u32 $0x3FFFF, v10;
	[tilespmem:s10+$0x0] =	vst v11;
	(pc) =	sbr.rel @p0 .LBB2_8-.Ltmp3, $4  }
0xe7: {  	[tilespmem:s7+$0x100] =	vst v5  }
0xe8: {  	v4 =	vmul.f32 v16, v4;
	v5 =	vand.u32 $0x3FFFF, v8;
	[tilespmem:s10+$0x100] =	vst v14  }
0xe9: {  	[tilespmem:s7+$0x200] =	vst v5  }
0xea: {  	[tilespmem:s10+$0x200] =	vst v4;
	v4 =	vand.u32 $0x3FFFF, v6  }
0xeb: {  	[tilespmem:s7+$0x300] =	vst v4  }
0xec: {  	s0 =	simm.s32 $0x6000;
	s2 =	simm.s32 $0x8000;
	s18 =	sor.u32 s17, s18;
	[tilespmem:s11+$0x300] =	vst v3  }
0xed: {  	[tilespmem:s2], [sflag:$0x1] =	stream.indirect.gather [spmem:s29], $0x1, s0, s6, $0xb8;
	[tilespmem:$0x12500] =	vst v63  }
0xee: {  	s31 =	simm.s32 $0x9000;
	s28 =	simm.s32 $0x0;
	s20 =	sor.u32 $0x40000, s18  }
0xef: {  	[tilespmem:s31], [sflag:$0x2] =	stream.indirect.gather [spmem:s16], $0x1, s0, s6, $0xb8;
	[tilespmem:$0x12500] =	vst v63  }
.LBB2_10:
0xf0: {  	s26 =	sshll.u32 s28, $0x9  }
0xf1: {  	s3 =	sand.u32 $0x80, s25;
	s24 =	sor.u32 $0x100, s26  }
0xf2: {  	v1 =	vld [tilespmem:s19+$0x12400];
	s5 =	sand.u32 $0x70, s25;
	s7 =	sadd.s32 s3, s24  }
0xf3: {  	s3 =	sadd.s32 s3, s26;
	s7 =	sadd.s32 s5, s7  }
0xf4: {  	s3 =	sadd.s32 s5, s3;
	v3 =	vld [tilespmem:s7+$0x0]  }
0xf5: {  	v4 =	vld [tilespmem:s3+$0x2100]  }
0xf6: {  	v5 =	vld [tilespmem:s3+$0x4100]  }
0xf7: {  	v1 =	vadd.s32 $0xFFFFFFFF, v1  }
0xf8: {  	v2 =	vcvt.s32.f32 v1;
	_ =	sdelay $0x1  }
0xf9: {  	v3 =	vmul.f32 v2, v3  }
0xfa: {  	v4 =	vmul.f32 v2, v4;
	v5 =	vmul.f32 v2, v5  }
0xfb: {  	v6 =	vtrunc.f32 v3  }
0xfc: {  	v7 =	vtrunc.f32 v4;
	v8 =	vtrunc.f32 v5  }
0xfd: {  	v6 =	vcvt.f32.s32 v6;
	v7 =	vcvt.f32.s32 v7  }
0xfe: {  	v8 =	vcvt.f32.s32 v8  }
0xff: {  	v9 =	vcvt.s32.f32 v6;
	v10 =	vcvt.s32.f32 v7  }
0x100: {  	v11 =	vcvt.s32.f32 v8;
	v12 =	vadd.s32 $0x1, v7  }
0x101: {  	v7 =	vmul.u32 $0x9E3779B1, v7;
	v3 =	vsub.f32 v3, v9;
	v4 =	vsub.f32 v4, v10  }
0x102: {  	v52 =	vadd.s32 $0x1, v8;
	v8 =	vmul.u32 $0x30025795, v8;
	v5 =	vsub.f32 v5, v11  }
0x103: {  	vm0 =	vlt.s32 v52, v1;
	v53 =	vsub.f32 $1.000000000e+00, v3;
	v54 =	vsub.f32 $1.000000000e+00, v4  }
0x104: {  	vm14 =	vlt.s32 v12, v1;
	v9 =	vsel vm0, v52, v1;
	v13 =	vxor.u32 v6, v7  }
0x105: {  	v12 =	vsel vm14, v12, v1;
	v14 =	vsub.f32 $1.000000000e+00, v5;
	v15 =	vmul.f32 v54, v53  }
0x106: {  	v9 =	vmul.u32 $0x30025795, v9;
	v16 =	vxor.u32 v8, v13;
	v12 =	vmul.u32 $0x9E3779B1, v12  }
0x107: {  	s10 =	simm.s32 $0x6C00;
	v16 =	vand.u32 $0x3FFFF, v16;
	v17 =	vmul.f32 v14, v15  }
0x108: {  	s11 =	simm.s32 $0x7C00;
	v13 =	vxor.u32 v13, v9;
	[tilespmem:s10+$0xFFFFFC00] =	vst v16;
	v55 =	vxor.u32 v6, v12  }
0x109: {  	v10 =	vmul.f32 v4, v53;
	v13 =	vand.u32 $0x3FFFF, v13;
	v15 =	vmul.f32 v15, v5;
	[tilespmem:s11+$0xFFFFFC00] =	vst v17  }
0x10a: {  	v6 =	vadd.s32 $0x1, v6;
	v56 =	vxor.u32 v8, v55;
	[tilespmem:s10+$0xFFFFFD00] =	vst v13  }
0x10b: {  	vm15 =	vlt.s32 v6, v1;
	v57 =	vmul.f32 v14, v10;
	v13 =	vand.u32 $0x3FFFF, v56;
	[tilespmem:s11+$0xFFFFFD00] =	vst v15  }
0x10c: {  	v58 =	vxor.u32 v9, v55;
	v11 =	vmul.f32 v54, v3;
	v6 =	vsel vm15, v6, v1;
	[tilespmem:s10+$0xFFFFFE00] =	vst v13  }
0x10d: {  	v59 =	vand.u32 $0x3FFFF, v58;
	v10 =	vmul.f32 v5, v10;
	v7 =	vxor.u32 v7, v6;
	[tilespmem:s11+$0xFFFFFE00] =	vst v57  }
0x10e: {  	v60 =	vxor.u32 v8, v7;
	[tilespmem:s10+$0xFFFFFF00] =	vst v59  }
0x10f: {  	v61 =	vmul.f32 v14, v11;
	v15 =	vand.u32 $0x3FFFF, v60;
	[tilespmem:s11+$0xFFFFFF00] =	vst v10  }
0x110: {  	v63 =	vmul.f32 v4, v3;
	v7 =	vxor.u32 v7, v9;
	[tilespmem:s10+$0x0] =	vst v15  }
0x111: {  	s31 =	simm.s32 $0x10;
	v6 =	vxor.u32 v6, v12;
	v62 =	vmul.f32 v11, v5;
	v4 =	vand.u32 $0x3FFFF, v7;
	[tilespmem:s11+$0x0] =	vst v61  }
0x112: {  	s15 =	simm.s32 $0x20;
	s13 =	sand.u32 $0x80, s31;
	v3 =	vxor.u32 v9, v6;
	v7 =	vxor.u32 v8, v6;
	[tilespmem:s10+$0x100] =	vst v4  }
0x113: {  	s5 =	simm.s32 $0x6C10;
	s3 =	sand.u32 $0x70, s31;
	s7 =	simm.s32 $0x7C10;
	v6 =	vand.u32 $0x3FFFF, v7;
	v4 =	vmul.f32 v5, v63;
	v5 =	vmul.f32 v14, v63;
	[tilespmem:s11+$0x100] =	vst v62  }
.LBB2_11:
0x114: {  	s17 =	sand.u32 $0x70, s15  }
0x115: {  	s23 =	sadd.s32 s13, s24;
	s30 =	sadd.s32 s13, s26;
	[tilespmem:s10+$0x200] =	vst v6;
	s13 =	smov.u32 s15  }
0x116: {  	s12 =	sadd.s32 $0x10, s15;
	v3 =	vand.u32 $0x3FFFF, v3;
	s23 =	sadd.s32 s3, s23;
	s30 =	sadd.s32 s3, s30;
	[tilespmem:s11+$0x200] =	vst v5  }
0x117: {  	p0 =	sne.s32 s15, $0xF0;
	s3 =	smov.u32 s17;
	[tilespmem:s10+$0x300] =	vst v3;
	s10 =	smov.u32 s5  }
0x118: {  	[tilespmem:s11+$0x300] =	vst v4;
	s11 =	smov.u32 s7  }
0x119: {  	v3 =	vld [tilespmem:s23+$0x0]  }
0x11a: {  	v4 =	vld [tilespmem:s30+$0x2100]  }
0x11b: {  	v5 =	vld [tilespmem:s30+$0x4100];
	_ =	sdelay $0x2  }
0x11c: {  	v3 =	vmul.f32 v2, v3  }
0x11d: {  	v4 =	vmul.f32 v2, v4  }
0x11e: {  	v5 =	vmul.f32 v2, v5;
	v6 =	vtrunc.f32 v3  }
0x11f: {  	v6 =	vcvt.f32.s32 v6;
	v7 =	vtrunc.f32 v4  }
0x120: {  	v7 =	vcvt.f32.s32 v7;
	v8 =	vtrunc.f32 v5  }
0x121: {  	v8 =	vcvt.f32.s32 v8;
	v9 =	vcvt.s32.f32 v6;
	v10 =	vadd.s32 $0x1, v6  }
0x122: {  	v11 =	vcvt.s32.f32 v7;
	v12 =	vadd.s32 $0x1, v7;
	v7 =	vmul.u32 $0x9E3779B1, v7  }
0x123: {  	v9 =	vsub.f32 v3, v9;
	v3 =	vcvt.s32.f32 v8;
	v13 =	vadd.s32 $0x1, v8  }
0x124: {  	v8 =	vmul.u32 $0x30025795, v8;
	v4 =	vsub.f32 v4, v11;
	vm0 =	vlt.s32 v13, v1  }
0x125: {  	v5 =	vsub.f32 v5, v3;
	v3 =	vsel vm0, v13, v1;
	v11 =	vsub.f32 $1.000000000e+00, v9  }
0x126: {  	v14 =	vxor.u32 v6, v7;
	v13 =	vmul.u32 $0x30025795, v3;
	v3 =	vsub.f32 $1.000000000e+00, v4  }
0x127: {  	vm0 =	vlt.s32 v12, v1;
	v15 =	vxor.u32 v8, v14;
	v16 =	vmul.f32 v4, v11  }
0x128: {  	v17 =	vsub.f32 $1.000000000e+00, v5;
	v11 =	vmul.f32 v3, v11;
	v14 =	vxor.u32 v14, v13  }
0x129: {  	v12 =	vsel vm0, v12, v1;
	v15 =	vand.u32 $0x3FFFF, v15;
	v18 =	vmul.f32 v5, v16  }
0x12a: {  	vm0 =	vlt.s32 v10, v1;
	v12 =	vmul.u32 $0x9E3779B1, v12;
	v19 =	vmul.f32 v17, v11;
	[tilespmem:s5+$0xFFFFFC00] =	vst v15  }
0x12b: {  	v10 =	vsel vm0, v10, v1;
	v14 =	vand.u32 $0x3FFFF, v14;
	v11 =	vmul.f32 v11, v5  }
0x12c: {  	v3 =	vmul.f32 v3, v9;
	v6 =	vxor.u32 v6, v12;
	v15 =	vmul.f32 v17, v16;
	[tilespmem:s7+$0xFFFFFC00] =	vst v19  }
0x12d: {  	v12 =	vxor.u32 v10, v12;
	[tilespmem:s5+$0xFFFFFD00] =	vst v14;
	v14 =	vxor.u32 v8, v6;
	v6 =	vxor.u32 v13, v6  }
0x12e: {  	v16 =	vmul.f32 v3, v5;
	[tilespmem:s7+$0xFFFFFD00] =	vst v11;
	v11 =	vand.u32 $0x3FFFF, v14;
	v14 =	vmul.f32 v17, v3  }
0x12f: {  	v7 =	vxor.u32 v7, v10;
	v10 =	vxor.u32 v8, v12;
	v3 =	vxor.u32 v13, v12;
	[tilespmem:s5+$0xFFFFFE00] =	vst v11  }
0x130: {  	v8 =	vxor.u32 v8, v7;
	v7 =	vxor.u32 v7, v13;
	v6 =	vand.u32 $0x3FFFF, v6;
	[tilespmem:s7+$0xFFFFFE00] =	vst v15  }
0x131: {  	[tilespmem:s5+$0xFFFFFF00] =	vst v6;
	v6 =	vand.u32 $0x3FFFF, v8;
	v8 =	vmul.f32 v4, v9  }
.Ltmp4:
0x132: {  	[tilespmem:s7+$0xFFFFFF00] =	vst v18;
	(pc) =	sbr.rel @p0 .LBB2_11-.Ltmp4, $4  }
0x133: {  	[tilespmem:s5+$0x0] =	vst v6;
	v6 =	vand.u32 $0x3FFFF, v7;
	v4 =	vmul.f32 v5, v8  }
0x134: {  	[tilespmem:s7+$0x0] =	vst v14  }
0x135: {  	s13 =	sand.u32 $0x80, s13;
	[tilespmem:s5+$0x100] =	vst v6  }
0x136: {  	s15 =	smov.u32 s12;
	v5 =	vmul.f32 v17, v8;
	s7 =	sadd.s32 $0x10, s7;
	v6 =	vand.u32 $0x3FFFF, v10;
	s5 =	sadd.s32 $0x10, s5;
	[tilespmem:s11+$0x100] =	vst v16  }
0x137: {  	[tilespmem:s10+$0x200] =	vst v6  }
0x138: {  	v3 =	vand.u32 $0x3FFFF, v3;
	[tilespmem:s11+$0x200] =	vst v5  }
0x139: {  	s12 =	sadd.s32 s13, s24;
	[tilespmem:s10+$0x300] =	vst v3  }
0x13a: {  	s17 =	sadd.s32 s13, s26;
	s12 =	sadd.s32 s3, s12;
	[tilespmem:s11+$0x300] =	vst v4  }
0x13b: {  	s23 =	sadd.s32 s3, s17;
	v3 =	vld [tilespmem:s12+$0x0]  }
0x13c: {  	v4 =	vld [tilespmem:s23+$0x2100]  }
0x13d: {  	v5 =	vld [tilespmem:s23+$0x4100];
	_ =	sdelay $0x3  }
0x13e: {  	v3 =	vmul.f32 v2, v3  }
0x13f: {  	v4 =	vmul.f32 v2, v4;
	v2 =	vmul.f32 v2, v5  }
0x140: {  	v5 =	vtrunc.f32 v3  }
0x141: {  	v6 =	vtrunc.f32 v4;
	v7 =	vtrunc.f32 v2  }
0x142: {  	v5 =	vcvt.f32.s32 v5;
	v6 =	vcvt.f32.s32 v6  }
0x143: {  	v7 =	vcvt.f32.s32 v7  }
0x144: {  	v8 =	vcvt.s32.f32 v5;
	v9 =	vcvt.s32.f32 v6  }
0x145: {  	v10 =	vcvt.s32.f32 v7  }
0x146: {  	v11 =	vadd.s32 $0x1, v6;
	v3 =	vsub.f32 v3, v8;
	v4 =	vsub.f32 v4, v9  }
0x147: {  	v6 =	vmul.u32 $0x9E3779B1, v6;
	vm14 =	vlt.s32 v11, v1;
	v2 =	vsub.f32 v2, v10  }
0x148: {  	v8 =	vadd.s32 $0x1, v7;
	v9 =	vsub.f32 $1.000000000e+00, v3;
	v10 =	vsub.f32 $1.000000000e+00, v4  }
0x149: {  	v7 =	vmul.u32 $0x30025795, v7;
	v12 =	vxor.u32 v5, v6;
	vm0 =	vlt.s32 v8, v1  }
0x14a: {  	v8 =	vsel vm0, v8, v1;
	v13 =	vsub.f32 $1.000000000e+00, v2;
	v14 =	vmul.f32 v10, v9  }
0x14b: {  	v11 =	vsel vm14, v11, v1;
	v15 =	vxor.u32 v7, v12;
	v8 =	vmul.u32 $0x30025795, v8  }
0x14c: {  	v11 =	vmul.u32 $0x9E3779B1, v11;
	v15 =	vand.u32 $0x3FFFF, v15;
	v16 =	vmul.f32 v13, v14  }
0x14d: {  	v9 =	vmul.f32 v4, v9;
	[tilespmem:s5+$0xFFFFFC00] =	vst v15;
	v12 =	vxor.u32 v12, v8  }
0x14e: {  	v15 =	vxor.u32 v5, v11;
	v12 =	vand.u32 $0x3FFFF, v12;
	v14 =	vmul.f32 v14, v2;
	[tilespmem:s7+$0xFFFFFC00] =	vst v16  }
0x14f: {  	v5 =	vadd.s32 $0x1, v5;
	[tilespmem:s5+$0xFFFFFD00] =	vst v12;
	v12 =	vxor.u32 v7, v15  }
0x150: {  	vm15 =	vlt.s32 v5, v1;
	v62 =	vmul.f32 v13, v9;
	[tilespmem:s7+$0xFFFFFD00] =	vst v14;
	v12 =	vand.u32 $0x3FFFF, v12  }
0x151: {  	v10 =	vmul.f32 v10, v3;
	v1 =	vsel vm15, v5, v1;
	v5 =	vxor.u32 v8, v15;
	[tilespmem:s5+$0xFFFFFE00] =	vst v12  }
0x152: {  	v9 =	vmul.f32 v2, v9;
	v6 =	vxor.u32 v6, v1;
	v5 =	vand.u32 $0x3FFFF, v5;
	[tilespmem:s7+$0xFFFFFE00] =	vst v62  }
0x153: {  	v12 =	vxor.u32 v7, v6;
	[tilespmem:s5+$0xFFFFFF00] =	vst v5  }
0x154: {  	v12 =	vand.u32 $0x3FFFF, v12;
	v5 =	vmul.f32 v13, v10;
	[tilespmem:s7+$0xFFFFFF00] =	vst v9  }
0x155: {  	v3 =	vmul.f32 v4, v3;
	v6 =	vxor.u32 v6, v8;
	[tilespmem:s5+$0x0] =	vst v12  }
0x156: {  	v1 =	vxor.u32 v1, v11;
	v4 =	vand.u32 $0x3FFFF, v6;
	v9 =	vmul.f32 v10, v2;
	[tilespmem:s7+$0x0] =	vst v5  }
0x157: {  	v5 =	vxor.u32 v7, v1;
	[tilespmem:s5+$0x100] =	vst v4  }
0x158: {  	v4 =	vand.u32 $0x3FFFF, v5;
	v5 =	vmul.f32 v13, v3;
	[tilespmem:s7+$0x100] =	vst v9  }
0x159: {  	v1 =	vxor.u32 v8, v1;
	[tilespmem:s5+$0x200] =	vst v4  }
0x15a: {  	v2 =	vmul.f32 v2, v3;
	v1 =	vand.u32 $0x3FFFF, v1;
	[tilespmem:s7+$0x200] =	vst v5  }
0x15b: {  	[tilespmem:s5+$0x300] =	vst v1  }
0x15c: {  	[tilespmem:s7+$0x300] =	vst v2  }
0x15d: {  	_ =	swait.ge [sflag:s21], $0x800  }
0x15e: {  	[sflag:s21] =	ssyncset.done $0x0  }
0x15f: {  	[sflag:s21] =	ssyncadd.s32 $0xFFFFF800  }
0x160: {  	_ =	swait.ge [sflag:s22], $0x800  }
0x161: {  	[sflag:s22] =	ssyncset.done $0x0  }
0x162: {  	s0 =	simm.s32 $0x6800;
	s2 =	simm.s32 $0x8800;
	[sflag:s22] =	ssyncadd.s32 $0xFFFFF800  }
0x163: {  	[tilespmem:s2], [sflag:$0x3] =	stream.indirect.gather [spmem:s29], $0x1, s0, s6, $0xb8;
	[tilespmem:$0x12500] =	vst v63  }
0x164: {  	s30 =	simm.s32 $0x9800;
	s5 =	simm.s32 $0x0  }
0x165: {  	[tilespmem:s30], [sflag:$0x4] =	stream.indirect.gather [spmem:s16], $0x1, s0, s6, $0xb8;
	[tilespmem:$0x12500] =	vst v63  }
0x166: {  	v1 =	vld [tilespmem:s5+$0x7000]  }
0x167: {  	v2 =	vld [tilespmem:s5+$0x9000]  }
0x168: {  	v10 =	vld [tilespmem:s5+$0x7100]  }
0x169: {  	v3 =	vld [tilespmem:s5+$0x9100]  }
0x16a: {  	v11 =	vld [tilespmem:s5+$0x7200]  }
0x16b: {  	v4 =	vld [tilespmem:s5+$0x9200]  }
0x16c: {  	v14 =	vld [tilespmem:s5+$0x7300];
	v5 =	vmul.f32 v2, v1  }
0x16d: {  	v6 =	vld [tilespmem:s5+$0x9300]  }
0x16e: {  	v8 =	vld [tilespmem:s5+$0x9400];
	v7 =	vmul.f32 v3, v10;
	v5 =	vadd.f32 $0.0e+00, v5  }
0x16f: {  	v2 =	vld [tilespmem:s5+$0x7400]  }
0x170: {  	v9 =	vld [tilespmem:s5+$0x9500];
	v5 =	vadd.f32 v7, v5;
	v7 =	vmul.f32 v4, v11  }
0x171: {  	v3 =	vld [tilespmem:s5+$0x7500]  }
0x172: {  	v12 =	vld [tilespmem:s5+$0x9600];
	v6 =	vmul.f32 v6, v14;
	v7 =	vadd.f32 v7, v5  }
0x173: {  	v4 =	vld [tilespmem:s5+$0x7600]  }
0x174: {  	v5 =	vld [tilespmem:s5+$0x7700];
	v6 =	vadd.f32 v6, v7;
	v7 =	vmul.f32 v8, v2  }
0x175: {  	v8 =	vld [tilespmem:s5+$0x9700]  }
0x176: {  	v13 =	vld [tilespmem:s5+$0x8000];
	v6 =	vadd.f32 v7, v6;
	v7 =	vmul.f32 v9, v3  }
0x177: {  	v15 =	vld [tilespmem:s5+$0x8100]  }
0x178: {  	v63 =	vld [tilespmem:s5+$0x8200];
	v9 =	vmul.f32 v12, v4;
	v6 =	vadd.f32 v7, v6  }
0x179: {  	v17 =	vld [tilespmem:s5+$0x8300]  }
0x17a: {  	v7 =	vld [tilespmem:s5+$0x8400];
	v8 =	vmul.f32 v8, v5;
	v12 =	vadd.f32 v9, v6  }
0x17b: {  	v13 =	vmul.f32 v13, v1;
	v9 =	vld [tilespmem:s5+$0x8500]  }
0x17c: {  	v6 =	vld [tilespmem:s5+$0x8600];
	v18 =	vadd.f32 v8, v12  }
0x17d: {  	s3 =	simm.s32 $0x10;
	v13 =	vadd.f32 $0.0e+00, v13;
	v8 =	vld [tilespmem:s5+$0x8700];
	v12 =	vmul.f32 v15, v10  }
0x17e: {  	s31 =	smov.u32 s29;
	s7 =	simm.s32 $0x80;
	v1 =	vld [tilespmem:s3+$0x7000];
	v11 =	vmul.f32 v63, v11;
	v10 =	vmul.f32 v17, v14;
	[tilespmem:s5+$0xA200] =	vst v18  }
.LBB2_13:
0x17f: {  	p0 =	sne.s32 s7, $0x3C0;
	v14 =	vld [tilespmem:s3+$0x9000];
	v12 =	vadd.f32 v12, v13;
	v2 =	vmul.f32 v7, v2  }
0x180: {  	v13 =	vld [tilespmem:s3+$0x7100];
	v3 =	vmul.f32 v9, v3  }
0x181: {  	v7 =	vld [tilespmem:s3+$0x9100];
	v9 =	vadd.f32 v11, v12;
	v4 =	vmul.f32 v6, v4  }
0x182: {  	v11 =	vld [tilespmem:s3+$0x7200];
	v5 =	vmul.f32 v8, v5  }
0x183: {  	v6 =	vld [tilespmem:s3+$0x9200];
	v8 =	vadd.f32 v10, v9  }
0x184: {  	v9 =	vmul.f32 v14, v1;
	v10 =	vld [tilespmem:s3+$0x7300]  }
0x185: {  	v12 =	vld [tilespmem:s3+$0x9300];
	v8 =	vadd.f32 v2, v8  }
0x186: {  	v9 =	vadd.f32 $0.0e+00, v9;
	v7 =	vmul.f32 v7, v13;
	v2 =	vld [tilespmem:s3+$0x7400]  }
0x187: {  	v14 =	vld [tilespmem:s3+$0x9400];
	v8 =	vadd.f32 v3, v8  }
0x188: {  	v7 =	vadd.f32 v7, v9;
	v6 =	vmul.f32 v6, v11;
	v3 =	vld [tilespmem:s3+$0x7500]  }
0x189: {  	v9 =	vld [tilespmem:s3+$0x9500];
	v8 =	vadd.f32 v4, v8  }
0x18a: {  	v6 =	vadd.f32 v6, v7;
	v7 =	vmul.f32 v12, v10;
	v4 =	vld [tilespmem:s3+$0x7600]  }
0x18b: {  	v12 =	vld [tilespmem:s3+$0x9600];
	v8 =	vadd.f32 v5, v8  }
0x18c: {  	v6 =	vadd.f32 v7, v6;
	v7 =	vmul.f32 v14, v2;
	v5 =	vld [tilespmem:s3+$0x7700]  }
0x18d: {  	v14 =	vld [tilespmem:s3+$0x9700];
	[tilespmem:s5+$0xA000] =	vst v8;
	s5 =	smov.u32 s3  }
0x18e: {  	v8 =	vld [tilespmem:s5+$0x8000];
	v6 =	vadd.f32 v7, v6;
	v7 =	vmul.f32 v9, v3  }
0x18f: {  	v15 =	vld [tilespmem:s5+$0x8100]  }
0x190: {  	v16 =	vld [tilespmem:s5+$0x8200];
	v6 =	vadd.f32 v7, v6;
	v9 =	vmul.f32 v12, v4  }
0x191: {  	v17 =	vld [tilespmem:s5+$0x8300]  }
.Ltmp5:
0x192: {  	v7 =	vld [tilespmem:s5+$0x8400];
	v18 =	vadd.f32 v9, v6;
	v14 =	vmul.f32 v14, v5;
	(pc) =	sbr.rel @p0 .LBB2_13-.Ltmp5, $4  }
0x193: {  	v1 =	vmul.f32 v8, v1;
	v9 =	vld [tilespmem:s5+$0x8500]  }
0x194: {  	v12 =	vmul.f32 v15, v13;
	v6 =	vld [tilespmem:s5+$0x8600];
	v14 =	vadd.f32 v14, v18  }
0x195: {  	s3 =	sshra.s32 s7, $0x2;
	v13 =	vadd.f32 $0.0e+00, v1;
	v11 =	vmul.f32 v16, v11;
	v8 =	vld [tilespmem:s5+$0x8700]  }
0x196: {  	s7 =	sadd.s32 $0x40, s7;
	v1 =	vld [tilespmem:s3+$0x7000];
	v10 =	vmul.f32 v17, v10;
	[tilespmem:s5+$0xA200] =	vst v14  }
0x197: {  	v14 =	vld [tilespmem:s3+$0x9000];
	v12 =	vadd.f32 v12, v13  }
0x198: {  	v31 =	vld [tilespmem:s3+$0x7100]  }
0x199: {  	v15 =	vld [tilespmem:s3+$0x9100];
	v11 =	vadd.f32 v11, v12  }
0x19a: {  	v32 =	vld [tilespmem:s3+$0x7200]  }
0x19b: {  	v16 =	vld [tilespmem:s3+$0x9200];
	v2 =	vmul.f32 v7, v2;
	v7 =	vadd.f32 v10, v11  }
0x19c: {  	v33 =	vld [tilespmem:s3+$0x7300]  }
0x19d: {  	v34 =	vld [tilespmem:s3+$0x9300];
	v3 =	vmul.f32 v9, v3;
	v2 =	vadd.f32 v2, v7  }
0x19e: {  	v35 =	vld [tilespmem:s3+$0x9400]  }
0x19f: {  	v17 =	vld [tilespmem:s3+$0x9700];
	v4 =	vmul.f32 v6, v4;
	v2 =	vadd.f32 v3, v2  }
0x1a0: {  	v6 =	vld [tilespmem:s3+$0x9500]  }
0x1a1: {  	v5 =	vmul.f32 v8, v5;
	v8 =	vld [tilespmem:s3+$0x9600];
	v2 =	vadd.f32 v4, v2  }
0x1a2: {  	v7 =	vld [tilespmem:s3+$0x7400]  }
0x1a3: {  	v3 =	vld [tilespmem:s3+$0x7500];
	v2 =	vadd.f32 v5, v2  }
0x1a4: {  	v4 =	vld [tilespmem:s3+$0x7600]  }
0x1a5: {  	v5 =	vld [tilespmem:s3+$0x7700];
	[tilespmem:s5+$0xA000] =	vst v2  }
0x1a6: {  	v2 =	vld [tilespmem:s3+$0x8000];
	_ =	sdelay $0x1  }
0x1a7: {  	v18 =	vld [tilespmem:s3+$0x8100];
	_ =	sdelay $0x1  }
0x1a8: {  	v14 =	vmul.f32 v14, v1;
	v19 =	vld [tilespmem:s3+$0x8200]  }
0x1a9: {  	v1 =	vmul.f32 v2, v1  }
0x1aa: {  	v36 =	vmul.f32 v15, v31;
	v37 =	vld [tilespmem:s3+$0x8300];
	v2 =	vadd.f32 $0.0e+00, v14  }
0x1ab: {  	v13 =	vmul.f32 v18, v31;
	v1 =	vadd.f32 $0.0e+00, v1  }
0x1ac: {  	v38 =	vmul.f32 v16, v32;
	v39 =	vld [tilespmem:s3+$0x8400];
	v2 =	vadd.f32 v36, v2  }
0x1ad: {  	v12 =	vmul.f32 v19, v32;
	v1 =	vadd.f32 v13, v1  }
0x1ae: {  	v11 =	vmul.f32 v34, v33;
	v40 =	vld [tilespmem:s3+$0x8500];
	v2 =	vadd.f32 v38, v2  }
0x1af: {  	v10 =	vmul.f32 v37, v33;
	v1 =	vadd.f32 v12, v1  }
0x1b0: {  	v9 =	vmul.f32 v35, v7;
	v41 =	vld [tilespmem:s3+$0x8600];
	v2 =	vadd.f32 v11, v2  }
0x1b1: {  	v7 =	vmul.f32 v39, v7;
	v1 =	vadd.f32 v10, v1  }
0x1b2: {  	v6 =	vmul.f32 v6, v3;
	v42 =	vld [tilespmem:s3+$0x8700];
	v2 =	vadd.f32 v9, v2  }
0x1b3: {  	v3 =	vmul.f32 v40, v3;
	v1 =	vadd.f32 v7, v1  }
0x1b4: {  	v2 =	vadd.f32 v6, v2;
	v6 =	vmul.f32 v8, v4  }
0x1b5: {  	v4 =	vmul.f32 v41, v4;
	v1 =	vadd.f32 v3, v1  }
0x1b6: {  	v2 =	vadd.f32 v6, v2;
	v3 =	vmul.f32 v17, v5  }
0x1b7: {  	v5 =	vmul.f32 v42, v5;
	v1 =	vadd.f32 v4, v1  }
0x1b8: {  	v2 =	vadd.f32 v3, v2  }
0x1b9: {  	s13 =	sor.u32 s18, s26;
	s10 =	simm.s32 $0x0;
	v1 =	vadd.f32 v5, v1  }
0x1ba: {  	s0 =	simm.s32 $0xA000;
	s17 =	sor.u32 s20, s26;
	s5 =	sshrl.u32 s13, $0x3;
	[tilespmem:s3+$0xA200] =	vst v2  }
0x1bb: {  	s23 =	simm.s32 $0xA200;
	s15 =	sadd.s32 s8, s5;
	[tilespmem:s3+$0xA000] =	vst v1;
	s3 =	sshrl.u32 s17, $0x3  }
0x1bc: {  	[hbm4b:s15+s10] =	stream.linear.scatter [tilespmem:s0], [sflag:$0x7], $0x100, $0x38;
	[tilespmem:$0x12500] =	vst v63  }
0x1bd: {  	s29 =	sand.u32 $0x80, s10;
	s5 =	sadd.s32 $0x200, s26;
	s3 =	sadd.s32 s8, s3  }
0x1be: {  	[hbm4b:s3+s10] =	stream.linear.scatter [tilespmem:s23], [sflag:$0x7], $0x100, $0x38;
	[tilespmem:$0x12500] =	vst v63  }
0x1bf: {  	s7 =	sadd.s32 $0x2200, s26;
	s11 =	sadd.s32 s29, s5;
	s10 =	sand.u32 $0x70, s10;
	v1 =	vld [tilespmem:s19+$0x12400]  }
0x1c0: {  	s12 =	sadd.s32 s29, s7;
	s26 =	sadd.s32 $0x4200, s26;
	s11 =	sadd.s32 s10, s11  }
0x1c1: {  	s3 =	sadd.s32 s29, s26;
	s12 =	sadd.s32 s10, s12;
	v3 =	vld [tilespmem:s11+$0x0]  }
0x1c2: {  	s3 =	sadd.s32 s10, s3;
	v4 =	vld [tilespmem:s12+$0x0]  }
0x1c3: {  	v5 =	vld [tilespmem:s3+$0x0]  }
0x1c4: {  	v1 =	vadd.s32 $0xFFFFFFFF, v1  }
0x1c5: {  	v2 =	vcvt.s32.f32 v1;
	_ =	sdelay $0x1  }
0x1c6: {  	v3 =	vmul.f32 v2, v3  }
0x1c7: {  	v4 =	vmul.f32 v2, v4;
	v5 =	vmul.f32 v2, v5  }
0x1c8: {  	v6 =	vtrunc.f32 v3  }
0x1c9: {  	v7 =	vtrunc.f32 v4;
	v8 =	vtrunc.f32 v5  }
0x1ca: {  	v6 =	vcvt.f32.s32 v6;
	v7 =	vcvt.f32.s32 v7  }
0x1cb: {  	v8 =	vcvt.f32.s32 v8  }
0x1cc: {  	v43 =	vcvt.s32.f32 v6;
	v44 =	vcvt.s32.f32 v7  }
0x1cd: {  	v45 =	vcvt.s32.f32 v8;
	v46 =	vadd.s32 $0x1, v7  }
0x1ce: {  	v7 =	vmul.u32 $0x9E3779B1, v7;
	v3 =	vsub.f32 v3, v43;
	v4 =	vsub.f32 v4, v44  }
0x1cf: {  	v47 =	vadd.s32 $0x1, v8;
	v8 =	vmul.u32 $0x30025795, v8;
	v5 =	vsub.f32 v5, v45  }
0x1d0: {  	vm0 =	vlt.s32 v47, v1;
	v48 =	vsub.f32 $1.000000000e+00, v3;
	v49 =	vsub.f32 $1.000000000e+00, v4  }
0x1d1: {  	vm14 =	vlt.s32 v46, v1;
	v9 =	vsel vm0, v47, v1;
	v50 =	vxor.u32 v6, v7  }
0x1d2: {  	v12 =	vsel vm14, v46, v1;
	v51 =	vsub.f32 $1.000000000e+00, v5;
	v52 =	vmul.f32 v49, v48  }
0x1d3: {  	v9 =	vmul.u32 $0x30025795, v9;
	v53 =	vxor.u32 v8, v50;
	v12 =	vmul.u32 $0x9E3779B1, v12  }
0x1d4: {  	s12 =	simm.s32 $0x6400;
	v16 =	vand.u32 $0x3FFFF, v53;
	v54 =	vmul.f32 v51, v52  }
0x1d5: {  	s10 =	simm.s32 $0x7400;
	v13 =	vxor.u32 v50, v9;
	[tilespmem:s12+$0xFFFFFC00] =	vst v16;
	v55 =	vxor.u32 v6, v12  }
0x1d6: {  	v10 =	vmul.f32 v4, v48;
	v13 =	vand.u32 $0x3FFFF, v13;
	v15 =	vmul.f32 v52, v5;
	[tilespmem:s10+$0xFFFFFC00] =	vst v54  }
0x1d7: {  	v6 =	vadd.s32 $0x1, v6;
	v56 =	vxor.u32 v8, v55;
	[tilespmem:s12+$0xFFFFFD00] =	vst v13  }
0x1d8: {  	vm15 =	vlt.s32 v6, v1;
	v57 =	vmul.f32 v51, v10;
	v13 =	vand.u32 $0x3FFFF, v56;
	[tilespmem:s10+$0xFFFFFD00] =	vst v15  }
0x1d9: {  	v58 =	vxor.u32 v9, v55;
	v11 =	vmul.f32 v49, v3;
	v6 =	vsel vm15, v6, v1;
	[tilespmem:s12+$0xFFFFFE00] =	vst v13  }
0x1da: {  	v59 =	vand.u32 $0x3FFFF, v58;
	v10 =	vmul.f32 v5, v10;
	v7 =	vxor.u32 v7, v6;
	[tilespmem:s10+$0xFFFFFE00] =	vst v57  }
0x1db: {  	v60 =	vxor.u32 v8, v7;
	[tilespmem:s12+$0xFFFFFF00] =	vst v59  }
0x1dc: {  	v61 =	vmul.f32 v51, v11;
	v15 =	vand.u32 $0x3FFFF, v60;
	[tilespmem:s10+$0xFFFFFF00] =	vst v10  }
0x1dd: {  	v63 =	vmul.f32 v4, v3;
	v7 =	vxor.u32 v7, v9;
	[tilespmem:s12+$0x0] =	vst v15  }
0x1de: {  	s30 =	simm.s32 $0x10;
	v6 =	vxor.u32 v6, v12;
	v62 =	vmul.f32 v11, v5;
	v4 =	vand.u32 $0x3FFFF, v7;
	[tilespmem:s10+$0x0] =	vst v61  }
0x1df: {  	s13 =	simm.s32 $0x20;
	s17 =	sand.u32 $0x80, s30;
	v3 =	vxor.u32 v9, v6;
	v7 =	vxor.u32 v8, v6;
	[tilespmem:s12+$0x100] =	vst v4  }
0x1e0: {  	s23 =	simm.s32 $0x6410;
	s3 =	sand.u32 $0x70, s30;
	s11 =	simm.s32 $0x7410;
	v6 =	vand.u32 $0x3FFFF, v7;
	v4 =	vmul.f32 v5, v63;
	v5 =	vmul.f32 v51, v63;
	[tilespmem:s10+$0x100] =	vst v62  }
.LBB2_15:
0x1e1: {  	s0 =	sand.u32 $0x70, s13  }
0x1e2: {  	s2 =	sadd.s32 s17, s5;
	s29 =	sadd.s32 s17, s7;
	[tilespmem:s12+$0x200] =	vst v6;
	s15 =	smov.u32 s13  }
0x1e3: {  	s30 =	sadd.s32 $0x10, s13;
	v3 =	vand.u32 $0x3FFFF, v3;
	s2 =	sadd.s32 s3, s2;
	s29 =	sadd.s32 s3, s29;
	[tilespmem:s10+$0x200] =	vst v5  }
0x1e4: {  	p0 =	sne.s32 s13, $0xF0;
	s13 =	sadd.s32 s17, s26;
	[tilespmem:s12+$0x300] =	vst v3;
	s12 =	smov.u32 s23  }
0x1e5: {  	s13 =	sadd.s32 s3, s13;
	s3 =	smov.u32 s0;
	[tilespmem:s10+$0x300] =	vst v4;
	s10 =	smov.u32 s11  }
0x1e6: {  	v3 =	vld [tilespmem:s2+$0x0]  }
0x1e7: {  	v4 =	vld [tilespmem:s29+$0x0]  }
0x1e8: {  	v5 =	vld [tilespmem:s13+$0x0];
	_ =	sdelay $0x2  }
0x1e9: {  	v3 =	vmul.f32 v2, v3  }
0x1ea: {  	v4 =	vmul.f32 v2, v4  }
0x1eb: {  	v5 =	vmul.f32 v2, v5;
	v6 =	vtrunc.f32 v3  }
0x1ec: {  	v6 =	vcvt.f32.s32 v6;
	v7 =	vtrunc.f32 v4  }
0x1ed: {  	v7 =	vcvt.f32.s32 v7;
	v8 =	vtrunc.f32 v5  }
0x1ee: {  	v8 =	vcvt.f32.s32 v8;
	v9 =	vcvt.s32.f32 v6;
	v10 =	vadd.s32 $0x1, v6  }
0x1ef: {  	v11 =	vcvt.s32.f32 v7;
	v12 =	vadd.s32 $0x1, v7;
	v7 =	vmul.u32 $0x9E3779B1, v7  }
0x1f0: {  	v9 =	vsub.f32 v3, v9;
	v3 =	vcvt.s32.f32 v8;
	v13 =	vadd.s32 $0x1, v8  }
0x1f1: {  	v8 =	vmul.u32 $0x30025795, v8;
	v4 =	vsub.f32 v4, v11;
	vm0 =	vlt.s32 v13, v1  }
0x1f2: {  	v5 =	vsub.f32 v5, v3;
	v3 =	vsel vm0, v13, v1;
	v11 =	vsub.f32 $1.000000000e+00, v9  }
0x1f3: {  	v14 =	vxor.u32 v6, v7;
	v13 =	vmul.u32 $0x30025795, v3;
	v3 =	vsub.f32 $1.000000000e+00, v4  }
0x1f4: {  	vm0 =	vlt.s32 v12, v1;
	v15 =	vxor.u32 v8, v14;
	v16 =	vmul.f32 v4, v11  }
0x1f5: {  	v17 =	vsub.f32 $1.000000000e+00, v5;
	v11 =	vmul.f32 v3, v11;
	v14 =	vxor.u32 v14, v13  }
0x1f6: {  	v12 =	vsel vm0, v12, v1;
	v15 =	vand.u32 $0x3FFFF, v15;
	v18 =	vmul.f32 v5, v16  }
0x1f7: {  	vm0 =	vlt.s32 v10, v1;
	v12 =	vmul.u32 $0x9E3779B1, v12;
	v19 =	vmul.f32 v17, v11;
	[tilespmem:s23+$0xFFFFFC00] =	vst v15  }
0x1f8: {  	v10 =	vsel vm0, v10, v1;
	v14 =	vand.u32 $0x3FFFF, v14;
	v11 =	vmul.f32 v11, v5  }
0x1f9: {  	v3 =	vmul.f32 v3, v9;
	v6 =	vxor.u32 v6, v12;
	v15 =	vmul.f32 v17, v16;
	[tilespmem:s11+$0xFFFFFC00] =	vst v19  }
0x1fa: {  	v12 =	vxor.u32 v10, v12;
	[tilespmem:s23+$0xFFFFFD00] =	vst v14;
	v14 =	vxor.u32 v8, v6;
	v6 =	vxor.u32 v13, v6  }
0x1fb: {  	v16 =	vmul.f32 v3, v5;
	[tilespmem:s11+$0xFFFFFD00] =	vst v11;
	v11 =	vand.u32 $0x3FFFF, v14;
	v14 =	vmul.f32 v17, v3  }
0x1fc: {  	v7 =	vxor.u32 v7, v10;
	v10 =	vxor.u32 v8, v12;
	v3 =	vxor.u32 v13, v12;
	[tilespmem:s23+$0xFFFFFE00] =	vst v11  }
0x1fd: {  	v8 =	vxor.u32 v8, v7;
	v7 =	vxor.u32 v7, v13;
	v6 =	vand.u32 $0x3FFFF, v6;
	[tilespmem:s11+$0xFFFFFE00] =	vst v15  }
0x1fe: {  	[tilespmem:s23+$0xFFFFFF00] =	vst v6;
	v6 =	vand.u32 $0x3FFFF, v8;
	v8 =	vmul.f32 v4, v9  }
.Ltmp6:
0x1ff: {  	[tilespmem:s11+$0xFFFFFF00] =	vst v18;
	(pc) =	sbr.rel @p0 .LBB2_15-.Ltmp6, $4  }
0x200: {  	[tilespmem:s23+$0x0] =	vst v6;
	v6 =	vand.u32 $0x3FFFF, v7;
	v4 =	vmul.f32 v5, v8  }
0x201: {  	[tilespmem:s11+$0x0] =	vst v14  }
0x202: {  	s17 =	sand.u32 $0x80, s15;
	[tilespmem:s23+$0x100] =	vst v6  }
0x203: {  	s13 =	smov.u32 s30;
	v5 =	vmul.f32 v17, v8;
	s11 =	sadd.s32 $0x10, s11;
	v6 =	vand.u32 $0x3FFFF, v10;
	s23 =	sadd.s32 $0x10, s23;
	[tilespmem:s10+$0x100] =	vst v16  }
0x204: {  	[tilespmem:s12+$0x200] =	vst v6  }
0x205: {  	v3 =	vand.u32 $0x3FFFF, v3;
	[tilespmem:s10+$0x200] =	vst v5  }
0x206: {  	s0 =	sadd.s32 s17, s5;
	[tilespmem:s12+$0x300] =	vst v3  }
0x207: {  	s2 =	sadd.s32 s17, s7;
	s0 =	sadd.s32 s3, s0;
	[tilespmem:s10+$0x300] =	vst v4  }
0x208: {  	s15 =	sadd.s32 s17, s26;
	s2 =	sadd.s32 s3, s2;
	v3 =	vld [tilespmem:s0+$0x0]  }
0x209: {  	s17 =	sadd.s32 s3, s15;
	v4 =	vld [tilespmem:s2+$0x0]  }
0x20a: {  	v5 =	vld [tilespmem:s17+$0x0];
	_ =	sdelay $0x3  }
0x20b: {  	v3 =	vmul.f32 v2, v3  }
0x20c: {  	v4 =	vmul.f32 v2, v4;
	v2 =	vmul.f32 v2, v5  }
0x20d: {  	v5 =	vtrunc.f32 v3  }
0x20e: {  	v6 =	vtrunc.f32 v4;
	v7 =	vtrunc.f32 v2  }
0x20f: {  	v5 =	vcvt.f32.s32 v5;
	v6 =	vcvt.f32.s32 v6  }
0x210: {  	v7 =	vcvt.f32.s32 v7  }
0x211: {  	v8 =	vcvt.s32.f32 v5;
	v9 =	vcvt.s32.f32 v6  }
0x212: {  	v10 =	vcvt.s32.f32 v7  }
0x213: {  	v11 =	vadd.s32 $0x1, v6;
	v3 =	vsub.f32 v3, v8;
	v4 =	vsub.f32 v4, v9  }
0x214: {  	v6 =	vmul.u32 $0x9E3779B1, v6;
	vm14 =	vlt.s32 v11, v1;
	v2 =	vsub.f32 v2, v10  }
0x215: {  	v8 =	vadd.s32 $0x1, v7;
	v9 =	vsub.f32 $1.000000000e+00, v3;
	v10 =	vsub.f32 $1.000000000e+00, v4  }
0x216: {  	v7 =	vmul.u32 $0x30025795, v7;
	v12 =	vxor.u32 v5, v6;
	vm0 =	vlt.s32 v8, v1  }
0x217: {  	v8 =	vsel vm0, v8, v1;
	v13 =	vsub.f32 $1.000000000e+00, v2;
	v14 =	vmul.f32 v10, v9  }
0x218: {  	v11 =	vsel vm14, v11, v1;
	v15 =	vxor.u32 v7, v12;
	v8 =	vmul.u32 $0x30025795, v8  }
0x219: {  	v11 =	vmul.u32 $0x9E3779B1, v11;
	v15 =	vand.u32 $0x3FFFF, v15;
	v16 =	vmul.f32 v13, v14  }
0x21a: {  	v9 =	vmul.f32 v4, v9;
	[tilespmem:s23+$0xFFFFFC00] =	vst v15;
	v12 =	vxor.u32 v12, v8  }
0x21b: {  	v15 =	vxor.u32 v5, v11;
	v12 =	vand.u32 $0x3FFFF, v12;
	v14 =	vmul.f32 v14, v2;
	[tilespmem:s11+$0xFFFFFC00] =	vst v16  }
0x21c: {  	v5 =	vadd.s32 $0x1, v5;
	[tilespmem:s23+$0xFFFFFD00] =	vst v12;
	v12 =	vxor.u32 v7, v15  }
0x21d: {  	vm15 =	vlt.s32 v5, v1;
	v62 =	vmul.f32 v13, v9;
	[tilespmem:s11+$0xFFFFFD00] =	vst v14;
	v12 =	vand.u32 $0x3FFFF, v12  }
0x21e: {  	v10 =	vmul.f32 v10, v3;
	v1 =	vsel vm15, v5, v1;
	v5 =	vxor.u32 v8, v15;
	[tilespmem:s23+$0xFFFFFE00] =	vst v12  }
0x21f: {  	v9 =	vmul.f32 v2, v9;
	v6 =	vxor.u32 v6, v1;
	v5 =	vand.u32 $0x3FFFF, v5;
	[tilespmem:s11+$0xFFFFFE00] =	vst v62  }
0x220: {  	v12 =	vxor.u32 v7, v6;
	[tilespmem:s23+$0xFFFFFF00] =	vst v5  }
0x221: {  	v12 =	vand.u32 $0x3FFFF, v12;
	v5 =	vmul.f32 v13, v10;
	[tilespmem:s11+$0xFFFFFF00] =	vst v9  }
0x222: {  	v3 =	vmul.f32 v4, v3;
	v6 =	vxor.u32 v6, v8;
	[tilespmem:s23+$0x0] =	vst v12  }
0x223: {  	v1 =	vxor.u32 v1, v11;
	v4 =	vand.u32 $0x3FFFF, v6;
	v9 =	vmul.f32 v10, v2;
	[tilespmem:s11+$0x0] =	vst v5  }
0x224: {  	v5 =	vxor.u32 v7, v1;
	[tilespmem:s23+$0x100] =	vst v4  }
0x225: {  	v4 =	vand.u32 $0x3FFFF, v5;
	v5 =	vmul.f32 v13, v3;
	[tilespmem:s11+$0x100] =	vst v9  }
0x226: {  	v1 =	vxor.u32 v8, v1;
	[tilespmem:s23+$0x200] =	vst v4  }
0x227: {  	v2 =	vmul.f32 v2, v3;
	v1 =	vand.u32 $0x3FFFF, v1;
	[tilespmem:s11+$0x200] =	vst v5  }
0x228: {  	[tilespmem:s23+$0x300] =	vst v1  }
0x229: {  	[tilespmem:s11+$0x300] =	vst v2  }
0x22a: {  	_ =	swait.ge [sflag:s1], $0x800  }
0x22b: {  	[sflag:s1] =	ssyncset.done $0x0  }
0x22c: {  	[sflag:s1] =	ssyncadd.s32 $0xFFFFF800  }
0x22d: {  	_ =	swait.ge [sflag:s9], $0x800  }
0x22e: {  	[sflag:s9] =	ssyncset.done $0x0  }
0x22f: {  	s26 =	simm.s32 $0x6000;
	s30 =	simm.s32 $0x8000;
	[sflag:s9] =	ssyncadd.s32 $0xFFFFF800  }
0x230: {  	[tilespmem:s30], [sflag:$0x1] =	stream.indirect.gather [spmem:s31], $0x1, s26, s6, $0xb8;
	[tilespmem:$0x12500] =	vst v63  }
0x231: {  	s29 =	smov.u32 s31;
	s5 =	simm.s32 $0x0;
	s31 =	simm.s32 $0x9000  }
0x232: {  	[tilespmem:s31], [sflag:$0x2] =	stream.indirect.gather [spmem:s16], $0x1, s26, s6, $0xb8;
	[tilespmem:$0x12500] =	vst v63  }
0x233: {  	v1 =	vld [tilespmem:s5+$0x7800]  }
0x234: {  	v2 =	vld [tilespmem:s5+$0x9800]  }
0x235: {  	v10 =	vld [tilespmem:s5+$0x7900]  }
0x236: {  	v3 =	vld [tilespmem:s5+$0x9900]  }
0x237: {  	v11 =	vld [tilespmem:s5+$0x7A00]  }
0x238: {  	v4 =	vld [tilespmem:s5+$0x9A00]  }
0x239: {  	v14 =	vld [tilespmem:s5+$0x7B00];
	v5 =	vmul.f32 v2, v1  }
0x23a: {  	v6 =	vld [tilespmem:s5+$0x9B00]  }
0x23b: {  	v8 =	vld [tilespmem:s5+$0x9C00];
	v7 =	vmul.f32 v3, v10;
	v5 =	vadd.f32 $0.0e+00, v5  }
0x23c: {  	v2 =	vld [tilespmem:s5+$0x7C00]  }
0x23d: {  	v9 =	vld [tilespmem:s5+$0x9D00];
	v5 =	vadd.f32 v7, v5;
	v7 =	vmul.f32 v4, v11  }
0x23e: {  	v3 =	vld [tilespmem:s5+$0x7D00]  }
0x23f: {  	v12 =	vld [tilespmem:s5+$0x9E00];
	v6 =	vmul.f32 v6, v14;
	v7 =	vadd.f32 v7, v5  }
0x240: {  	v4 =	vld [tilespmem:s5+$0x7E00]  }
0x241: {  	v5 =	vld [tilespmem:s5+$0x7F00];
	v6 =	vadd.f32 v6, v7;
	v7 =	vmul.f32 v8, v2  }
0x242: {  	v8 =	vld [tilespmem:s5+$0x9F00]  }
0x243: {  	v13 =	vld [tilespmem:s5+$0x8800];
	v6 =	vadd.f32 v7, v6;
	v7 =	vmul.f32 v9, v3  }
0x244: {  	v15 =	vld [tilespmem:s5+$0x8900]  }
0x245: {  	v63 =	vld [tilespmem:s5+$0x8A00];
	v9 =	vmul.f32 v12, v4;
	v6 =	vadd.f32 v7, v6  }
0x246: {  	v17 =	vld [tilespmem:s5+$0x8B00]  }
0x247: {  	v7 =	vld [tilespmem:s5+$0x8C00];
	v8 =	vmul.f32 v8, v5;
	v12 =	vadd.f32 v9, v6  }
0x248: {  	v13 =	vmul.f32 v13, v1;
	v9 =	vld [tilespmem:s5+$0x8D00]  }
0x249: {  	v6 =	vld [tilespmem:s5+$0x8E00];
	v18 =	vadd.f32 v8, v12  }
0x24a: {  	s3 =	simm.s32 $0x10;
	v13 =	vadd.f32 $0.0e+00, v13;
	v8 =	vld [tilespmem:s5+$0x8F00];
	v12 =	vmul.f32 v15, v10  }
0x24b: {  	s7 =	simm.s32 $0x80;
	s23 =	simm.s32 $0x6000;
	v1 =	vld [tilespmem:s3+$0x7800];
	v11 =	vmul.f32 v63, v11;
	v10 =	vmul.f32 v17, v14;
	[tilespmem:s5+$0xA300] =	vst v18  }
.LBB2_17:
0x24c: {  	p0 =	sne.s32 s7, $0x3C0;
	v14 =	vld [tilespmem:s3+$0x9800];
	v12 =	vadd.f32 v12, v13;
	v2 =	vmul.f32 v7, v2  }
0x24d: {  	v13 =	vld [tilespmem:s3+$0x7900];
	v3 =	vmul.f32 v9, v3  }
0x24e: {  	v7 =	vld [tilespmem:s3+$0x9900];
	v9 =	vadd.f32 v11, v12;
	v4 =	vmul.f32 v6, v4  }
0x24f: {  	v11 =	vld [tilespmem:s3+$0x7A00];
	v5 =	vmul.f32 v8, v5  }
0x250: {  	v6 =	vld [tilespmem:s3+$0x9A00];
	v8 =	vadd.f32 v10, v9  }
0x251: {  	v9 =	vmul.f32 v14, v1;
	v10 =	vld [tilespmem:s3+$0x7B00]  }
0x252: {  	v12 =	vld [tilespmem:s3+$0x9B00];
	v8 =	vadd.f32 v2, v8  }
0x253: {  	v9 =	vadd.f32 $0.0e+00, v9;
	v7 =	vmul.f32 v7, v13;
	v2 =	vld [tilespmem:s3+$0x7C00]  }
0x254: {  	v14 =	vld [tilespmem:s3+$0x9C00];
	v8 =	vadd.f32 v3, v8  }
0x255: {  	v7 =	vadd.f32 v7, v9;
	v6 =	vmul.f32 v6, v11;
	v3 =	vld [tilespmem:s3+$0x7D00]  }
0x256: {  	v9 =	vld [tilespmem:s3+$0x9D00];
	v8 =	vadd.f32 v4, v8  }
0x257: {  	v6 =	vadd.f32 v6, v7;
	v7 =	vmul.f32 v12, v10;
	v4 =	vld [tilespmem:s3+$0x7E00]  }
0x258: {  	v12 =	vld [tilespmem:s3+$0x9E00];
	v8 =	vadd.f32 v5, v8  }
0x259: {  	v6 =	vadd.f32 v7, v6;
	v7 =	vmul.f32 v14, v2;
	v5 =	vld [tilespmem:s3+$0x7F00]  }
0x25a: {  	v14 =	vld [tilespmem:s3+$0x9F00];
	[tilespmem:s5+$0xA100] =	vst v8;
	s5 =	smov.u32 s3  }
0x25b: {  	v8 =	vld [tilespmem:s5+$0x8800];
	v6 =	vadd.f32 v7, v6;
	v7 =	vmul.f32 v9, v3  }
0x25c: {  	v15 =	vld [tilespmem:s5+$0x8900]  }
0x25d: {  	v16 =	vld [tilespmem:s5+$0x8A00];
	v6 =	vadd.f32 v7, v6;
	v9 =	vmul.f32 v12, v4  }
0x25e: {  	v17 =	vld [tilespmem:s5+$0x8B00]  }
.Ltmp7:
0x25f: {  	v7 =	vld [tilespmem:s5+$0x8C00];
	v18 =	vadd.f32 v9, v6;
	v14 =	vmul.f32 v14, v5;
	(pc) =	sbr.rel @p0 .LBB2_17-.Ltmp7, $4  }
0x260: {  	v1 =	vmul.f32 v8, v1;
	v9 =	vld [tilespmem:s5+$0x8D00]  }
0x261: {  	v12 =	vmul.f32 v15, v13;
	v6 =	vld [tilespmem:s5+$0x8E00];
	v14 =	vadd.f32 v14, v18  }
0x262: {  	s3 =	sshra.s32 s7, $0x2;
	v13 =	vadd.f32 $0.0e+00, v1;
	v11 =	vmul.f32 v16, v11;
	v8 =	vld [tilespmem:s5+$0x8F00]  }
0x263: {  	s7 =	sadd.s32 $0x40, s7;
	v1 =	vld [tilespmem:s3+$0x7800];
	v10 =	vmul.f32 v17, v10;
	[tilespmem:s5+$0xA300] =	vst v14  }
0x264: {  	v14 =	vld [tilespmem:s3+$0x9800];
	v12 =	vadd.f32 v12, v13  }
0x265: {  	v45 =	vld [tilespmem:s3+$0x7900]  }
0x266: {  	v15 =	vld [tilespmem:s3+$0x9900];
	v11 =	vadd.f32 v11, v12  }
0x267: {  	v46 =	vld [tilespmem:s3+$0x7A00]  }
0x268: {  	v16 =	vld [tilespmem:s3+$0x9A00];
	v2 =	vmul.f32 v7, v2;
	v47 =	vadd.f32 v10, v11  }
0x269: {  	v48 =	vld [tilespmem:s3+$0x7B00]  }
0x26a: {  	v49 =	vld [tilespmem:s3+$0x9B00];
	v3 =	vmul.f32 v9, v3;
	v2 =	vadd.f32 v2, v47  }
0x26b: {  	v50 =	vld [tilespmem:s3+$0x7C00]  }
0x26c: {  	v51 =	vld [tilespmem:s3+$0x9C00];
	v4 =	vmul.f32 v6, v4;
	v2 =	vadd.f32 v3, v2  }
0x26d: {  	v52 =	vld [tilespmem:s3+$0x9D00]  }
0x26e: {  	v53 =	vld [tilespmem:s3+$0x7E00];
	v5 =	vmul.f32 v8, v5;
	v2 =	vadd.f32 v4, v2  }
0x26f: {  	v54 =	vld [tilespmem:s3+$0x9E00]  }
0x270: {  	v55 =	vld [tilespmem:s3+$0x7F00];
	v2 =	vadd.f32 v5, v2  }
0x271: {  	v17 =	vld [tilespmem:s3+$0x9F00]  }
0x272: {  	v3 =	vld [tilespmem:s3+$0x7D00];
	[tilespmem:s5+$0xA100] =	vst v2  }
0x273: {  	v2 =	vld [tilespmem:s3+$0x8800];
	_ =	sdelay $0x1  }
0x274: {  	v18 =	vld [tilespmem:s3+$0x8900];
	_ =	sdelay $0x1  }
0x275: {  	v14 =	vmul.f32 v14, v1;
	v19 =	vld [tilespmem:s3+$0x8A00]  }
0x276: {  	v1 =	vmul.f32 v2, v1  }
0x277: {  	v56 =	vmul.f32 v15, v45;
	v57 =	vld [tilespmem:s3+$0x8B00];
	v2 =	vadd.f32 $0.0e+00, v14  }
0x278: {  	v13 =	vmul.f32 v18, v45;
	v1 =	vadd.f32 $0.0e+00, v1  }
0x279: {  	v58 =	vmul.f32 v16, v46;
	v59 =	vld [tilespmem:s3+$0x8C00];
	v2 =	vadd.f32 v56, v2  }
0x27a: {  	v12 =	vmul.f32 v19, v46;
	v1 =	vadd.f32 v13, v1  }
0x27b: {  	v11 =	vmul.f32 v49, v48;
	v60 =	vld [tilespmem:s3+$0x8D00];
	v2 =	vadd.f32 v58, v2  }
0x27c: {  	v10 =	vmul.f32 v57, v48;
	v1 =	vadd.f32 v12, v1  }
0x27d: {  	v9 =	vmul.f32 v51, v50;
	v61 =	vld [tilespmem:s3+$0x8E00];
	v2 =	vadd.f32 v11, v2  }
0x27e: {  	v7 =	vmul.f32 v59, v50;
	v1 =	vadd.f32 v10, v1  }
0x27f: {  	v6 =	vmul.f32 v52, v3;
	v62 =	vld [tilespmem:s3+$0x8F00];
	v2 =	vadd.f32 v9, v2  }
0x280: {  	v3 =	vmul.f32 v60, v3;
	v1 =	vadd.f32 v7, v1  }
0x281: {  	v63 =	vmul.f32 v54, v53;
	v2 =	vadd.f32 v6, v2  }
0x282: {  	v4 =	vmul.f32 v61, v53;
	v1 =	vadd.f32 v3, v1  }
0x283: {  	v2 =	vadd.f32 v63, v2;
	v3 =	vmul.f32 v17, v55  }
0x284: {  	v5 =	vmul.f32 v62, v55;
	v1 =	vadd.f32 v4, v1  }
0x285: {  	v2 =	vadd.f32 v3, v2  }
0x286: {  	s0 =	sor.u32 s18, s24;
	v1 =	vadd.f32 v5, v1  }
0x287: {  	s0 =	sshrl.u32 s0, $0x3;
	[tilespmem:s3+$0xA300] =	vst v2  }
0x288: {  	s2 =	simm.s32 $0xA100;
	s30 =	sor.u32 s20, s24;
	s0 =	sadd.s32 s8, s0;
	[tilespmem:s3+$0xA100] =	vst v1  }
0x289: {  	[hbm4b:s0+s4] =	stream.linear.scatter [tilespmem:s2], [sflag:$0x7], $0x100, $0x38;
	[tilespmem:$0x12500] =	vst v63  }
0x28a: {  	s0 =	sshrl.u32 s30, $0x3  }
0x28b: {  	s31 =	simm.s32 $0xA300;
	s0 =	sadd.s32 s8, s0  }
0x28c: {  	[hbm4b:s0+s4] =	stream.linear.scatter [tilespmem:s31], [sflag:$0x7], $0x100, $0x38;
	[tilespmem:$0x12500] =	vst v63  }
0x28d: {  	_ =	swait.ge [sflag:s14], $0x100  }
0x28e: {  	[sflag:s14] =	ssyncset.done $0x0  }
0x28f: {  	[sflag:s14] =	ssyncadd.s32 $0xFFFFFF00  }
0x290: {  	_ =	swait.ge [sflag:s14], $0x100  }
0x291: {  	[sflag:s14] =	ssyncset.done $0x0  }
0x292: {  	s28 =	sadd.s32 $0x1, s28;
	[sflag:s14] =	ssyncadd.s32 $0xFFFFFF00  }
0x293: {  	p0 =	sne.s32 s28, $0xF;
	_ =	swait.ge [sflag:s14], $0x100  }
.Ltmp8:
0x294: {  	[sflag:s14] =	ssyncset.done $0x0;
	(pc) =	sbr.rel @p0 .LBB2_10-.Ltmp8, $4  }
0x295: {  	[sflag:s14] =	ssyncadd.s32 $0xFFFFFF00  }
0x296: {  	_ =	swait.ge [sflag:s14], $0x100  }
0x297: {  	[sflag:s14] =	ssyncset.done $0x0  }
0x298: {  	[sflag:s14] =	ssyncadd.s32 $0xFFFFFF00  }
0x299: {  	v1 =	vld [tilespmem:s19+$0x12400];
	s0 =	simm.s32 $0x0  }
0x29a: {  	s0 =	sand.u32 $0xF0, s0  }
0x29b: {  	v3 =	vld [tilespmem:s0+$0x1F00]  }
0x29c: {  	v4 =	vld [tilespmem:s0+$0x3F00]  }
0x29d: {  	v5 =	vld [tilespmem:s0+$0x5F00]  }
0x29e: {  	v1 =	vadd.s32 $0xFFFFFFFF, v1  }
0x29f: {  	v2 =	vcvt.s32.f32 v1;
	_ =	sdelay $0x1  }
0x2a0: {  	v3 =	vmul.f32 v2, v3  }
0x2a1: {  	v4 =	vmul.f32 v2, v4;
	v5 =	vmul.f32 v2, v5  }
0x2a2: {  	v6 =	vtrunc.f32 v3  }
0x2a3: {  	v7 =	vtrunc.f32 v4;
	v8 =	vtrunc.f32 v5  }
0x2a4: {  	v6 =	vcvt.f32.s32 v6;
	v7 =	vcvt.f32.s32 v7  }
0x2a5: {  	v8 =	vcvt.f32.s32 v8  }
0x2a6: {  	v9 =	vcvt.s32.f32 v6;
	v10 =	vcvt.s32.f32 v7  }
0x2a7: {  	v11 =	vcvt.s32.f32 v8;
	v12 =	vadd.s32 $0x1, v7  }
0x2a8: {  	v7 =	vmul.u32 $0x9E3779B1, v7;
	v3 =	vsub.f32 v3, v9;
	v4 =	vsub.f32 v4, v10  }
0x2a9: {  	v55 =	vadd.s32 $0x1, v8;
	v8 =	vmul.u32 $0x30025795, v8;
	v5 =	vsub.f32 v5, v11  }
0x2aa: {  	vm0 =	vlt.s32 v55, v1;
	v56 =	vsub.f32 $1.000000000e+00, v3;
	v57 =	vsub.f32 $1.000000000e+00, v4  }
0x2ab: {  	vm14 =	vlt.s32 v12, v1;
	v9 =	vsel vm0, v55, v1;
	v13 =	vxor.u32 v6, v7  }
0x2ac: {  	v12 =	vsel vm14, v12, v1;
	v14 =	vsub.f32 $1.000000000e+00, v5;
	v15 =	vmul.f32 v57, v56  }
0x2ad: {  	v16 =	vxor.u32 v8, v13;
	v9 =	vmul.u32 $0x30025795, v9;
	v12 =	vmul.u32 $0x9E3779B1, v12  }
0x2ae: {  	s5 =	simm.s32 $0x6C00;
	v16 =	vand.u32 $0x3FFFF, v16;
	v17 =	vmul.f32 v14, v15  }
0x2af: {  	s7 =	simm.s32 $0x7C00;
	v18 =	vadd.s32 $0x1, v6;
	[tilespmem:s5+$0xFFFFFC00] =	vst v16;
	v13 =	vxor.u32 v13, v9;
	v6 =	vxor.u32 v6, v12  }
0x2b0: {  	v10 =	vmul.f32 v4, v56;
	v13 =	vand.u32 $0x3FFFF, v13;
	v15 =	vmul.f32 v15, v5;
	[tilespmem:s7+$0xFFFFFC00] =	vst v17  }
0x2b1: {  	vm15 =	vlt.s32 v18, v1;
	v58 =	vxor.u32 v8, v6;
	[tilespmem:s5+$0xFFFFFD00] =	vst v13  }
0x2b2: {  	v59 =	vsel vm15, v18, v1;
	v61 =	vand.u32 $0x3FFFF, v58;
	v60 =	vmul.f32 v14, v10;
	[tilespmem:s7+$0xFFFFFD00] =	vst v15  }
0x2b3: {  	v7 =	vxor.u32 v7, v59;
	v6 =	vxor.u32 v9, v6;
	[tilespmem:s5+$0xFFFFFE00] =	vst v61  }
0x2b4: {  	v11 =	vmul.f32 v57, v3;
	v6 =	vand.u32 $0x3FFFF, v6;
	v10 =	vmul.f32 v5, v10;
	[tilespmem:s7+$0xFFFFFE00] =	vst v60  }
0x2b5: {  	v62 =	vxor.u32 v8, v7;
	[tilespmem:s5+$0xFFFFFF00] =	vst v6  }
0x2b6: {  	v63 =	vand.u32 $0x3FFFF, v62;
	v6 =	vmul.f32 v14, v11;
	[tilespmem:s7+$0xFFFFFF00] =	vst v10  }
0x2b7: {  	v7 =	vxor.u32 v7, v9;
	v12 =	vxor.u32 v59, v12;
	[tilespmem:s5+$0x0] =	vst v63  }
0x2b8: {  	v3 =	vmul.f32 v4, v3;
	v4 =	vmul.f32 v11, v5;
	[tilespmem:s7+$0x0] =	vst v6;
	v6 =	vand.u32 $0x3FFFF, v7  }
0x2b9: {  	v7 =	vxor.u32 v8, v12;
	[tilespmem:s5+$0x100] =	vst v6  }
0x2ba: {  	v6 =	vmul.f32 v14, v3;
	[tilespmem:s7+$0x100] =	vst v4;
	v4 =	vand.u32 $0x3FFFF, v7  }
0x2bb: {  	v7 =	vxor.u32 v9, v12;
	[tilespmem:s5+$0x200] =	vst v4  }
0x2bc: {  	s3 =	simm.s32 $0x10;
	s10 =	simm.s32 $0x7C00;
	v3 =	vmul.f32 v5, v3;
	v4 =	vand.u32 $0x3FFFF, v7;
	[tilespmem:s7+$0x200] =	vst v6  }
.LBB2_20:
0x2bd: {  	p0 =	sne.s32 s3, $0xF0;
	[tilespmem:s5+$0x300] =	vst v4;
	s5 =	sadd.s32 $0x10, s5;
	s7 =	sadd.s32 $0x10, s7  }
0x2be: {  	s0 =	sand.u32 $0xF0, s3;
	s3 =	sadd.s32 $0x10, s3;
	[tilespmem:s10+$0x300] =	vst v3;
	s10 =	smov.u32 s7  }
0x2bf: {  	v3 =	vld [tilespmem:s0+$0x1F00]  }
0x2c0: {  	v4 =	vld [tilespmem:s0+$0x3F00]  }
0x2c1: {  	v5 =	vld [tilespmem:s0+$0x5F00];
	_ =	sdelay $0x2  }
0x2c2: {  	v3 =	vmul.f32 v2, v3  }
0x2c3: {  	v4 =	vmul.f32 v2, v4  }
0x2c4: {  	v5 =	vmul.f32 v2, v5;
	v6 =	vtrunc.f32 v3  }
0x2c5: {  	v6 =	vcvt.f32.s32 v6;
	v7 =	vtrunc.f32 v4  }
0x2c6: {  	v7 =	vcvt.f32.s32 v7;
	v8 =	vtrunc.f32 v5  }
0x2c7: {  	v8 =	vcvt.f32.s32 v8;
	v9 =	vcvt.s32.f32 v6;
	v10 =	vadd.s32 $0x1, v6  }
0x2c8: {  	v11 =	vcvt.s32.f32 v7;
	v12 =	vadd.s32 $0x1, v7;
	v7 =	vmul.u32 $0x9E3779B1, v7  }
0x2c9: {  	v3 =	vsub.f32 v3, v9;
	v9 =	vcvt.s32.f32 v8;
	v13 =	vmul.u32 $0x30025795, v8  }
0x2ca: {  	vm0 =	vlt.s32 v10, v1;
	v8 =	vadd.s32 $0x1, v8;
	v4 =	vsub.f32 v4, v11  }
0x2cb: {  	vm1 =	vlt.s32 v8, v1;
	v5 =	vsub.f32 v5, v9;
	v9 =	vsub.f32 $1.000000000e+00, v3  }
0x2cc: {  	v14 =	vxor.u32 v6, v7;
	v8 =	vsel vm1, v8, v1;
	v11 =	vsub.f32 $1.000000000e+00, v4  }
0x2cd: {  	vm1 =	vlt.s32 v12, v1;
	v16 =	vxor.u32 v13, v14;
	v15 =	vsub.f32 $1.000000000e+00, v5  }
0x2ce: {  	v12 =	vsel vm1, v12, v1;
	v16 =	vand.u32 $0x3FFFF, v16;
	v17 =	vmul.f32 v11, v9  }
0x2cf: {  	v8 =	vmul.u32 $0x30025795, v8;
	v12 =	vmul.u32 $0x9E3779B1, v12;
	v9 =	vmul.f32 v4, v9  }
0x2d0: {  	v10 =	vsel vm0, v10, v1;
	v18 =	vmul.f32 v15, v17;
	v17 =	vmul.f32 v17, v5  }
0x2d1: {  	v14 =	vxor.u32 v14, v8;
	v6 =	vxor.u32 v6, v12;
	[tilespmem:s5+$0xFFFFFC00] =	vst v16;
	v16 =	vmul.f32 v15, v9  }
0x2d2: {  	v7 =	vxor.u32 v7, v10;
	v14 =	vand.u32 $0x3FFFF, v14;
	[tilespmem:s7+$0xFFFFFC00] =	vst v18;
	v18 =	vxor.u32 v13, v6  }
0x2d3: {  	v9 =	vmul.f32 v5, v9;
	v6 =	vxor.u32 v8, v6;
	[tilespmem:s5+$0xFFFFFD00] =	vst v14;
	v14 =	vxor.u32 v7, v8  }
0x2d4: {  	v11 =	vmul.f32 v11, v3;
	v10 =	vxor.u32 v10, v12;
	[tilespmem:s7+$0xFFFFFD00] =	vst v17;
	v17 =	vand.u32 $0x3FFFF, v18  }
0x2d5: {  	v4 =	vmul.f32 v4, v3;
	v12 =	vxor.u32 v13, v10;
	v8 =	vxor.u32 v8, v10;
	[tilespmem:s5+$0xFFFFFE00] =	vst v17  }
0x2d6: {  	v3 =	vand.u32 $0x3FFFF, v6;
	v6 =	vxor.u32 v13, v7;
	v7 =	vmul.f32 v15, v11;
	[tilespmem:s7+$0xFFFFFE00] =	vst v16  }
0x2d7: {  	v10 =	vmul.f32 v11, v5;
	[tilespmem:s5+$0xFFFFFF00] =	vst v3;
	v3 =	vmul.f32 v5, v4  }
0x2d8: {  	v5 =	vand.u32 $0x3FFFF, v6;
	[tilespmem:s7+$0xFFFFFF00] =	vst v9  }
0x2d9: {  	[tilespmem:s5+$0x0] =	vst v5  }
.Ltmp9:
0x2da: {  	v5 =	vand.u32 $0x3FFFF, v14;
	[tilespmem:s7+$0x0] =	vst v7;
	(pc) =	sbr.rel @p0 .LBB2_20-.Ltmp9, $4  }
0x2db: {  	[tilespmem:s5+$0x100] =	vst v5  }
0x2dc: {  	v4 =	vmul.f32 v15, v4;
	v5 =	vand.u32 $0x3FFFF, v12;
	[tilespmem:s7+$0x100] =	vst v10  }
0x2dd: {  	[tilespmem:s5+$0x200] =	vst v5  }
0x2de: {  	[tilespmem:s7+$0x200] =	vst v4;
	v4 =	vand.u32 $0x3FFFF, v8  }
0x2df: {  	[tilespmem:s5+$0x300] =	vst v4  }
0x2e0: {  	[tilespmem:s10+$0x300] =	vst v3  }
0x2e1: {  	_ =	swait.ge [sflag:s21], $0x800  }
0x2e2: {  	[sflag:s21] =	ssyncset.done $0x0  }
0x2e3: {  	[sflag:s21] =	ssyncadd.s32 $0xFFFFF800  }
0x2e4: {  	_ =	swait.ge [sflag:s22], $0x800  }
0x2e5: {  	[sflag:s22] =	ssyncset.done $0x0  }
0x2e6: {  	s0 =	simm.s32 $0x6800;
	s2 =	simm.s32 $0x8800;
	[sflag:s22] =	ssyncadd.s32 $0xFFFFF800  }
0x2e7: {  	[tilespmem:s2], [sflag:$0x3] =	stream.indirect.gather [spmem:s29], $0x1, s0, s6, $0xb8;
	[tilespmem:$0x12500] =	vst v63  }
0x2e8: {  	s31 =	simm.s32 $0x9800;
	s5 =	simm.s32 $0x0  }
0x2e9: {  	[tilespmem:s31], [sflag:$0x4] =	stream.indirect.gather [spmem:s16], $0x1, s0, s6, $0xb8;
	[tilespmem:$0x12500] =	vst v63  }
0x2ea: {  	v1 =	vld [tilespmem:s5+$0x7000]  }
0x2eb: {  	v2 =	vld [tilespmem:s5+$0x9000]  }
0x2ec: {  	v10 =	vld [tilespmem:s5+$0x7100]  }
0x2ed: {  	v3 =	vld [tilespmem:s5+$0x9100]  }
0x2ee: {  	v11 =	vld [tilespmem:s5+$0x7200]  }
0x2ef: {  	v4 =	vld [tilespmem:s5+$0x9200]  }
0x2f0: {  	v14 =	vld [tilespmem:s5+$0x7300];
	v5 =	vmul.f32 v2, v1  }
0x2f1: {  	v6 =	vld [tilespmem:s5+$0x9300]  }
0x2f2: {  	v8 =	vld [tilespmem:s5+$0x9400];
	v7 =	vmul.f32 v3, v10;
	v5 =	vadd.f32 $0.0e+00, v5  }
0x2f3: {  	v2 =	vld [tilespmem:s5+$0x7400]  }
0x2f4: {  	v9 =	vld [tilespmem:s5+$0x9500];
	v5 =	vadd.f32 v7, v5;
	v7 =	vmul.f32 v4, v11  }
0x2f5: {  	v3 =	vld [tilespmem:s5+$0x7500]  }
0x2f6: {  	v12 =	vld [tilespmem:s5+$0x9600];
	v6 =	vmul.f32 v6, v14;
	v7 =	vadd.f32 v7, v5  }
0x2f7: {  	v4 =	vld [tilespmem:s5+$0x7600]  }
0x2f8: {  	v5 =	vld [tilespmem:s5+$0x7700];
	v6 =	vadd.f32 v6, v7;
	v7 =	vmul.f32 v8, v2  }
0x2f9: {  	v8 =	vld [tilespmem:s5+$0x9700]  }
0x2fa: {  	v13 =	vld [tilespmem:s5+$0x8000];
	v6 =	vadd.f32 v7, v6;
	v7 =	vmul.f32 v9, v3  }
0x2fb: {  	v15 =	vld [tilespmem:s5+$0x8100]  }
0x2fc: {  	v16 =	vld [tilespmem:s5+$0x8200];
	v9 =	vmul.f32 v12, v4;
	v6 =	vadd.f32 v7, v6  }
0x2fd: {  	v17 =	vld [tilespmem:s5+$0x8300]  }
0x2fe: {  	v7 =	vld [tilespmem:s5+$0x8400];
	v8 =	vmul.f32 v8, v5;
	v12 =	vadd.f32 v9, v6  }
0x2ff: {  	v13 =	vmul.f32 v13, v1;
	v9 =	vld [tilespmem:s5+$0x8500]  }
0x300: {  	v6 =	vld [tilespmem:s5+$0x8600];
	v18 =	vadd.f32 v8, v12  }
0x301: {  	s3 =	simm.s32 $0x10;
	s17 =	rddreg [dreg:$0x6];
	v13 =	vadd.f32 $0.0e+00, v13;
	v8 =	vld [tilespmem:s5+$0x8700];
	v12 =	vmul.f32 v15, v10  }
0x302: {  	s19 =	simm.s32 $0x6800;
	s7 =	simm.s32 $0x80;
	s13 =	rddreg [dreg:$0x15];
	v1 =	vld [tilespmem:s3+$0x7000];
	v11 =	vmul.f32 v16, v11;
	v10 =	vmul.f32 v17, v14;
	[tilespmem:s5+$0xA200] =	vst v18  }
.LBB2_22:
0x303: {  	p0 =	sne.s32 s7, $0x3C0;
	v14 =	vld [tilespmem:s3+$0x9000];
	v12 =	vadd.f32 v12, v13;
	v2 =	vmul.f32 v7, v2  }
0x304: {  	v13 =	vld [tilespmem:s3+$0x7100];
	v3 =	vmul.f32 v9, v3  }
0x305: {  	v7 =	vld [tilespmem:s3+$0x9100];
	v9 =	vadd.f32 v11, v12;
	v4 =	vmul.f32 v6, v4  }
0x306: {  	v11 =	vld [tilespmem:s3+$0x7200];
	v5 =	vmul.f32 v8, v5  }
0x307: {  	v6 =	vld [tilespmem:s3+$0x9200];
	v8 =	vadd.f32 v10, v9  }
0x308: {  	v9 =	vmul.f32 v14, v1;
	v10 =	vld [tilespmem:s3+$0x7300]  }
0x309: {  	v12 =	vld [tilespmem:s3+$0x9300];
	v8 =	vadd.f32 v2, v8  }
0x30a: {  	v9 =	vadd.f32 $0.0e+00, v9;
	v7 =	vmul.f32 v7, v13;
	v2 =	vld [tilespmem:s3+$0x7400]  }
0x30b: {  	v14 =	vld [tilespmem:s3+$0x9400];
	v8 =	vadd.f32 v3, v8  }
0x30c: {  	v7 =	vadd.f32 v7, v9;
	v6 =	vmul.f32 v6, v11;
	v3 =	vld [tilespmem:s3+$0x7500]  }
0x30d: {  	v9 =	vld [tilespmem:s3+$0x9500];
	v8 =	vadd.f32 v4, v8  }
0x30e: {  	v6 =	vadd.f32 v6, v7;
	v7 =	vmul.f32 v12, v10;
	v4 =	vld [tilespmem:s3+$0x7600]  }
0x30f: {  	v12 =	vld [tilespmem:s3+$0x9600];
	v8 =	vadd.f32 v5, v8  }
0x310: {  	v6 =	vadd.f32 v7, v6;
	v7 =	vmul.f32 v14, v2;
	v5 =	vld [tilespmem:s3+$0x7700]  }
0x311: {  	v14 =	vld [tilespmem:s3+$0x9700];
	[tilespmem:s5+$0xA000] =	vst v8;
	s5 =	smov.u32 s3  }
0x312: {  	v8 =	vld [tilespmem:s5+$0x8000];
	v6 =	vadd.f32 v7, v6;
	v7 =	vmul.f32 v9, v3  }
0x313: {  	v15 =	vld [tilespmem:s5+$0x8100]  }
0x314: {  	v16 =	vld [tilespmem:s5+$0x8200];
	v6 =	vadd.f32 v7, v6;
	v9 =	vmul.f32 v12, v4  }
0x315: {  	v17 =	vld [tilespmem:s5+$0x8300]  }
.Ltmp10:
0x316: {  	v7 =	vld [tilespmem:s5+$0x8400];
	v18 =	vadd.f32 v9, v6;
	v14 =	vmul.f32 v14, v5;
	(pc) =	sbr.rel @p0 .LBB2_22-.Ltmp10, $4  }
0x317: {  	v1 =	vmul.f32 v8, v1;
	v9 =	vld [tilespmem:s5+$0x8500]  }
0x318: {  	v12 =	vmul.f32 v15, v13;
	v6 =	vld [tilespmem:s5+$0x8600];
	v14 =	vadd.f32 v14, v18  }
0x319: {  	s3 =	sshra.s32 s7, $0x2;
	v13 =	vadd.f32 $0.0e+00, v1;
	v11 =	vmul.f32 v16, v11;
	v8 =	vld [tilespmem:s5+$0x8700]  }
0x31a: {  	s7 =	sadd.s32 $0x40, s7;
	v1 =	vld [tilespmem:s3+$0x7000];
	v10 =	vmul.f32 v17, v10;
	[tilespmem:s5+$0xA200] =	vst v14  }
0x31b: {  	v14 =	vld [tilespmem:s3+$0x9000];
	v12 =	vadd.f32 v12, v13  }
0x31c: {  	v13 =	vld [tilespmem:s3+$0x7100]  }
0x31d: {  	v15 =	vld [tilespmem:s3+$0x9100];
	v11 =	vadd.f32 v11, v12  }
0x31e: {  	v16 =	vld [tilespmem:s3+$0x9200]  }
0x31f: {  	v2 =	vmul.f32 v7, v2;
	v17 =	vld [tilespmem:s3+$0x9700];
	v7 =	vadd.f32 v10, v11  }
0x320: {  	v3 =	vmul.f32 v9, v3;
	v9 =	vld [tilespmem:s3+$0x9400]  }
0x321: {  	v12 =	vld [tilespmem:s3+$0x7200];
	v2 =	vadd.f32 v2, v7  }
0x322: {  	v4 =	vmul.f32 v6, v4;
	v6 =	vld [tilespmem:s3+$0x9500]  }
0x323: {  	v5 =	vmul.f32 v8, v5;
	v8 =	vld [tilespmem:s3+$0x9600];
	v2 =	vadd.f32 v3, v2  }
0x324: {  	v10 =	vld [tilespmem:s3+$0x7300]  }
0x325: {  	v11 =	vld [tilespmem:s3+$0x9300];
	v2 =	vadd.f32 v4, v2  }
0x326: {  	v7 =	vld [tilespmem:s3+$0x7400]  }
0x327: {  	v3 =	vld [tilespmem:s3+$0x7500];
	v2 =	vadd.f32 v5, v2  }
0x328: {  	v4 =	vld [tilespmem:s3+$0x7600]  }
0x329: {  	v5 =	vld [tilespmem:s3+$0x7700];
	[tilespmem:s5+$0xA000] =	vst v2  }
0x32a: {  	v2 =	vld [tilespmem:s3+$0x8000];
	_ =	sdelay $0x1  }
0x32b: {  	v18 =	vld [tilespmem:s3+$0x8100];
	_ =	sdelay $0x1  }
0x32c: {  	v14 =	vmul.f32 v14, v1;
	v19 =	vld [tilespmem:s3+$0x8200]  }
0x32d: {  	v1 =	vmul.f32 v2, v1  }
0x32e: {  	v2 =	vadd.f32 $0.0e+00, v14;
	v14 =	vmul.f32 v15, v13;
	v15 =	vld [tilespmem:s3+$0x8300]  }
0x32f: {  	v13 =	vmul.f32 v18, v13;
	v1 =	vadd.f32 $0.0e+00, v1  }
0x330: {  	v60 =	vld [tilespmem:s3+$0x8400];
	v2 =	vadd.f32 v14, v2;
	v14 =	vmul.f32 v16, v12  }
0x331: {  	v12 =	vmul.f32 v19, v12;
	v1 =	vadd.f32 v13, v1  }
0x332: {  	v11 =	vmul.f32 v11, v10;
	v2 =	vadd.f32 v14, v2;
	v13 =	vld [tilespmem:s3+$0x8500]  }
0x333: {  	v10 =	vmul.f32 v15, v10;
	v1 =	vadd.f32 v12, v1  }
0x334: {  	v9 =	vmul.f32 v9, v7;
	v2 =	vadd.f32 v11, v2;
	v11 =	vld [tilespmem:s3+$0x8600]  }
0x335: {  	v7 =	vmul.f32 v60, v7;
	v1 =	vadd.f32 v10, v1  }
0x336: {  	v6 =	vmul.f32 v6, v3;
	v2 =	vadd.f32 v9, v2;
	v9 =	vld [tilespmem:s3+$0x8700]  }
0x337: {  	v3 =	vmul.f32 v13, v3;
	v1 =	vadd.f32 v7, v1  }
0x338: {  	v2 =	vadd.f32 v6, v2;
	v6 =	vmul.f32 v8, v4  }
0x339: {  	v4 =	vmul.f32 v11, v4;
	v1 =	vadd.f32 v3, v1  }
0x33a: {  	v2 =	vadd.f32 v6, v2;
	v3 =	vmul.f32 v17, v5  }
0x33b: {  	v5 =	vmul.f32 v9, v5;
	v1 =	vadd.f32 v4, v1  }
0x33c: {  	v2 =	vadd.f32 v3, v2  }
0x33d: {  	v1 =	vadd.f32 v5, v1  }
0x33e: {  	s0 =	rddreg [dreg:$0xe];
	s2 =	simm.s32 $0x0;
	s5 =	sshrl.u32 s18, $0x3;
	[tilespmem:s3+$0xA200] =	vst v2  }
0x33f: {  	s28 =	simm.s32 $0xA000;
	s30 =	rddreg [dreg:$0xf];
	s0 =	sadd.s32 s5, s0;
	[tilespmem:s3+$0xA000] =	vst v1  }
0x340: {  	[hbm4b:s0+s2] =	stream.linear.scatter [tilespmem:s28], [sflag:$0x7], $0x100, $0x38;
	[tilespmem:$0x12500] =	vst v63  }
0x341: {  	s31 =	simm.s32 $0xA200;
	s0 =	sadd.s32 s5, s30  }
0x342: {  	[hbm4b:s0+s2] =	stream.linear.scatter [tilespmem:s31], [sflag:$0x7], $0x100, $0x38;
	[tilespmem:$0x12500] =	vst v63  }
0x343: {  	_ =	swait.ge [sflag:s1], $0x800  }
0x344: {  	[sflag:s1] =	ssyncset.done $0x0  }
0x345: {  	[sflag:s1] =	ssyncadd.s32 $0xFFFFF800  }
0x346: {  	_ =	swait.ge [sflag:s9], $0x800  }
0x347: {  	[sflag:s9] =	ssyncset.done $0x0  }
0x348: {  	s7 =	simm.s32 $0x0;
	[sflag:s9] =	ssyncadd.s32 $0xFFFFF800  }
0x349: {  	v1 =	vld [tilespmem:s7+$0x7800]  }
0x34a: {  	v2 =	vld [tilespmem:s7+$0x9800]  }
0x34b: {  	v10 =	vld [tilespmem:s7+$0x7900]  }
0x34c: {  	v3 =	vld [tilespmem:s7+$0x9900]  }
0x34d: {  	v11 =	vld [tilespmem:s7+$0x7A00]  }
0x34e: {  	v4 =	vld [tilespmem:s7+$0x9A00]  }
0x34f: {  	v14 =	vld [tilespmem:s7+$0x7B00];
	v5 =	vmul.f32 v2, v1  }
0x350: {  	v6 =	vld [tilespmem:s7+$0x9B00]  }
0x351: {  	v8 =	vld [tilespmem:s7+$0x9C00];
	v7 =	vmul.f32 v3, v10;
	v5 =	vadd.f32 $0.0e+00, v5  }
0x352: {  	v2 =	vld [tilespmem:s7+$0x7C00]  }
0x353: {  	v9 =	vld [tilespmem:s7+$0x9D00];
	v5 =	vadd.f32 v7, v5;
	v7 =	vmul.f32 v4, v11  }
0x354: {  	v3 =	vld [tilespmem:s7+$0x7D00]  }
0x355: {  	v12 =	vld [tilespmem:s7+$0x9E00];
	v6 =	vmul.f32 v6, v14;
	v7 =	vadd.f32 v7, v5  }
0x356: {  	v4 =	vld [tilespmem:s7+$0x7E00]  }
0x357: {  	v5 =	vld [tilespmem:s7+$0x7F00];
	v6 =	vadd.f32 v6, v7;
	v7 =	vmul.f32 v8, v2  }
0x358: {  	v8 =	vld [tilespmem:s7+$0x9F00]  }
0x359: {  	v13 =	vld [tilespmem:s7+$0x8800];
	v6 =	vadd.f32 v7, v6;
	v7 =	vmul.f32 v9, v3  }
0x35a: {  	v15 =	vld [tilespmem:s7+$0x8900]  }
0x35b: {  	v61 =	vld [tilespmem:s7+$0x8A00];
	v9 =	vmul.f32 v12, v4;
	v6 =	vadd.f32 v7, v6  }
0x35c: {  	v62 =	vld [tilespmem:s7+$0x8B00]  }
0x35d: {  	v7 =	vld [tilespmem:s7+$0x8C00];
	v8 =	vmul.f32 v8, v5;
	v12 =	vadd.f32 v9, v6  }
0x35e: {  	v13 =	vmul.f32 v13, v1;
	v9 =	vld [tilespmem:s7+$0x8D00]  }
0x35f: {  	v6 =	vld [tilespmem:s7+$0x8E00];
	v63 =	vadd.f32 v8, v12  }
0x360: {  	s3 =	simm.s32 $0x10;
	v13 =	vadd.f32 $0.0e+00, v13;
	v8 =	vld [tilespmem:s7+$0x8F00];
	v12 =	vmul.f32 v15, v10  }
0x361: {  	s10 =	simm.s32 $0x80;
	v1 =	vld [tilespmem:s3+$0x7800];
	v11 =	vmul.f32 v61, v11;
	v10 =	vmul.f32 v62, v14;
	[tilespmem:s7+$0xA300] =	vst v63  }
.LBB2_24:
0x362: {  	p0 =	sne.s32 s10, $0x3C0;
	v14 =	vld [tilespmem:s3+$0x9800];
	v12 =	vadd.f32 v12, v13;
	v2 =	vmul.f32 v7, v2  }
0x363: {  	v13 =	vld [tilespmem:s3+$0x7900];
	v3 =	vmul.f32 v9, v3  }
0x364: {  	v7 =	vld [tilespmem:s3+$0x9900];
	v9 =	vadd.f32 v11, v12;
	v4 =	vmul.f32 v6, v4  }
0x365: {  	v11 =	vld [tilespmem:s3+$0x7A00];
	v5 =	vmul.f32 v8, v5  }
0x366: {  	v6 =	vld [tilespmem:s3+$0x9A00];
	v8 =	vadd.f32 v10, v9  }
0x367: {  	v9 =	vmul.f32 v14, v1;
	v10 =	vld [tilespmem:s3+$0x7B00]  }
0x368: {  	v12 =	vld [tilespmem:s3+$0x9B00];
	v8 =	vadd.f32 v2, v8  }
0x369: {  	v9 =	vadd.f32 $0.0e+00, v9;
	v7 =	vmul.f32 v7, v13;
	v2 =	vld [tilespmem:s3+$0x7C00]  }
0x36a: {  	v14 =	vld [tilespmem:s3+$0x9C00];
	v8 =	vadd.f32 v3, v8  }
0x36b: {  	v7 =	vadd.f32 v7, v9;
	v6 =	vmul.f32 v6, v11;
	v3 =	vld [tilespmem:s3+$0x7D00]  }
0x36c: {  	v9 =	vld [tilespmem:s3+$0x9D00];
	v8 =	vadd.f32 v4, v8  }
0x36d: {  	v6 =	vadd.f32 v6, v7;
	v7 =	vmul.f32 v12, v10;
	v4 =	vld [tilespmem:s3+$0x7E00]  }
0x36e: {  	v12 =	vld [tilespmem:s3+$0x9E00];
	v8 =	vadd.f32 v5, v8  }
0x36f: {  	v6 =	vadd.f32 v7, v6;
	v7 =	vmul.f32 v14, v2;
	v5 =	vld [tilespmem:s3+$0x7F00]  }
0x370: {  	v14 =	vld [tilespmem:s3+$0x9F00];
	[tilespmem:s7+$0xA100] =	vst v8;
	s7 =	smov.u32 s3  }
0x371: {  	v8 =	vld [tilespmem:s7+$0x8800];
	v6 =	vadd.f32 v7, v6;
	v7 =	vmul.f32 v9, v3  }
0x372: {  	v15 =	vld [tilespmem:s7+$0x8900]  }
0x373: {  	v16 =	vld [tilespmem:s7+$0x8A00];
	v6 =	vadd.f32 v7, v6;
	v9 =	vmul.f32 v12, v4  }
0x374: {  	v17 =	vld [tilespmem:s7+$0x8B00]  }
.Ltmp11:
0x375: {  	v7 =	vld [tilespmem:s7+$0x8C00];
	v18 =	vadd.f32 v9, v6;
	v14 =	vmul.f32 v14, v5;
	(pc) =	sbr.rel @p0 .LBB2_24-.Ltmp11, $4  }
0x376: {  	v1 =	vmul.f32 v8, v1;
	v9 =	vld [tilespmem:s7+$0x8D00]  }
0x377: {  	v12 =	vmul.f32 v15, v13;
	v6 =	vld [tilespmem:s7+$0x8E00];
	v14 =	vadd.f32 v14, v18  }
0x378: {  	s3 =	sshra.s32 s10, $0x2;
	v13 =	vadd.f32 $0.0e+00, v1;
	v11 =	vmul.f32 v16, v11;
	v8 =	vld [tilespmem:s7+$0x8F00]  }
0x379: {  	s10 =	sadd.s32 $0x40, s10;
	v1 =	vld [tilespmem:s3+$0x7800];
	v10 =	vmul.f32 v17, v10;
	[tilespmem:s7+$0xA300] =	vst v14  }
0x37a: {  	v14 =	vld [tilespmem:s3+$0x9800];
	v12 =	vadd.f32 v12, v13  }
0x37b: {  	v45 =	vld [tilespmem:s3+$0x7900]  }
0x37c: {  	v15 =	vld [tilespmem:s3+$0x9900];
	v11 =	vadd.f32 v11, v12  }
0x37d: {  	v46 =	vld [tilespmem:s3+$0x7A00]  }
0x37e: {  	v16 =	vld [tilespmem:s3+$0x9A00];
	v2 =	vmul.f32 v7, v2;
	v47 =	vadd.f32 v10, v11  }
0x37f: {  	v48 =	vld [tilespmem:s3+$0x7B00]  }
0x380: {  	v49 =	vld [tilespmem:s3+$0x9B00];
	v3 =	vmul.f32 v9, v3;
	v2 =	vadd.f32 v2, v47  }
0x381: {  	v50 =	vld [tilespmem:s3+$0x7C00]  }
0x382: {  	v51 =	vld [tilespmem:s3+$0x9C00];
	v4 =	vmul.f32 v6, v4;
	v2 =	vadd.f32 v3, v2  }
0x383: {  	v52 =	vld [tilespmem:s3+$0x9D00]  }
0x384: {  	v53 =	vld [tilespmem:s3+$0x7E00];
	v5 =	vmul.f32 v8, v5;
	v2 =	vadd.f32 v4, v2  }
0x385: {  	v54 =	vld [tilespmem:s3+$0x9E00]  }
0x386: {  	v55 =	vld [tilespmem:s3+$0x7F00];
	v2 =	vadd.f32 v5, v2  }
0x387: {  	v17 =	vld [tilespmem:s3+$0x9F00]  }
0x388: {  	v3 =	vld [tilespmem:s3+$0x7D00];
	[tilespmem:s7+$0xA100] =	vst v2  }
0x389: {  	v2 =	vld [tilespmem:s3+$0x8800];
	_ =	sdelay $0x1  }
0x38a: {  	v18 =	vld [tilespmem:s3+$0x8900];
	_ =	sdelay $0x1  }
0x38b: {  	v14 =	vmul.f32 v14, v1;
	v19 =	vld [tilespmem:s3+$0x8A00]  }
0x38c: {  	v1 =	vmul.f32 v2, v1  }
0x38d: {  	v56 =	vmul.f32 v15, v45;
	v57 =	vld [tilespmem:s3+$0x8B00];
	v2 =	vadd.f32 $0.0e+00, v14  }
0x38e: {  	v13 =	vmul.f32 v18, v45;
	v1 =	vadd.f32 $0.0e+00, v1  }
0x38f: {  	v58 =	vmul.f32 v16, v46;
	v59 =	vld [tilespmem:s3+$0x8C00];
	v2 =	vadd.f32 v56, v2  }
0x390: {  	v12 =	vmul.f32 v19, v46;
	v1 =	vadd.f32 v13, v1  }
0x391: {  	v11 =	vmul.f32 v49, v48;
	v60 =	vld [tilespmem:s3+$0x8D00];
	v2 =	vadd.f32 v58, v2  }
0x392: {  	v10 =	vmul.f32 v57, v48;
	v1 =	vadd.f32 v12, v1  }
0x393: {  	v9 =	vmul.f32 v51, v50;
	v61 =	vld [tilespmem:s3+$0x8E00];
	v2 =	vadd.f32 v11, v2  }
0x394: {  	v7 =	vmul.f32 v59, v50;
	v1 =	vadd.f32 v10, v1  }
0x395: {  	v6 =	vmul.f32 v52, v3;
	v62 =	vld [tilespmem:s3+$0x8F00];
	v2 =	vadd.f32 v9, v2  }
0x396: {  	v3 =	vmul.f32 v60, v3;
	v1 =	vadd.f32 v7, v1  }
0x397: {  	v63 =	vmul.f32 v54, v53;
	v2 =	vadd.f32 v6, v2  }
0x398: {  	v4 =	vmul.f32 v61, v53;
	v1 =	vadd.f32 v3, v1  }
0x399: {  	v2 =	vadd.f32 v63, v2;
	v3 =	vmul.f32 v17, v55  }
0x39a: {  	v5 =	vmul.f32 v62, v55;
	v1 =	vadd.f32 v4, v1  }
0x39b: {  	v2 =	vadd.f32 v3, v2  }
0x39c: {  	v1 =	vadd.f32 v5, v1  }
0x39d: {  	s0 =	rddreg [dreg:$0x10];
	[tilespmem:s3+$0xA300] =	vst v2  }
0x39e: {  	s2 =	simm.s32 $0xA100;
	s30 =	rddreg [dreg:$0x11];
	s0 =	sadd.s32 s5, s0;
	[tilespmem:s3+$0xA100] =	vst v1  }
0x39f: {  	[hbm4b:s0+s4] =	stream.linear.scatter [tilespmem:s2], [sflag:$0x7], $0x100, $0x38;
	[tilespmem:$0x12500] =	vst v63  }
0x3a0: {  	s31 =	simm.s32 $0xA300;
	s0 =	sadd.s32 s5, s30  }
0x3a1: {  	[hbm4b:s0+s4] =	stream.linear.scatter [tilespmem:s31], [sflag:$0x7], $0x100, $0x38;
	[tilespmem:$0x12500] =	vst v63  }
0x3a2: {  	_ =	swait.ge [sflag:s14], $0x100  }
0x3a3: {  	[sflag:s14] =	ssyncset.done $0x0  }
0x3a4: {  	[sflag:s14] =	ssyncadd.s32 $0xFFFFFF00  }
0x3a5: {  	_ =	swait.ge [sflag:s14], $0x100  }
0x3a6: {  	[sflag:s14] =	ssyncset.done $0x0  }
0x3a7: {  	s13 =	sadd.s32 $0x1, s13;
	[sflag:s14] =	ssyncadd.s32 $0xFFFFFF00  }
0x3a8: {  	p0 =	sne.s32 s13, $0x10;
	_ =	swait.ge [sflag:s14], $0x100  }
.Ltmp12:
0x3a9: {  	[sflag:s14] =	ssyncset.done $0x0;
	(pc) =	sbr.rel @p0 .LBB2_7-.Ltmp12, $4  }
0x3aa: {  	[sflag:s14] =	ssyncadd.s32 $0xFFFFFF00  }
0x3ab: {  	_ =	swait.ge [sflag:s14], $0x100  }
0x3ac: {  	[sflag:s14] =	ssyncset.done $0x0  }
0x3ad: {  	[sflag:s14] =	ssyncadd.s32 $0xFFFFFF00  }
0x3ae: {  	s2 =	rddreg [dreg:$0x14]  }
0x3af: {  	s0 =	rddreg [dreg:$0x12];
	s2 =	sadd.s32 $0x1, s2  }
0x3b0: {  	p0 =	sne.s32 s2, s0  }
.Ltmp13:
0x3b1: {  	_ = 	snop;
	(pc) =	sbr.rel @p0 .LBB2_1-.Ltmp13, $1  }
0x3b2: {  	_ =	sdelay $0x3  }
0x3b3: {  	_ =	sfence.sel $0x180000  }
0x3b4: {  	[bflag:$0x0] =	sbarrier.arrive $0xFFFF  }
0x3b5: {  	_ =	strace $0x90000047  }
0x3b6: {  	s0 =	stileid.u32;
	[bflag:$0x2] =	sbarrier.arrive $0xFFFF  }
0x3b7: {  	p0 =	sne.s32 s0, $0x0;
	s0 =	rddreg [dreg:$0x3]  }
0x3b8: {  	s0 =	sadd.s32 @!p0 $0x100000, s0  }
0x3b9: {  	[sflag:s0] =	ssyncadd.tile.s32 @!p0 $0x1;
	_ =	shalt  }
.Lfunc_end2:
_tile_overlayer_lowered:
.L_overlay_start_2:
0x3ba: {  	(tag) =	ssettag $0x2  }
0x3bb: {  	s0 =	rddreg [dreg:$0x0];
	s2 =	stileid.u32  }
0x3bc: {  	s1 =	rddreg [dreg:$0x1];
	p0 =	sne.s32 s2, $0x0  }
0x3bd: {  	s3 =	rddreg [dreg:$0x2];
	[bflag:$0x3] =	sbarrier.arrive $0xFFFF;
	s2 =	simm.s32 @!p0 $0x1C08  }
0x3be: {  	[timem:s3], [sflag:s2] =	dma.local @!p0 [hbm:s0], s1  }
0x3bf: {  	s0 =	simm.s32 @!p0 $0x8  }
0x3c0: {  	_ =	swait.ge @!p0 [sflag:s0], s1  }
0x3c1: {  	s1 =	ssub.s32 @!p0 $0x0, s1;
	[sflag:s0] =	ssyncset.done @!p0 $0x0  }
0x3c2: {  	[sflag:s0] =	ssyncadd.s32 @!p0 s1  }
0x3c3: {  	[bflag:$0x3] =	sbarrier.arrive $0xFFFF  }
0x3c4: {  	_ =	shalt  }

</sc_bundles>
